<compile_context>
chip_gen: v7x
topology: tpu7x:2x2x1
jax: 0.10.2.dev20260603
libtpu: 0.0.44.dev20260713+nightly
codegen_flags: <defaults>
</compile_context>

<pallas_src>
import functools

import jax
import jax.numpy as jnp
from jax import lax
from jax.experimental import pallas as pl
from jax.experimental.pallas import tpu as pltpu
from jax.experimental.pallas import tpu_sc as plsc

N = 10000
NP = 10112
DF = 128
B = 4096
NC, NS = 2, 16
NW = NC * NS
CH = 128
NCHUNK = 80
EPT = NCHUNK * CH
EP = NW * EPT
RPT = NP // NS
GPT = 2 * B // NW
GCH = GPT // CH

@functools.lru_cache(maxsize=None)
def _mesh():
    return plsc.VectorSubcoreMesh(
        core_axis_name="c", subcore_axis_name="s",
        num_cores=NC, num_subcores=NS)



def _deg_body(dsts, zer, out, dst_i, degloc):
    c = lax.axis_index("c")
    s = lax.axis_index("s")
    wid = c * NS + s
    pltpu.sync_copy(zer, degloc)
    pltpu.sync_copy(dsts.at[wid], dst_i)
    ones = jnp.ones((16,), jnp.float32)
    nstep = EPT // 16

    def step(i, carry):
        idx = dst_i[pl.ds(i * 16, 16)]
        plsc.addupdate_scatter(degloc, [idx], ones)
        return carry

    lax.fori_loop(0, nstep, step, 0)
    pltpu.sync_copy(degloc, out.at[wid])


@functools.lru_cache(maxsize=None)
def _sc_deg_k():
  return pl.kernel(
    _deg_body,
    out_type=jax.ShapeDtypeStruct((NW, NP), jnp.float32),
    mesh=_mesh(),
    scratch_types=[
        pltpu.VMEM((EPT,), jnp.int32),
        pltpu.VMEM((NP,), jnp.float32),
    ],
    compiler_params=pltpu.CompilerParams(needs_layout_passes=False),
  )


def _sc_deg(dsts_flat, zer_np):
    return _sc_deg_k()(dsts_flat, zer_np)


def _spmv_body(v_hbm, srcs, dsts, zer, out, src_i, dst_i, rows, acc,
               sem0, sem1):
    c = lax.axis_index("c")
    s = lax.axis_index("s")
    wid = c * NS + s
    pltpu.sync_copy(zer, acc.at[pl.ds(s * RPT, RPT)])
    plsc.subcore_barrier()

    sems = (sem0, sem1)
    HB = NCHUNK // 2
    for h in range(2):
        pltpu.sync_copy(srcs.at[wid, pl.ds(h * HB, HB)], src_i)
        pltpu.sync_copy(dsts.at[wid, pl.ds(h * HB, HB)], dst_i)
        pltpu.async_copy(v_hbm.at[src_i.at[0]], rows.at[0], sem0)
        pltpu.async_copy(v_hbm.at[src_i.at[1]], rows.at[1], sem1)

        def chunk(jj, carry):
            for b in range(2):
                j = jj * 2 + b
                pltpu.make_async_copy(v_hbm.at[src_i.at[j]], rows.at[b],
                                      sems[b]).wait()
                pltpu.sync_copy(rows.at[b], acc.at[dst_i.at[j]], add=True)

                @pl.when(j + 2 < HB)
                def _():
                    pltpu.async_copy(v_hbm.at[src_i.at[j + 2]], rows.at[b],
                                     sems[b])
            return carry

        lax.fori_loop(0, HB // 2, chunk, 0)
    plsc.subcore_barrier()
    pltpu.sync_copy(acc.at[pl.ds(s * RPT, RPT)], out.at[c, pl.ds(s * RPT, RPT)])


@functools.lru_cache(maxsize=None)
def _sc_spmv_k():
  return pl.kernel(
    _spmv_body,
    out_type=jax.ShapeDtypeStruct((NC, NP, DF), jnp.float32),
    mesh=_mesh(),
    scratch_types=[
        pltpu.VMEM((NCHUNK // 2, CH), jnp.int32),
        pltpu.VMEM((NCHUNK // 2, CH), jnp.int32),
        pltpu.VMEM((2, CH, DF), jnp.float32),
        pltpu.VMEM_SHARED((NP, DF), jnp.float32),
        pltpu.SemaphoreType.DMA,
        pltpu.SemaphoreType.DMA,
    ],
  )


def _sc_spmv(v, srcs, dsts, zer):
    return _sc_spmv_k()(v, srcs, dsts, zer)


def _gather_body(q_hbm, idx_h, out, idx_v, rows, sem):
    c = lax.axis_index("c")
    s = lax.axis_index("s")
    wid = c * NS + s
    pltpu.sync_copy(idx_h.at[wid], idx_v)
    for j in range(GCH):
        pltpu.async_copy(q_hbm.at[idx_v.at[j]], rows, sem).wait()
        pltpu.sync_copy(rows, out.at[pl.ds(wid * GPT + j * CH, CH)])


@functools.lru_cache(maxsize=None)
def _sc_gather_k():
  return pl.kernel(
    _gather_body,
    out_type=jax.ShapeDtypeStruct((2 * B, DF), jnp.float32),
    mesh=_mesh(),
    scratch_types=[
        pltpu.VMEM((GCH, CH), jnp.int32),
        pltpu.VMEM((CH, DF), jnp.float32),
        pltpu.SemaphoreType.DMA,
    ],
  )


def _sc_gather(q, gidx):
    return _sc_gather_k()(q, gidx)



def _dis_col(dp):
    ones32 = jnp.ones((NW, 1), jnp.float32)
    deg = lax.dot_general(dp[...], ones32, (((0,), (0,)), ((), ())),
                          preferred_element_type=jnp.float32) + 1.0
    return lax.rsqrt(deg)


def _tc1_body(x_ref, w_ref, dp_ref, v1_ref):
    dis = _dis_col(dp_ref)
    u = jnp.dot(x_ref[...], w_ref[...], preferred_element_type=jnp.float32)
    v1_ref[...] = u * dis


def _tc1(xp, w1c, dp):
    return pl.pallas_call(
        _tc1_body,
        out_shape=jax.ShapeDtypeStruct((NP, DF), jnp.float32),
    )(xp, w1c, dp)


def _tc2_body(s1a, s1b, v1, dp, gac, btc, w2, v2s):
    dis = _dis_col(dp)
    p = (s1a[...] + s1b[...] + v1[...]) * dis
    m = jnp.sum(p, axis=0, keepdims=True) * (1.0 / N)
    v = jnp.sum(p * p, axis=0, keepdims=True) * (1.0 / N) - m * m
    h = jnp.maximum(gac[...] * (p - m) * lax.rsqrt(v + 1e-5) + btc[...], 0.0)
    v2 = jnp.dot(h, w2[...], preferred_element_type=jnp.float32)
    mask = lax.broadcasted_iota(jnp.int32, (NP, 1), 0) < N
    v2s[...] = jnp.where(mask, v2 * dis, 0.0)


def _tc2(s1a, s1b, v1, dp, gac, btc, w2blk):
    return pl.pallas_call(
        _tc2_body,
        out_shape=jax.ShapeDtypeStruct((NP, DF), jnp.float32),
    )(s1a, s1b, v1, dp, gac, btc, w2blk)


def _tc25_body(s2a, s2b, v2s, dp, qnb):
    dis = _dis_col(dp)
    qnb[...] = (s2a[...] + s2b[...] + v2s[...]) * dis


def _tc25(s2a, s2b, v2s, dp):
    return pl.pallas_call(
        _tc25_body,
        out_shape=jax.ShapeDtypeStruct((NP, DF), jnp.float32),
    )(s2a, s2b, v2s, dp)


def _tc3_body(g, b2g, b2s, wh1, ws1, ws2, wc, bc, wp, bp, link, gen):
    gu = g[0:B, :]
    gi = g[B:2 * B, :]
    genf = jnp.concatenate([gu[:, :64], gi[:, :64]], axis=1) + b2g[...]
    specf = jnp.concatenate([gu[:, 64:], gi[:, 64:]], axis=1) + b2s[...]
    h1 = jnp.tanh(jnp.dot(genf, wh1[...], preferred_element_type=jnp.float32))
    h2 = jnp.tanh(jnp.dot(specf, wh1[...], preferred_element_type=jnp.float32))
    zl = (jnp.dot(h1, ws1[...], preferred_element_type=jnp.float32)
          + jnp.dot(h2, ws2[...], preferred_element_type=jnp.float32))
    z = jax.nn.sigmoid(zl)
    fused = z * h1 + (1.0 - z) * h2
    gen[...] = jnp.dot(genf, wc[...], preferred_element_type=jnp.float32) + bc[...]
    link[...] = jnp.dot(fused, wp[...], preferred_element_type=jnp.float32) + bp[...]


def _tc3(g, b2g, b2s, wh1, ws1, ws2, wc, bc, wp, bp):
    return pl.pallas_call(
        _tc3_body,
        out_shape=(
            jax.ShapeDtypeStruct((B, 2), jnp.float32),
            jax.ShapeDtypeStruct((B, 4), jnp.float32),
        ),
    )(g, b2g, b2s, wh1, ws1, ws2, wc, bc, wp, bp)



def kernel(x, edge_index, users_tensor, items_tensor, W1a, b1a, ga, bta,
           W2a, b2a, W1b, b1b, gb, btb, W2b, b2b, Wh1, Wh2, Ws, Wc, bc,
           Wp, bp):
    f32 = jnp.float32
    e = edge_index.shape[1]
    padi = N + (jnp.arange(EP - e, dtype=jnp.int32) % (NP - N))
    srcs = jnp.concatenate([edge_index[0], padi]).reshape(NW, NCHUNK, CH)
    dsts = jnp.concatenate([edge_index[1], padi]).reshape(NW, NCHUNK, CH)
    xp = jnp.zeros((NP, DF), f32).at[:N, :].set(x)
    zer128 = jnp.zeros((RPT, DF), f32)
    zer_np = jnp.zeros((NP,), f32)

    dp = _sc_deg(dsts.reshape(NW, EPT), zer_np)

    w1c = jnp.concatenate([W1a, W1b], axis=1)
    v1 = _tc1(xp, w1c, dp)

    s1 = _sc_spmv(v1, srcs, dsts, zer128)

    z64 = jnp.zeros((64, 64), f32)
    w2blk = jnp.concatenate(
        [jnp.concatenate([W2a, z64], axis=1),
         jnp.concatenate([z64, W2b], axis=1)], axis=0)
    gac = jnp.concatenate([ga, gb]).reshape(1, DF)
    btc = jnp.concatenate([bta, btb]).reshape(1, DF)
    v2s = _tc2(s1[0], s1[1], v1, dp, gac, btc, w2blk)

    s2 = _sc_spmv(v2s, srcs, dsts, zer128)

    qnb = _tc25(s2[0], s2[1], v2s, dp)

    gidx = jnp.concatenate([users_tensor, items_tensor]).reshape(NW, GCH, CH)
    g = _sc_gather(qnb, gidx)

    b2g = jnp.concatenate([b2a, b2a]).reshape(1, DF)
    b2s = jnp.concatenate([b2b, b2b]).reshape(1, DF)
    link_out, gen_out = _tc3(
        g, b2g, b2s, Wh1, Ws[:DF, :], Ws[DF:, :], Wc, bc.reshape(1, 4),
        Wp, bp.reshape(1, 2))
    return (link_out, gen_out)

# --- scband reference (transcript-rebuilt; emitter-appended) ---
"""Pipeline reference for scband-ammn-net-49624052138586 (READ-ONLY COPY).

The authoritative reference and input builder live on the scoring server;
editing this copy changes nothing except your own understanding.
"""

import jax, jax.numpy as jnp
import numpy as np

N = 10000
E = 320000
DF = 128
DH = 64
DO = 64
ED = 128
B = 4096
MC = 4


def setup_inputs(seed: int = 0):
    key = jax.random.key(seed)
    ks = jax.random.split(key, 16)
    s = 0.05
    inp = {}
    inp["x"] = jax.random.normal(ks[0], (N, DF), jnp.float32)
    inp["edge_index"] = jax.random.randint(ks[1], (2, E), 0, N, dtype=jnp.int32)
    inp["users_tensor"] = jax.random.randint(ks[2], (B,), 0, N, dtype=jnp.int32)
    inp["items_tensor"] = jax.random.randint(ks[3], (B,), 0, N, dtype=jnp.int32)
    inp["W1a"] = jax.random.normal(ks[4], (DF, DH), jnp.float32) * s
    inp["b1a"] = jnp.zeros((DH,), jnp.float32)
    inp["ga"] = jnp.ones((DH,), jnp.float32)
    inp["bta"] = jnp.zeros((DH,), jnp.float32)
    inp["W2a"] = jax.random.normal(ks[5], (DH, DO), jnp.float32) * s
    inp["b2a"] = jnp.zeros((DO,), jnp.float32)
    inp["W1b"] = jax.random.normal(ks[6], (DF, DH), jnp.float32) * s
    inp["b1b"] = jnp.zeros((DH,), jnp.float32)
    inp["gb"] = jnp.ones((DH,), jnp.float32)
    inp["btb"] = jnp.zeros((DH,), jnp.float32)
    inp["W2b"] = jax.random.normal(ks[7], (DH, DO), jnp.float32) * s
    inp["b2b"] = jnp.zeros((DO,), jnp.float32)
    inp["Wh1"] = jax.random.normal(ks[8], (ED, ED), jnp.float32) * s
    inp["Wh2"] = jax.random.normal(ks[9], (ED, ED), jnp.float32) * s
    inp["Ws"] = jax.random.normal(ks[10], (2 * ED, 1), jnp.float32) * s
    inp["Wc"] = jax.random.normal(ks[11], (ED, MC), jnp.float32) * s
    inp["bc"] = jnp.zeros((MC,), jnp.float32)
    inp["Wp"] = jax.random.normal(ks[12], (ED, 2), jnp.float32) * s
    inp["bp"] = jnp.zeros((2,), jnp.float32)
    return inp


def _gcn_conv(h, src, dst, coef, W, b, n):
    m = (h @ W)[src] * coef
    out = jnp.zeros((n, W.shape[1]), h.dtype).at[dst].add(m)
    return out + b


def _bn(h, g, bt):
    m = jnp.mean(h, axis=0)
    v = jnp.var(h, axis=0)
    return g * (h - m) / jnp.sqrt(v + 1e-5) + bt


def _gcn_net(x, src, dst, coef, W1, b1, g, bt, W2, b2):
    n = x.shape[0]
    h = _gcn_conv(x, src, dst, coef, W1, b1, n)
    h = _bn(h, g, bt)
    h = jax.nn.relu(h)
    return _gcn_conv(h, src, dst, coef, W2, b2, n)


def reference(x, edge_index, users_tensor, items_tensor, W1a, b1a, ga, bta, W2a, b2a, W1b, b1b, gb, btb, W2b, b2b, Wh1, Wh2, Ws, Wc, bc, Wp, bp):
    n = x.shape[0]
    loop = jnp.arange(n, dtype=edge_index.dtype)
    src = jnp.concatenate([edge_index[0], loop])
    dst = jnp.concatenate([edge_index[1], loop])
    deg = jnp.zeros((n,), x.dtype).at[dst].add(1.0)
    dis = jnp.where(deg > 0, 1.0 / jnp.sqrt(deg), 0.0)
    coef = (dis[src] * dis[dst])[:, None]
    ng = _gcn_net(x, src, dst, coef, W1a, b1a, ga, bta, W2a, b2a)
    gen_feat = jnp.concatenate([ng[users_tensor], ng[items_tensor]], axis=1)
    ns = _gcn_net(x, src, dst, coef, W1b, b1b, gb, btb, W2b, b2b)
    spec_feat = jnp.concatenate([ns[users_tensor], ns[items_tensor]], axis=1)
    h1 = jnp.tanh(gen_feat @ Wh1)
    h2 = jnp.tanh(spec_feat @ Wh1)
    z = jax.nn.sigmoid(jnp.concatenate([h1, h2], axis=1) @ Ws)
    fused = z * h1 + (1.0 - z) * h2
    gen_out = gen_feat @ Wc + bc
    link_out = fused @ Wp + bp
    return (link_out, gen_out)

if __name__ == "__main__":
    import jax
    _d = setup_inputs()
    print(jax.jit(kernel)(*tuple(_d.values())))

</pallas_src>

<mosaic_0001>
#map = affine_map<(d0, d1) -> (0, 0)>
#map1 = affine_map<(d0, d1) -> (0)>
module attributes {stable_mosaic.version = 14 : i64} {
  func.func @_deg_body(%arg0: i32, %arg1: i32, %arg2: memref<32x10240xi32, #tpu.memory_space<hbm>>, %arg3: memref<10112xf32, #tpu.memory_space<hbm>>, %arg4: memref<32x10112xf32, #tpu.memory_space<hbm>>, %arg5: memref<10240xi32, #tpu.memory_space<vmem>>, %arg6: memref<10112xf32, #tpu.memory_space<vmem>>) attributes {dimension_semantics = [#tpu.dimension_semantics<core_parallel>, #tpu.dimension_semantics<subcore_parallel>], iteration_bounds = array<i64: 2, 16>, scalar_prefetch = 0 : i64, scratch_operands = 2 : i64, tpu.core_type = #tpu.core_type<sc_vector_subcore>, window_params = [{transform_indices = #map}, {transform_indices = #map1}, {transform_indices = #map}]} {
    %mul3A = arith.constant 16 : i32
    %mul3A_0 = arith.muli %arg0, %mul3A : i32
    %add3A = arith.addi %mul3A_0, %arg1 : i32
    "tpu.region"() ({
      %run_scoped3A = tpu.sem_alloc : memref<!tpu.dma_semaphore, #tpu.memory_space<semaphore_mem>>
      tpu.enqueue_dma source(%arg3 : memref<10112xf32, #tpu.memory_space<hbm>>) target(%arg6 : memref<10112xf32, #tpu.memory_space<vmem>>) target_semaphore(%run_scoped3A : memref<!tpu.dma_semaphore, #tpu.memory_space<semaphore_mem>>)
      tpu.wait_dma2 semaphore(%run_scoped3A : memref<!tpu.dma_semaphore, #tpu.memory_space<semaphore_mem>>) src(%arg3 : memref<10112xf32, #tpu.memory_space<hbm>>) dst(%arg6 : memref<10112xf32, #tpu.memory_space<vmem>>)
      tpu.yield
    }) : () -> ()
    "tpu.region"() ({
      %run_scoped3A = tpu.sem_alloc : memref<!tpu.dma_semaphore, #tpu.memory_space<semaphore_mem>>
      %dma_start3A = arith.constant 0 : i32
      %dma_start3A_7 = tpu.memref_slice %arg2[%add3A, %dma_start3A] : memref<32x10240xi32, #tpu.memory_space<hbm>> -> memref<1x10240xi32, #tpu.memory_space<hbm>>
      %dma_start3A_8 = tpu.memref_squeeze %dma_start3A_7 : memref<1x10240xi32, #tpu.memory_space<hbm>> -> memref<10240xi32, #tpu.memory_space<hbm>>
      %dma_start3A_9 = arith.constant 0 : i32
      %dma_start3A_10 = tpu.memref_slice %arg2[%add3A, %dma_start3A_9] : memref<32x10240xi32, #tpu.memory_space<hbm>> -> memref<1x10240xi32, #tpu.memory_space<hbm>>
      %dma_start3A_11 = tpu.memref_squeeze %dma_start3A_10 : memref<1x10240xi32, #tpu.memory_space<hbm>> -> memref<10240xi32, #tpu.memory_space<hbm>>
      tpu.enqueue_dma source(%dma_start3A_11 : memref<10240xi32, #tpu.memory_space<hbm>>) target(%arg5 : memref<10240xi32, #tpu.memory_space<vmem>>) target_semaphore(%run_scoped3A : memref<!tpu.dma_semaphore, #tpu.memory_space<semaphore_mem>>)
      %dma_wait3A = arith.constant 0 : i32
      %dma_wait3A_12 = tpu.memref_slice %arg2[%add3A, %dma_wait3A] : memref<32x10240xi32, #tpu.memory_space<hbm>> -> memref<1x10240xi32, #tpu.memory_space<hbm>>
      %dma_wait3A_13 = tpu.memref_squeeze %dma_wait3A_12 : memref<1x10240xi32, #tpu.memory_space<hbm>> -> memref<10240xi32, #tpu.memory_space<hbm>>
      %dma_wait3A_14 = arith.constant 0 : i32
      %dma_wait3A_15 = tpu.memref_slice %arg2[%add3A, %dma_wait3A_14] : memref<32x10240xi32, #tpu.memory_space<hbm>> -> memref<1x10240xi32, #tpu.memory_space<hbm>>
      %dma_wait3A_16 = tpu.memref_squeeze %dma_wait3A_15 : memref<1x10240xi32, #tpu.memory_space<hbm>> -> memref<10240xi32, #tpu.memory_space<hbm>>
      tpu.wait_dma2 semaphore(%run_scoped3A : memref<!tpu.dma_semaphore, #tpu.memory_space<semaphore_mem>>) src(%dma_wait3A_16 : memref<10240xi32, #tpu.memory_space<hbm>>) dst(%arg5 : memref<10240xi32, #tpu.memory_space<vmem>>)
      tpu.yield
    }) : () -> ()
    %broadcast_in_dim3A = arith.constant 1.000000e+00 : f32
    %broadcast_in_dim3A_1 = vector.broadcast %broadcast_in_dim3A : f32 to vector<16xf32>
    %scan3A = arith.constant 0 : i32
    %scan3A_2 = arith.constant 0 : i32
    %scan3A_3 = arith.constant 640 : i32
    %scan3A_4 = arith.addi %scan3A_2, %scan3A_3 : i32
    %scan3A_5 = arith.constant 1 : i32
    scf.for %scan3A_7 = %scan3A_2 to %scan3A_4 step %scan3A_5  : i32 {
      %mul3A_8 = arith.constant 16 : i32
      %mul3A_9 = arith.muli %scan3A_7, %mul3A_8 : i32
      %get3A = arith.index_cast %mul3A_9 : i32 to index
      %get3A_10 = tpu.vector_load %arg5[%get3A] {strides = array<i32>} : memref<10240xi32, #tpu.memory_space<vmem>>, vector<16xi32>,
      tpu.vector_store_idx %arg6[%get3A_10], %broadcast_in_dim3A_1 {add = true} : memref<10112xf32, #tpu.memory_space<vmem>>[vector<16xi32>], vector<16xf32>,
    }
    %scan3A_6 = arith.constant 640 : i32
    "tpu.region"() ({
      %run_scoped3A = tpu.sem_alloc : memref<!tpu.dma_semaphore, #tpu.memory_space<semaphore_mem>>
      %dma_start3A = arith.constant 0 : i32
      %dma_start3A_7 = tpu.memref_slice %arg4[%add3A, %dma_start3A] : memref<32x10112xf32, #tpu.memory_space<hbm>> -> memref<1x10112xf32, #tpu.memory_space<hbm>>
      %dma_start3A_8 = tpu.memref_squeeze %dma_start3A_7 : memref<1x10112xf32, #tpu.memory_space<hbm>> -> memref<10112xf32, #tpu.memory_space<hbm>>
      %dma_start3A_9 = arith.constant 0 : i32
      %dma_start3A_10 = tpu.memref_slice %arg4[%add3A, %dma_start3A_9] : memref<32x10112xf32, #tpu.memory_space<hbm>> -> memref<1x10112xf32, #tpu.memory_space<hbm>>
      %dma_start3A_11 = tpu.memref_squeeze %dma_start3A_10 : memref<1x10112xf32, #tpu.memory_space<hbm>> -> memref<10112xf32, #tpu.memory_space<hbm>>
      tpu.enqueue_dma source(%arg6 : memref<10112xf32, #tpu.memory_space<vmem>>) target(%dma_start3A_11 : memref<10112xf32, #tpu.memory_space<hbm>>) target_semaphore(%run_scoped3A : memref<!tpu.dma_semaphore, #tpu.memory_space<semaphore_mem>>)
      %dma_wait3A = arith.constant 0 : i32
      %dma_wait3A_12 = tpu.memref_slice %arg4[%add3A, %dma_wait3A] : memref<32x10112xf32, #tpu.memory_space<hbm>> -> memref<1x10112xf32, #tpu.memory_space<hbm>>
      %dma_wait3A_13 = tpu.memref_squeeze %dma_wait3A_12 : memref<1x10112xf32, #tpu.memory_space<hbm>> -> memref<10112xf32, #tpu.memory_space<hbm>>
      %dma_wait3A_14 = arith.constant 0 : i32
      %dma_wait3A_15 = tpu.memref_slice %arg4[%add3A, %dma_wait3A_14] : memref<32x10112xf32, #tpu.memory_space<hbm>> -> memref<1x10112xf32, #tpu.memory_space<hbm>>
      %dma_wait3A_16 = tpu.memref_squeeze %dma_wait3A_15 : memref<1x10112xf32, #tpu.memory_space<hbm>> -> memref<10112xf32, #tpu.memory_space<hbm>>
      tpu.wait_dma2 semaphore(%run_scoped3A : memref<!tpu.dma_semaphore, #tpu.memory_space<semaphore_mem>>) src(%arg6 : memref<10112xf32, #tpu.memory_space<vmem>>) dst(%dma_wait3A_16 : memref<10112xf32, #tpu.memory_space<hbm>>)
      tpu.yield
    }) : () -> ()
    return
  }
}

#map = affine_map<(d0, d1) -> (0, 0)>
#map1 = affine_map<(d0, d1) -> (0, 0, 0)>
module attributes {stable_mosaic.version = 14 : i64} {
  func.func @_gather_body(%arg0: i32, %arg1: i32, %arg2: memref<10112x128xf32, #tpu.memory_space<hbm>>, %arg3: memref<32x2x128xi32, #tpu.memory_space<hbm>>, %arg4: memref<8192x128xf32, #tpu.memory_space<hbm>>, %arg5: memref<2x128xi32, #tpu.memory_space<vmem>>, %arg6: memref<128x128xf32, #tpu.memory_space<vmem>>, %arg7: memref<!tpu.dma_semaphore, #tpu.memory_space<semaphore_mem>>) attributes {dimension_semantics = [#tpu.dimension_semantics<core_parallel>, #tpu.dimension_semantics<subcore_parallel>], iteration_bounds = array<i64: 2, 16>, scalar_prefetch = 0 : i64, scratch_operands = 3 : i64, tpu.core_type = #tpu.core_type<sc_vector_subcore>, window_params = [{transform_indices = #map}, {transform_indices = #map1}, {transform_indices = #map}]} {
    %mul3A = arith.constant 16 : i32
    %mul3A_0 = arith.muli %arg0, %mul3A : i32
    %add3A = arith.addi %mul3A_0, %arg1 : i32
    "tpu.region"() ({
      %run_scoped3A = tpu.sem_alloc : memref<!tpu.dma_semaphore, #tpu.memory_space<semaphore_mem>>
      %dma_start3A_35 = arith.constant 0 : i32
      %dma_start3A_36 = arith.constant 0 : i32
      %dma_start3A_37 = tpu.memref_slice %arg3[%add3A, %dma_start3A_35, %dma_start3A_36] : memref<32x2x128xi32, #tpu.memory_space<hbm>> -> memref<1x2x128xi32, #tpu.memory_space<hbm>>
      %dma_start3A_38 = tpu.memref_squeeze %dma_start3A_37 : memref<1x2x128xi32, #tpu.memory_space<hbm>> -> memref<2x128xi32, #tpu.memory_space<hbm>>
      %dma_start3A_39 = arith.constant 0 : i32
      %dma_start3A_40 = arith.constant 0 : i32
      %dma_start3A_41 = tpu.memref_slice %arg3[%add3A, %dma_start3A_39, %dma_start3A_40] : memref<32x2x128xi32, #tpu.memory_space<hbm>> -> memref<1x2x128xi32, #tpu.memory_space<hbm>>
      %dma_start3A_42 = tpu.memref_squeeze %dma_start3A_41 : memref<1x2x128xi32, #tpu.memory_space<hbm>> -> memref<2x128xi32, #tpu.memory_space<hbm>>
      tpu.enqueue_dma source(%dma_start3A_42 : memref<2x128xi32, #tpu.memory_space<hbm>>) target(%arg5 : memref<2x128xi32, #tpu.memory_space<vmem>>) target_semaphore(%run_scoped3A : memref<!tpu.dma_semaphore, #tpu.memory_space<semaphore_mem>>)
      %dma_wait3A_43 = arith.constant 0 : i32
      %dma_wait3A_44 = arith.constant 0 : i32
      %dma_wait3A_45 = tpu.memref_slice %arg3[%add3A, %dma_wait3A_43, %dma_wait3A_44] : memref<32x2x128xi32, #tpu.memory_space<hbm>> -> memref<1x2x128xi32, #tpu.memory_space<hbm>>
      %dma_wait3A_46 = tpu.memref_squeeze %dma_wait3A_45 : memref<1x2x128xi32, #tpu.memory_space<hbm>> -> memref<2x128xi32, #tpu.memory_space<hbm>>
      %dma_wait3A_47 = arith.constant 0 : i32
      %dma_wait3A_48 = arith.constant 0 : i32
      %dma_wait3A_49 = tpu.memref_slice %arg3[%add3A, %dma_wait3A_47, %dma_wait3A_48] : memref<32x2x128xi32, #tpu.memory_space<hbm>> -> memref<1x2x128xi32, #tpu.memory_space<hbm>>
      %dma_wait3A_50 = tpu.memref_squeeze %dma_wait3A_49 : memref<1x2x128xi32, #tpu.memory_space<hbm>> -> memref<2x128xi32, #tpu.memory_space<hbm>>
      tpu.wait_dma2 semaphore(%run_scoped3A : memref<!tpu.dma_semaphore, #tpu.memory_space<semaphore_mem>>) src(%dma_wait3A_50 : memref<2x128xi32, #tpu.memory_space<hbm>>) dst(%arg5 : memref<2x128xi32, #tpu.memory_space<vmem>>)
      tpu.yield
    }) : () -> ()
    %dma_start3A = arith.constant 0 : i32
    %dma_start3A_1 = arith.constant 0 : i32
    %dma_start3A_2 = tpu.memref_slice %arg5[%dma_start3A, %dma_start3A_1] : memref<2x128xi32, #tpu.memory_space<vmem>> -> memref<1x128xi32, #tpu.memory_space<vmem>>
    %dma_start3A_3 = tpu.memref_squeeze %dma_start3A_2 : memref<1x128xi32, #tpu.memory_space<vmem>> -> memref<128xi32, #tpu.memory_space<vmem>>
    %dma_start3A_4 = arith.constant 0 : i32
    %dma_start3A_5 = arith.constant 0 : i32
    %dma_start3A_6 = tpu.memref_slice %arg2[%dma_start3A_4, %dma_start3A_5] : memref<10112x128xf32, #tpu.memory_space<hbm>> -> memref<10112x128xf32, #tpu.memory_space<hbm>>
    tpu.enqueue_indirect_dma source(%dma_start3A_6 : memref<10112x128xf32, #tpu.memory_space<hbm>>) target(%arg6 : memref<128x128xf32, #tpu.memory_space<vmem>>) offsets(%dma_start3A_3 : memref<128xi32, #tpu.memory_space<vmem>>) semaphore(%arg7 : memref<!tpu.dma_semaphore, #tpu.memory_space<semaphore_mem>>)
    %dma_wait3A = arith.constant 0 : i32
    %dma_wait3A_7 = arith.constant 0 : i32
    %dma_wait3A_8 = tpu.memref_slice %arg5[%dma_wait3A, %dma_wait3A_7] : memref<2x128xi32, #tpu.memory_space<vmem>> -> memref<1x128xi32, #tpu.memory_space<vmem>>
    %dma_wait3A_9 = tpu.memref_squeeze %dma_wait3A_8 : memref<1x128xi32, #tpu.memory_space<vmem>> -> memref<128xi32, #tpu.memory_space<vmem>>
    %dma_wait3A_10 = arith.constant 0 : i32
    %dma_wait3A_11 = arith.constant 0 : i32
    %dma_wait3A_12 = tpu.memref_slice %arg2[%dma_wait3A_10, %dma_wait3A_11] : memref<10112x128xf32, #tpu.memory_space<hbm>> -> memref<10112x128xf32, #tpu.memory_space<hbm>>
    tpu.wait_indirect_dma semaphore(%arg7 : memref<!tpu.dma_semaphore, #tpu.memory_space<semaphore_mem>>) src(%dma_wait3A_12 : memref<10112x128xf32, #tpu.memory_space<hbm>>) dst(%arg6 : memref<128x128xf32, #tpu.memory_space<vmem>>)
    %mul3A_13 = arith.constant 256 : i32
    %mul3A_14 = arith.muli %add3A, %mul3A_13 : i32
    %add3A_15 = arith.constant 0 : i32
    %add3A_16 = arith.addi %mul3A_14, %add3A_15 : i32
    "tpu.region"() ({
      %run_scoped3A = tpu.sem_alloc : memref<!tpu.dma_semaphore, #tpu.memory_space<semaphore_mem>>
      %dma_start3A_35 = arith.constant 0 : i32
      %dma_start3A_36 = tpu.memref_slice %arg4[%add3A_16, %dma_start3A_35] : memref<8192x128xf32, #tpu.memory_space<hbm>> -> memref<128x128xf32, #tpu.memory_space<hbm>>
      %dma_start3A_37 = arith.constant 0 : i32
      %dma_start3A_38 = tpu.memref_slice %arg4[%add3A_16, %dma_start3A_37] : memref<8192x128xf32, #tpu.memory_space<hbm>> -> memref<128x128xf32, #tpu.memory_space<hbm>>
      tpu.enqueue_dma source(%arg6 : memref<128x128xf32, #tpu.memory_space<vmem>>) target(%dma_start3A_38 : memref<128x128xf32, #tpu.memory_space<hbm>>) target_semaphore(%run_scoped3A : memref<!tpu.dma_semaphore, #tpu.memory_space<semaphore_mem>>)
      %dma_wait3A_39 = arith.constant 0 : i32
      %dma_wait3A_40 = tpu.memref_slice %arg4[%add3A_16, %dma_wait3A_39] : memref<8192x128xf32, #tpu.memory_space<hbm>> -> memref<128x128xf32, #tpu.memory_space<hbm>>
      %dma_wait3A_41 = arith.constant 0 : i32
      %dma_wait3A_42 = tpu.memref_slice %arg4[%add3A_16, %dma_wait3A_41] : memref<8192x128xf32, #tpu.memory_space<hbm>> -> memref<128x128xf32, #tpu.memory_space<hbm>>
      tpu.wait_dma2 semaphore(%run_scoped3A : memref<!tpu.dma_semaphore, #tpu.memory_space<semaphore_mem>>) src(%arg6 : memref<128x128xf32, #tpu.memory_space<vmem>>) dst(%dma_wait3A_42 : memref<128x128xf32, #tpu.memory_space<hbm>>)
      tpu.yield
    }) : () -> ()
    %dma_start3A_17 = arith.constant 1 : i32
    %dma_start3A_18 = arith.constant 0 : i32
    %dma_start3A_19 = tpu.memref_slice %arg5[%dma_start3A_17, %dma_start3A_18] : memref<2x128xi32, #tpu.memory_space<vmem>> -> memref<1x128xi32, #tpu.memory_space<vmem>>
    %dma_start3A_20 = tpu.memref_squeeze %dma_start3A_19 : memref<1x128xi32, #tpu.memory_space<vmem>> -> memref<128xi32, #tpu.memory_space<vmem>>
    %dma_start3A_21 = arith.constant 0 : i32
    %dma_start3A_22 = arith.constant 0 : i32
    %dma_start3A_23 = tpu.memref_slice %arg2[%dma_start3A_21, %dma_start3A_22] : memref<10112x128xf32, #tpu.memory_space<hbm>> -> memref<10112x128xf32, #tpu.memory_space<hbm>>
    tpu.enqueue_indirect_dma source(%dma_start3A_23 : memref<10112x128xf32, #tpu.memory_space<hbm>>) target(%arg6 : memref<128x128xf32, #tpu.memory_space<vmem>>) offsets(%dma_start3A_20 : memref<128xi32, #tpu.memory_space<vmem>>) semaphore(%arg7 : memref<!tpu.dma_semaphore, #tpu.memory_space<semaphore_mem>>)
    %dma_wait3A_24 = arith.constant 1 : i32
    %dma_wait3A_25 = arith.constant 0 : i32
    %dma_wait3A_26 = tpu.memref_slice %arg5[%dma_wait3A_24, %dma_wait3A_25] : memref<2x128xi32, #tpu.memory_space<vmem>> -> memref<1x128xi32, #tpu.memory_space<vmem>>
    %dma_wait3A_27 = tpu.memref_squeeze %dma_wait3A_26 : memref<1x128xi32, #tpu.memory_space<vmem>> -> memref<128xi32, #tpu.memory_space<vmem>>
    %dma_wait3A_28 = arith.constant 0 : i32
    %dma_wait3A_29 = arith.constant 0 : i32
    %dma_wait3A_30 = tpu.memref_slice %arg2[%dma_wait3A_28, %dma_wait3A_29] : memref<10112x128xf32, #tpu.memory_space<hbm>> -> memref<10112x128xf32, #tpu.memory_space<hbm>>
    tpu.wait_indirect_dma semaphore(%arg7 : memref<!tpu.dma_semaphore, #tpu.memory_space<semaphore_mem>>) src(%dma_wait3A_30 : memref<10112x128xf32, #tpu.memory_space<hbm>>) dst(%arg6 : memref<128x128xf32, #tpu.memory_space<vmem>>)
    %mul3A_31 = arith.constant 256 : i32
    %mul3A_32 = arith.muli %add3A, %mul3A_31 : i32
    %add3A_33 = arith.constant 128 : i32
    %add3A_34 = arith.addi %mul3A_32, %add3A_33 : i32
    "tpu.region"() ({
      %run_scoped3A = tpu.sem_alloc : memref<!tpu.dma_semaphore, #tpu.memory_space<semaphore_mem>>
      %dma_start3A_35 = arith.constant 0 : i32
      %dma_start3A_36 = tpu.memref_slice %arg4[%add3A_34, %dma_start3A_35] : memref<8192x128xf32, #tpu.memory_space<hbm>> -> memref<128x128xf32, #tpu.memory_space<hbm>>
      %dma_start3A_37 = arith.constant 0 : i32
      %dma_start3A_38 = tpu.memref_slice %arg4[%add3A_34, %dma_start3A_37] : memref<8192x128xf32, #tpu.memory_space<hbm>> -> memref<128x128xf32, #tpu.memory_space<hbm>>
      tpu.enqueue_dma source(%arg6 : memref<128x128xf32, #tpu.memory_space<vmem>>) target(%dma_start3A_38 : memref<128x128xf32, #tpu.memory_space<hbm>>) target_semaphore(%run_scoped3A : memref<!tpu.dma_semaphore, #tpu.memory_space<semaphore_mem>>)
      %dma_wait3A_39 = arith.constant 0 : i32
      %dma_wait3A_40 = tpu.memref_slice %arg4[%add3A_34, %dma_wait3A_39] : memref<8192x128xf32, #tpu.memory_space<hbm>> -> memref<128x128xf32, #tpu.memory_space<hbm>>
      %dma_wait3A_41 = arith.constant 0 : i32
      %dma_wait3A_42 = tpu.memref_slice %arg4[%add3A_34, %dma_wait3A_41] : memref<8192x128xf32, #tpu.memory_space<hbm>> -> memref<128x128xf32, #tpu.memory_space<hbm>>
      tpu.wait_dma2 semaphore(%run_scoped3A : memref<!tpu.dma_semaphore, #tpu.memory_space<semaphore_mem>>) src(%arg6 : memref<128x128xf32, #tpu.memory_space<vmem>>) dst(%dma_wait3A_42 : memref<128x128xf32, #tpu.memory_space<hbm>>)
      tpu.yield
    }) : () -> ()
    return
  }
}

#map = affine_map<(d0, d1) -> (0, 0)>
#map1 = affine_map<(d0, d1) -> (0, 0, 0)>
module attributes {stable_mosaic.version = 14 : i64} {
  func.func @_spmv_body(%arg0: i32, %arg1: i32, %arg2: memref<10112x128xf32, #tpu.memory_space<hbm>>, %arg3: memref<32x80x128xi32, #tpu.memory_space<hbm>>, %arg4: memref<32x80x128xi32, #tpu.memory_space<hbm>>, %arg5: memref<632x128xf32, #tpu.memory_space<hbm>>, %arg6: memref<2x10112x128xf32, #tpu.memory_space<hbm>>, %arg7: memref<40x128xi32, #tpu.memory_space<vmem>>, %arg8: memref<40x128xi32, #tpu.memory_space<vmem>>, %arg9: memref<2x128x128xf32, #tpu.memory_space<vmem>>, %arg10: memref<10112x128xf32, #tpu.memory_space<vmem_shared>>, %arg11: memref<!tpu.dma_semaphore, #tpu.memory_space<semaphore_mem>>, %arg12: memref<!tpu.dma_semaphore, #tpu.memory_space<semaphore_mem>>) attributes {dimension_semantics = [#tpu.dimension_semantics<core_parallel>, #tpu.dimension_semantics<subcore_parallel>], iteration_bounds = array<i64: 2, 16>, scalar_prefetch = 0 : i64, scratch_operands = 6 : i64, tpu.core_type = #tpu.core_type<sc_vector_subcore>, window_params = [{transform_indices = #map}, {transform_indices = #map1}, {transform_indices = #map1}, {transform_indices = #map}, {transform_indices = #map1}]} {
    %mul3A = arith.constant 16 : i32
    %mul3A_0 = arith.muli %arg0, %mul3A : i32
    %add3A = arith.addi %mul3A_0, %arg1 : i32
    %mul3A_1 = arith.constant 632 : i32
    %mul3A_2 = arith.muli %arg1, %mul3A_1 : i32
    "tpu.region"() ({
      %run_scoped3A = tpu.sem_alloc : memref<!tpu.dma_semaphore, #tpu.memory_space<semaphore_mem>>
      %dma_start3A_66 = arith.constant 0 : i32
      %dma_start3A_67 = tpu.memref_slice %arg10[%mul3A_2, %dma_start3A_66] : memref<10112x128xf32, #tpu.memory_space<vmem_shared>> -> memref<632x128xf32, #tpu.memory_space<vmem_shared>>
      tpu.enqueue_dma source(%arg5 : memref<632x128xf32, #tpu.memory_space<hbm>>) target(%dma_start3A_67 : memref<632x128xf32, #tpu.memory_space<vmem_shared>>) target_semaphore(%run_scoped3A : memref<!tpu.dma_semaphore, #tpu.memory_space<semaphore_mem>>)
      %dma_wait3A = arith.constant 0 : i32
      %dma_wait3A_68 = tpu.memref_slice %arg10[%mul3A_2, %dma_wait3A] : memref<10112x128xf32, #tpu.memory_space<vmem_shared>> -> memref<632x128xf32, #tpu.memory_space<vmem_shared>>
      tpu.wait_dma2 semaphore(%run_scoped3A : memref<!tpu.dma_semaphore, #tpu.memory_space<semaphore_mem>>) src(%arg5 : memref<632x128xf32, #tpu.memory_space<hbm>>) dst(%dma_wait3A_68 : memref<632x128xf32, #tpu.memory_space<vmem_shared>>)
      tpu.yield
    }) : () -> ()
    %barrier3A = arith.constant 0 : index
    tpu.barrier barrier_id(%barrier3A)
    "tpu.region"() ({
      %run_scoped3A = tpu.sem_alloc : memref<!tpu.dma_semaphore, #tpu.memory_space<semaphore_mem>>
      %dma_start3A_66 = arith.constant 0 : i32
      %dma_start3A_67 = arith.constant 0 : i32
      %dma_start3A_68 = tpu.memref_slice %arg3[%add3A, %dma_start3A_66, %dma_start3A_67] : memref<32x80x128xi32, #tpu.memory_space<hbm>> -> memref<1x40x128xi32, #tpu.memory_space<hbm>>
      %dma_start3A_69 = tpu.memref_squeeze %dma_start3A_68 : memref<1x40x128xi32, #tpu.memory_space<hbm>> -> memref<40x128xi32, #tpu.memory_space<hbm>>
      %dma_start3A_70 = arith.constant 0 : i32
      %dma_start3A_71 = arith.constant 0 : i32
      %dma_start3A_72 = tpu.memref_slice %arg3[%add3A, %dma_start3A_70, %dma_start3A_71] : memref<32x80x128xi32, #tpu.memory_space<hbm>> -> memref<1x40x128xi32, #tpu.memory_space<hbm>>
      %dma_start3A_73 = tpu.memref_squeeze %dma_start3A_72 : memref<1x40x128xi32, #tpu.memory_space<hbm>> -> memref<40x128xi32, #tpu.memory_space<hbm>>
      tpu.enqueue_dma source(%dma_start3A_73 : memref<40x128xi32, #tpu.memory_space<hbm>>) target(%arg7 : memref<40x128xi32, #tpu.memory_space<vmem>>) target_semaphore(%run_scoped3A : memref<!tpu.dma_semaphore, #tpu.memory_space<semaphore_mem>>)
      %dma_wait3A = arith.constant 0 : i32
      %dma_wait3A_74 = arith.constant 0 : i32
      %dma_wait3A_75 = tpu.memref_slice %arg3[%add3A, %dma_wait3A, %dma_wait3A_74] : memref<32x80x128xi32, #tpu.memory_space<hbm>> -> memref<1x40x128xi32, #tpu.memory_space<hbm>>
      %dma_wait3A_76 = tpu.memref_squeeze %dma_wait3A_75 : memref<1x40x128xi32, #tpu.memory_space<hbm>> -> memref<40x128xi32, #tpu.memory_space<hbm>>
      %dma_wait3A_77 = arith.constant 0 : i32
      %dma_wait3A_78 = arith.constant 0 : i32
      %dma_wait3A_79 = tpu.memref_slice %arg3[%add3A, %dma_wait3A_77, %dma_wait3A_78] : memref<32x80x128xi32, #tpu.memory_space<hbm>> -> memref<1x40x128xi32, #tpu.memory_space<hbm>>
      %dma_wait3A_80 = tpu.memref_squeeze %dma_wait3A_79 : memref<1x40x128xi32, #tpu.memory_space<hbm>> -> memref<40x128xi32, #tpu.memory_space<hbm>>
      tpu.wait_dma2 semaphore(%run_scoped3A : memref<!tpu.dma_semaphore, #tpu.memory_space<semaphore_mem>>) src(%dma_wait3A_80 : memref<40x128xi32, #tpu.memory_space<hbm>>) dst(%arg7 : memref<40x128xi32, #tpu.memory_space<vmem>>)
      tpu.yield
    }) : () -> ()
    "tpu.region"() ({
      %run_scoped3A = tpu.sem_alloc : memref<!tpu.dma_semaphore, #tpu.memory_space<semaphore_mem>>
      %dma_start3A_66 = arith.constant 0 : i32
      %dma_start3A_67 = arith.constant 0 : i32
      %dma_start3A_68 = tpu.memref_slice %arg4[%add3A, %dma_start3A_66, %dma_start3A_67] : memref<32x80x128xi32, #tpu.memory_space<hbm>> -> memref<1x40x128xi32, #tpu.memory_space<hbm>>
      %dma_start3A_69 = tpu.memref_squeeze %dma_start3A_68 : memref<1x40x128xi32, #tpu.memory_space<hbm>> -> memref<40x128xi32, #tpu.memory_space<hbm>>
      %dma_start3A_70 = arith.constant 0 : i32
      %dma_start3A_71 = arith.constant 0 : i32
      %dma_start3A_72 = tpu.memref_slice %arg4[%add3A, %dma_start3A_70, %dma_start3A_71] : memref<32x80x128xi32, #tpu.memory_space<hbm>> -> memref<1x40x128xi32, #tpu.memory_space<hbm>>
      %dma_start3A_73 = tpu.memref_squeeze %dma_start3A_72 : memref<1x40x128xi32, #tpu.memory_space<hbm>> -> memref<40x128xi32, #tpu.memory_space<hbm>>
      tpu.enqueue_dma source(%dma_start3A_73 : memref<40x128xi32, #tpu.memory_space<hbm>>) target(%arg8 : memref<40x128xi32, #tpu.memory_space<vmem>>) target_semaphore(%run_scoped3A : memref<!tpu.dma_semaphore, #tpu.memory_space<semaphore_mem>>)
      %dma_wait3A = arith.constant 0 : i32
      %dma_wait3A_74 = arith.constant 0 : i32
      %dma_wait3A_75 = tpu.memref_slice %arg4[%add3A, %dma_wait3A, %dma_wait3A_74] : memref<32x80x128xi32, #tpu.memory_space<hbm>> -> memref<1x40x128xi32, #tpu.memory_space<hbm>>
      %dma_wait3A_76 = tpu.memref_squeeze %dma_wait3A_75 : memref<1x40x128xi32, #tpu.memory_space<hbm>> -> memref<40x128xi32, #tpu.memory_space<hbm>>
      %dma_wait3A_77 = arith.constant 0 : i32
      %dma_wait3A_78 = arith.constant 0 : i32
      %dma_wait3A_79 = tpu.memref_slice %arg4[%add3A, %dma_wait3A_77, %dma_wait3A_78] : memref<32x80x128xi32, #tpu.memory_space<hbm>> -> memref<1x40x128xi32, #tpu.memory_space<hbm>>
      %dma_wait3A_80 = tpu.memref_squeeze %dma_wait3A_79 : memref<1x40x128xi32, #tpu.memory_space<hbm>> -> memref<40x128xi32, #tpu.memory_space<hbm>>
      tpu.wait_dma2 semaphore(%run_scoped3A : memref<!tpu.dma_semaphore, #tpu.memory_space<semaphore_mem>>) src(%dma_wait3A_80 : memref<40x128xi32, #tpu.memory_space<hbm>>) dst(%arg8 : memref<40x128xi32, #tpu.memory_space<vmem>>)
      tpu.yield
    }) : () -> ()
    %dma_start3A = arith.constant 0 : i32
    %dma_start3A_3 = arith.constant 0 : i32
    %dma_start3A_4 = arith.constant 0 : i32
    %dma_start3A_5 = arith.constant 0 : i32
    %dma_start3A_6 = tpu.memref_slice %arg9[%dma_start3A_3, %dma_start3A_4, %dma_start3A_5] : memref<2x128x128xf32, #tpu.memory_space<vmem>> -> memref<1x128x128xf32, #tpu.memory_space<vmem>>
    %dma_start3A_7 = tpu.memref_squeeze %dma_start3A_6 : memref<1x128x128xf32, #tpu.memory_space<vmem>> -> memref<128x128xf32, #tpu.memory_space<vmem>>
    %dma_start3A_8 = arith.constant 0 : i32
    %dma_start3A_9 = tpu.memref_slice %arg7[%dma_start3A, %dma_start3A_8] : memref<40x128xi32, #tpu.memory_space<vmem>> -> memref<1x128xi32, #tpu.memory_space<vmem>>
    %dma_start3A_10 = tpu.memref_squeeze %dma_start3A_9 : memref<1x128xi32, #tpu.memory_space<vmem>> -> memref<128xi32, #tpu.memory_space<vmem>>
    %dma_start3A_11 = arith.constant 0 : i32
    %dma_start3A_12 = arith.constant 0 : i32
    %dma_start3A_13 = tpu.memref_slice %arg2[%dma_start3A_11, %dma_start3A_12] : memref<10112x128xf32, #tpu.memory_space<hbm>> -> memref<10112x128xf32, #tpu.memory_space<hbm>>
    tpu.enqueue_indirect_dma source(%dma_start3A_13 : memref<10112x128xf32, #tpu.memory_space<hbm>>) target(%dma_start3A_7 : memref<128x128xf32, #tpu.memory_space<vmem>>) offsets(%dma_start3A_10 : memref<128xi32, #tpu.memory_space<vmem>>) semaphore(%arg11 : memref<!tpu.dma_semaphore, #tpu.memory_space<semaphore_mem>>)
    %dma_start3A_14 = arith.constant 1 : i32
    %dma_start3A_15 = arith.constant 1 : i32
    %dma_start3A_16 = arith.constant 0 : i32
    %dma_start3A_17 = arith.constant 0 : i32
    %dma_start3A_18 = tpu.memref_slice %arg9[%dma_start3A_15, %dma_start3A_16, %dma_start3A_17] : memref<2x128x128xf32, #tpu.memory_space<vmem>> -> memref<1x128x128xf32, #tpu.memory_space<vmem>>
    %dma_start3A_19 = tpu.memref_squeeze %dma_start3A_18 : memref<1x128x128xf32, #tpu.memory_space<vmem>> -> memref<128x128xf32, #tpu.memory_space<vmem>>
    %dma_start3A_20 = arith.constant 0 : i32
    %dma_start3A_21 = tpu.memref_slice %arg7[%dma_start3A_14, %dma_start3A_20] : memref<40x128xi32, #tpu.memory_space<vmem>> -> memref<1x128xi32, #tpu.memory_space<vmem>>
    %dma_start3A_22 = tpu.memref_squeeze %dma_start3A_21 : memref<1x128xi32, #tpu.memory_space<vmem>> -> memref<128xi32, #tpu.memory_space<vmem>>
    %dma_start3A_23 = arith.constant 0 : i32
    %dma_start3A_24 = arith.constant 0 : i32
    %dma_start3A_25 = tpu.memref_slice %arg2[%dma_start3A_23, %dma_start3A_24] : memref<10112x128xf32, #tpu.memory_space<hbm>> -> memref<10112x128xf32, #tpu.memory_space<hbm>>
    tpu.enqueue_indirect_dma source(%dma_start3A_25 : memref<10112x128xf32, #tpu.memory_space<hbm>>) target(%dma_start3A_19 : memref<128x128xf32, #tpu.memory_space<vmem>>) offsets(%dma_start3A_22 : memref<128xi32, #tpu.memory_space<vmem>>) semaphore(%arg12 : memref<!tpu.dma_semaphore, #tpu.memory_space<semaphore_mem>>)
    %scan3A = arith.constant 0 : i32
    %scan3A_26 = arith.constant 0 : i32
    %scan3A_27 = arith.constant 20 : i32
    %scan3A_28 = arith.addi %scan3A_26, %scan3A_27 : i32
    %scan3A_29 = arith.constant 1 : i32
    scf.for %scan3A_66 = %scan3A_26 to %scan3A_28 step %scan3A_29  : i32 {
      %mul3A_67 = arith.constant 2 : i32
      %mul3A_68 = arith.muli %scan3A_66, %mul3A_67 : i32
      %add3A_69 = arith.constant 0 : i32
      %add3A_70 = arith.addi %mul3A_68, %add3A_69 : i32
      %dma_wait3A = arith.constant 0 : i32
      %dma_wait3A_71 = arith.constant 0 : i32
      %dma_wait3A_72 = arith.constant 0 : i32
      %dma_wait3A_73 = tpu.memref_slice %arg9[%dma_wait3A, %dma_wait3A_71, %dma_wait3A_72] : memref<2x128x128xf32, #tpu.memory_space<vmem>> -> memref<1x128x128xf32, #tpu.memory_space<vmem>>
      %dma_wait3A_74 = tpu.memref_squeeze %dma_wait3A_73 : memref<1x128x128xf32, #tpu.memory_space<vmem>> -> memref<128x128xf32, #tpu.memory_space<vmem>>
      %dma_wait3A_75 = arith.constant 0 : i32
      %dma_wait3A_76 = tpu.memref_slice %arg7[%add3A_70, %dma_wait3A_75] : memref<40x128xi32, #tpu.memory_space<vmem>> -> memref<1x128xi32, #tpu.memory_space<vmem>>
      %dma_wait3A_77 = tpu.memref_squeeze %dma_wait3A_76 : memref<1x128xi32, #tpu.memory_space<vmem>> -> memref<128xi32, #tpu.memory_space<vmem>>
      %dma_wait3A_78 = arith.constant 0 : i32
      %dma_wait3A_79 = arith.constant 0 : i32
      %dma_wait3A_80 = tpu.memref_slice %arg2[%dma_wait3A_78, %dma_wait3A_79] : memref<10112x128xf32, #tpu.memory_space<hbm>> -> memref<10112x128xf32, #tpu.memory_space<hbm>>
      tpu.wait_indirect_dma semaphore(%arg11 : memref<!tpu.dma_semaphore, #tpu.memory_space<semaphore_mem>>) src(%dma_wait3A_80 : memref<10112x128xf32, #tpu.memory_space<hbm>>) dst(%dma_wait3A_74 : memref<128x128xf32, #tpu.memory_space<vmem>>)
      %run_scoped3A = arith.constant 0 : i32
      "tpu.region"() ({
        %run_scoped3A_108 = tpu.sem_alloc : memref<!tpu.dma_semaphore, #tpu.memory_space<semaphore_mem>>
        %dma_start3A_109 = arith.constant 0 : i32
        %dma_start3A_110 = arith.constant 0 : i32
        %dma_start3A_111 = tpu.memref_slice %arg9[%run_scoped3A, %dma_start3A_109, %dma_start3A_110] : memref<2x128x128xf32, #tpu.memory_space<vmem>> -> memref<1x128x128xf32, #tpu.memory_space<vmem>>
        %dma_start3A_112 = tpu.memref_squeeze %dma_start3A_111 : memref<1x128x128xf32, #tpu.memory_space<vmem>> -> memref<128x128xf32, #tpu.memory_space<vmem>>
        %dma_start3A_113 = arith.constant 0 : i32
        %dma_start3A_114 = tpu.memref_slice %arg8[%add3A_70, %dma_start3A_113] : memref<40x128xi32, #tpu.memory_space<vmem>> -> memref<1x128xi32, #tpu.memory_space<vmem>>
        %dma_start3A_115 = tpu.memref_squeeze %dma_start3A_114 : memref<1x128xi32, #tpu.memory_space<vmem>> -> memref<128xi32, #tpu.memory_space<vmem>>
        %dma_start3A_116 = arith.constant 0 : i32
        %dma_start3A_117 = arith.constant 0 : i32
        %dma_start3A_118 = tpu.memref_slice %arg10[%dma_start3A_116, %dma_start3A_117] : memref<10112x128xf32, #tpu.memory_space<vmem_shared>> -> memref<10112x128xf32, #tpu.memory_space<vmem_shared>>
        tpu.enqueue_indirect_dma source(%dma_start3A_112 : memref<128x128xf32, #tpu.memory_space<vmem>>) target(%dma_start3A_118 : memref<10112x128xf32, #tpu.memory_space<vmem_shared>>) offsets(%dma_start3A_115 : memref<128xi32, #tpu.memory_space<vmem>>) semaphore(%run_scoped3A_108 : memref<!tpu.dma_semaphore, #tpu.memory_space<semaphore_mem>>) {add = true}
        %dma_wait3A_119 = arith.constant 0 : i32
        %dma_wait3A_120 = arith.constant 0 : i32
        %dma_wait3A_121 = tpu.memref_slice %arg9[%run_scoped3A, %dma_wait3A_119, %dma_wait3A_120] : memref<2x128x128xf32, #tpu.memory_space<vmem>> -> memref<1x128x128xf32, #tpu.memory_space<vmem>>
        %dma_wait3A_122 = tpu.memref_squeeze %dma_wait3A_121 : memref<1x128x128xf32, #tpu.memory_space<vmem>> -> memref<128x128xf32, #tpu.memory_space<vmem>>
        %dma_wait3A_123 = arith.constant 0 : i32
        %dma_wait3A_124 = tpu.memref_slice %arg8[%add3A_70, %dma_wait3A_123] : memref<40x128xi32, #tpu.memory_space<vmem>> -> memref<1x128xi32, #tpu.memory_space<vmem>>
        %dma_wait3A_125 = tpu.memref_squeeze %dma_wait3A_124 : memref<1x128xi32, #tpu.memory_space<vmem>> -> memref<128xi32, #tpu.memory_space<vmem>>
        %dma_wait3A_126 = arith.constant 0 : i32
        %dma_wait3A_127 = arith.constant 0 : i32
        %dma_wait3A_128 = tpu.memref_slice %arg10[%dma_wait3A_126, %dma_wait3A_127] : memref<10112x128xf32, #tpu.memory_space<vmem_shared>> -> memref<10112x128xf32, #tpu.memory_space<vmem_shared>>
        tpu.wait_indirect_dma semaphore(%run_scoped3A_108 : memref<!tpu.dma_semaphore, #tpu.memory_space<semaphore_mem>>) src(%dma_wait3A_122 : memref<128x128xf32, #tpu.memory_space<vmem>>) dst(%dma_wait3A_128 : memref<10112x128xf32, #tpu.memory_space<vmem_shared>>)
        tpu.yield
      }) : () -> ()
      %add3A_81 = arith.constant 2 : i32
      %add3A_82 = arith.addi %add3A_70, %add3A_81 : i32
      %lt3A = arith.constant 40 : i32
      %lt3A_83 = arith.cmpi slt, %add3A_82, %lt3A : i32
      %convert_element_type3A = arith.extui %lt3A_83 : i1 to i32
      %cond3A = arith.constant 0 : i32
      %cond3A_84 = arith.cmpi ne, %convert_element_type3A, %cond3A : i32
      scf.if %cond3A_84 {
        %add3A_108 = arith.constant 2 : i32
        %add3A_109 = arith.addi %add3A_70, %add3A_108 : i32
        %dma_start3A_110 = arith.constant 0 : i32
        %dma_start3A_111 = arith.constant 0 : i32
        %dma_start3A_112 = arith.constant 0 : i32
        %dma_start3A_113 = tpu.memref_slice %arg9[%dma_start3A_110, %dma_start3A_111, %dma_start3A_112] : memref<2x128x128xf32, #tpu.memory_space<vmem>> -> memref<1x128x128xf32, #tpu.memory_space<vmem>>
        %dma_start3A_114 = tpu.memref_squeeze %dma_start3A_113 : memref<1x128x128xf32, #tpu.memory_space<vmem>> -> memref<128x128xf32, #tpu.memory_space<vmem>>
        %dma_start3A_115 = arith.constant 0 : i32
        %dma_start3A_116 = tpu.memref_slice %arg7[%add3A_109, %dma_start3A_115] : memref<40x128xi32, #tpu.memory_space<vmem>> -> memref<1x128xi32, #tpu.memory_space<vmem>>
        %dma_start3A_117 = tpu.memref_squeeze %dma_start3A_116 : memref<1x128xi32, #tpu.memory_space<vmem>> -> memref<128xi32, #tpu.memory_space<vmem>>
        %dma_start3A_118 = arith.constant 0 : i32
        %dma_start3A_119 = arith.constant 0 : i32
        %dma_start3A_120 = tpu.memref_slice %arg2[%dma_start3A_118, %dma_start3A_119] : memref<10112x128xf32, #tpu.memory_space<hbm>> -> memref<10112x128xf32, #tpu.memory_space<hbm>>
        tpu.enqueue_indirect_dma source(%dma_start3A_120 : memref<10112x128xf32, #tpu.memory_space<hbm>>) target(%dma_start3A_114 : memref<128x128xf32, #tpu.memory_space<vmem>>) offsets(%dma_start3A_117 : memref<128xi32, #tpu.memory_space<vmem>>) semaphore(%arg11 : memref<!tpu.dma_semaphore, #tpu.memory_space<semaphore_mem>>)
      } else {
      }
      %mul3A_85 = arith.constant 2 : i32
      %mul3A_86 = arith.muli %scan3A_66, %mul3A_85 : i32
      %add3A_87 = arith.constant 1 : i32
      %add3A_88 = arith.addi %mul3A_86, %add3A_87 : i32
      %dma_wait3A_89 = arith.constant 1 : i32
      %dma_wait3A_90 = arith.constant 0 : i32
      %dma_wait3A_91 = arith.constant 0 : i32
      %dma_wait3A_92 = tpu.memref_slice %arg9[%dma_wait3A_89, %dma_wait3A_90, %dma_wait3A_91] : memref<2x128x128xf32, #tpu.memory_space<vmem>> -> memref<1x128x128xf32, #tpu.memory_space<vmem>>
      %dma_wait3A_93 = tpu.memref_squeeze %dma_wait3A_92 : memref<1x128x128xf32, #tpu.memory_space<vmem>> -> memref<128x128xf32, #tpu.memory_space<vmem>>
      %dma_wait3A_94 = arith.constant 0 : i32
      %dma_wait3A_95 = tpu.memref_slice %arg7[%add3A_88, %dma_wait3A_94] : memref<40x128xi32, #tpu.memory_space<vmem>> -> memref<1x128xi32, #tpu.memory_space<vmem>>
      %dma_wait3A_96 = tpu.memref_squeeze %dma_wait3A_95 : memref<1x128xi32, #tpu.memory_space<vmem>> -> memref<128xi32, #tpu.memory_space<vmem>>
      %dma_wait3A_97 = arith.constant 0 : i32
      %dma_wait3A_98 = arith.constant 0 : i32
      %dma_wait3A_99 = tpu.memref_slice %arg2[%dma_wait3A_97, %dma_wait3A_98] : memref<10112x128xf32, #tpu.memory_space<hbm>> -> memref<10112x128xf32, #tpu.memory_space<hbm>>
      tpu.wait_indirect_dma semaphore(%arg12 : memref<!tpu.dma_semaphore, #tpu.memory_space<semaphore_mem>>) src(%dma_wait3A_99 : memref<10112x128xf32, #tpu.memory_space<hbm>>) dst(%dma_wait3A_93 : memref<128x128xf32, #tpu.memory_space<vmem>>)
      %run_scoped3A_100 = arith.constant 1 : i32
      "tpu.region"() ({
        %run_scoped3A_108 = tpu.sem_alloc : memref<!tpu.dma_semaphore, #tpu.memory_space<semaphore_mem>>
        %dma_start3A_109 = arith.constant 0 : i32
        %dma_start3A_110 = arith.constant 0 : i32
        %dma_start3A_111 = tpu.memref_slice %arg9[%run_scoped3A_100, %dma_start3A_109, %dma_start3A_110] : memref<2x128x128xf32, #tpu.memory_space<vmem>> -> memref<1x128x128xf32, #tpu.memory_space<vmem>>
        %dma_start3A_112 = tpu.memref_squeeze %dma_start3A_111 : memref<1x128x128xf32, #tpu.memory_space<vmem>> -> memref<128x128xf32, #tpu.memory_space<vmem>>
        %dma_start3A_113 = arith.constant 0 : i32
        %dma_start3A_114 = tpu.memref_slice %arg8[%add3A_88, %dma_start3A_113] : memref<40x128xi32, #tpu.memory_space<vmem>> -> memref<1x128xi32, #tpu.memory_space<vmem>>
        %dma_start3A_115 = tpu.memref_squeeze %dma_start3A_114 : memref<1x128xi32, #tpu.memory_space<vmem>> -> memref<128xi32, #tpu.memory_space<vmem>>
        %dma_start3A_116 = arith.constant 0 : i32
        %dma_start3A_117 = arith.constant 0 : i32
        %dma_start3A_118 = tpu.memref_slice %arg10[%dma_start3A_116, %dma_start3A_117] : memref<10112x128xf32, #tpu.memory_space<vmem_shared>> -> memref<10112x128xf32, #tpu.memory_space<vmem_shared>>
        tpu.enqueue_indirect_dma source(%dma_start3A_112 : memref<128x128xf32, #tpu.memory_space<vmem>>) target(%dma_start3A_118 : memref<10112x128xf32, #tpu.memory_space<vmem_shared>>) offsets(%dma_start3A_115 : memref<128xi32, #tpu.memory_space<vmem>>) semaphore(%run_scoped3A_108 : memref<!tpu.dma_semaphore, #tpu.memory_space<semaphore_mem>>) {add = true}
        %dma_wait3A_119 = arith.constant 0 : i32
        %dma_wait3A_120 = arith.constant 0 : i32
        %dma_wait3A_121 = tpu.memref_slice %arg9[%run_scoped3A_100, %dma_wait3A_119, %dma_wait3A_120] : memref<2x128x128xf32, #tpu.memory_space<vmem>> -> memref<1x128x128xf32, #tpu.memory_space<vmem>>
        %dma_wait3A_122 = tpu.memref_squeeze %dma_wait3A_121 : memref<1x128x128xf32, #tpu.memory_space<vmem>> -> memref<128x128xf32, #tpu.memory_space<vmem>>
        %dma_wait3A_123 = arith.constant 0 : i32
        %dma_wait3A_124 = tpu.memref_slice %arg8[%add3A_88, %dma_wait3A_123] : memref<40x128xi32, #tpu.memory_space<vmem>> -> memref<1x128xi32, #tpu.memory_space<vmem>>
        %dma_wait3A_125 = tpu.memref_squeeze %dma_wait3A_124 : memref<1x128xi32, #tpu.memory_space<vmem>> -> memref<128xi32, #tpu.memory_space<vmem>>
        %dma_wait3A_126 = arith.constant 0 : i32
        %dma_wait3A_127 = arith.constant 0 : i32
        %dma_wait3A_128 = tpu.memref_slice %arg10[%dma_wait3A_126, %dma_wait3A_127] : memref<10112x128xf32, #tpu.memory_space<vmem_shared>> -> memref<10112x128xf32, #tpu.memory_space<vmem_shared>>
        tpu.wait_indirect_dma semaphore(%run_scoped3A_108 : memref<!tpu.dma_semaphore, #tpu.memory_space<semaphore_mem>>) src(%dma_wait3A_122 : memref<128x128xf32, #tpu.memory_space<vmem>>) dst(%dma_wait3A_128 : memref<10112x128xf32, #tpu.memory_space<vmem_shared>>)
        tpu.yield
      }) : () -> ()
      %add3A_101 = arith.constant 2 : i32
      %add3A_102 = arith.addi %add3A_88, %add3A_101 : i32
      %lt3A_103 = arith.constant 40 : i32
      %lt3A_104 = arith.cmpi slt, %add3A_102, %lt3A_103 : i32
      %convert_element_type3A_105 = arith.extui %lt3A_104 : i1 to i32
      %cond3A_106 = arith.constant 0 : i32
      %cond3A_107 = arith.cmpi ne, %convert_element_type3A_105, %cond3A_106 : i32
      scf.if %cond3A_107 {
        %add3A_108 = arith.constant 2 : i32
        %add3A_109 = arith.addi %add3A_88, %add3A_108 : i32
        %dma_start3A_110 = arith.constant 1 : i32
        %dma_start3A_111 = arith.constant 0 : i32
        %dma_start3A_112 = arith.constant 0 : i32
        %dma_start3A_113 = tpu.memref_slice %arg9[%dma_start3A_110, %dma_start3A_111, %dma_start3A_112] : memref<2x128x128xf32, #tpu.memory_space<vmem>> -> memref<1x128x128xf32, #tpu.memory_space<vmem>>
        %dma_start3A_114 = tpu.memref_squeeze %dma_start3A_113 : memref<1x128x128xf32, #tpu.memory_space<vmem>> -> memref<128x128xf32, #tpu.memory_space<vmem>>
        %dma_start3A_115 = arith.constant 0 : i32
        %dma_start3A_116 = tpu.memref_slice %arg7[%add3A_109, %dma_start3A_115] : memref<40x128xi32, #tpu.memory_space<vmem>> -> memref<1x128xi32, #tpu.memory_space<vmem>>
        %dma_start3A_117 = tpu.memref_squeeze %dma_start3A_116 : memref<1x128xi32, #tpu.memory_space<vmem>> -> memref<128xi32, #tpu.memory_space<vmem>>
        %dma_start3A_118 = arith.constant 0 : i32
        %dma_start3A_119 = arith.constant 0 : i32
        %dma_start3A_120 = tpu.memref_slice %arg2[%dma_start3A_118, %dma_start3A_119] : memref<10112x128xf32, #tpu.memory_space<hbm>> -> memref<10112x128xf32, #tpu.memory_space<hbm>>
        tpu.enqueue_indirect_dma source(%dma_start3A_120 : memref<10112x128xf32, #tpu.memory_space<hbm>>) target(%dma_start3A_114 : memref<128x128xf32, #tpu.memory_space<vmem>>) offsets(%dma_start3A_117 : memref<128xi32, #tpu.memory_space<vmem>>) semaphore(%arg12 : memref<!tpu.dma_semaphore, #tpu.memory_space<semaphore_mem>>)
      } else {
      }
    }
    %scan3A_30 = arith.constant 20 : i32
    "tpu.region"() ({
      %run_scoped3A = tpu.sem_alloc : memref<!tpu.dma_semaphore, #tpu.memory_space<semaphore_mem>>
      %dma_start3A_66 = arith.constant 40 : i32
      %dma_start3A_67 = arith.constant 0 : i32
      %dma_start3A_68 = tpu.memref_slice %arg3[%add3A, %dma_start3A_66, %dma_start3A_67] : memref<32x80x128xi32, #tpu.memory_space<hbm>> -> memref<1x40x128xi32, #tpu.memory_space<hbm>>
      %dma_start3A_69 = tpu.memref_squeeze %dma_start3A_68 : memref<1x40x128xi32, #tpu.memory_space<hbm>> -> memref<40x128xi32, #tpu.memory_space<hbm>>
      %dma_start3A_70 = arith.constant 40 : i32
      %dma_start3A_71 = arith.constant 0 : i32
      %dma_start3A_72 = tpu.memref_slice %arg3[%add3A, %dma_start3A_70, %dma_start3A_71] : memref<32x80x128xi32, #tpu.memory_space<hbm>> -> memref<1x40x128xi32, #tpu.memory_space<hbm>>
      %dma_start3A_73 = tpu.memref_squeeze %dma_start3A_72 : memref<1x40x128xi32, #tpu.memory_space<hbm>> -> memref<40x128xi32, #tpu.memory_space<hbm>>
      tpu.enqueue_dma source(%dma_start3A_73 : memref<40x128xi32, #tpu.memory_space<hbm>>) target(%arg7 : memref<40x128xi32, #tpu.memory_space<vmem>>) target_semaphore(%run_scoped3A : memref<!tpu.dma_semaphore, #tpu.memory_space<semaphore_mem>>)
      %dma_wait3A = arith.constant 40 : i32
      %dma_wait3A_74 = arith.constant 0 : i32
      %dma_wait3A_75 = tpu.memref_slice %arg3[%add3A, %dma_wait3A, %dma_wait3A_74] : memref<32x80x128xi32, #tpu.memory_space<hbm>> -> memref<1x40x128xi32, #tpu.memory_space<hbm>>
      %dma_wait3A_76 = tpu.memref_squeeze %dma_wait3A_75 : memref<1x40x128xi32, #tpu.memory_space<hbm>> -> memref<40x128xi32, #tpu.memory_space<hbm>>
      %dma_wait3A_77 = arith.constant 40 : i32
      %dma_wait3A_78 = arith.constant 0 : i32
      %dma_wait3A_79 = tpu.memref_slice %arg3[%add3A, %dma_wait3A_77, %dma_wait3A_78] : memref<32x80x128xi32, #tpu.memory_space<hbm>> -> memref<1x40x128xi32, #tpu.memory_space<hbm>>
      %dma_wait3A_80 = tpu.memref_squeeze %dma_wait3A_79 : memref<1x40x128xi32, #tpu.memory_space<hbm>> -> memref<40x128xi32, #tpu.memory_space<hbm>>
      tpu.wait_dma2 semaphore(%run_scoped3A : memref<!tpu.dma_semaphore, #tpu.memory_space<semaphore_mem>>) src(%dma_wait3A_80 : memref<40x128xi32, #tpu.memory_space<hbm>>) dst(%arg7 : memref<40x128xi32, #tpu.memory_space<vmem>>)
      tpu.yield
    }) : () -> ()
    "tpu.region"() ({
      %run_scoped3A = tpu.sem_alloc : memref<!tpu.dma_semaphore, #tpu.memory_space<semaphore_mem>>
      %dma_start3A_66 = arith.constant 40 : i32
      %dma_start3A_67 = arith.constant 0 : i32
      %dma_start3A_68 = tpu.memref_slice %arg4[%add3A, %dma_start3A_66, %dma_start3A_67] : memref<32x80x128xi32, #tpu.memory_space<hbm>> -> memref<1x40x128xi32, #tpu.memory_space<hbm>>
      %dma_start3A_69 = tpu.memref_squeeze %dma_start3A_68 : memref<1x40x128xi32, #tpu.memory_space<hbm>> -> memref<40x128xi32, #tpu.memory_space<hbm>>
      %dma_start3A_70 = arith.constant 40 : i32
      %dma_start3A_71 = arith.constant 0 : i32
      %dma_start3A_72 = tpu.memref_slice %arg4[%add3A, %dma_start3A_70, %dma_start3A_71] : memref<32x80x128xi32, #tpu.memory_space<hbm>> -> memref<1x40x128xi32, #tpu.memory_space<hbm>>
      %dma_start3A_73 = tpu.memref_squeeze %dma_start3A_72 : memref<1x40x128xi32, #tpu.memory_space<hbm>> -> memref<40x128xi32, #tpu.memory_space<hbm>>
      tpu.enqueue_dma source(%dma_start3A_73 : memref<40x128xi32, #tpu.memory_space<hbm>>) target(%arg8 : memref<40x128xi32, #tpu.memory_space<vmem>>) target_semaphore(%run_scoped3A : memref<!tpu.dma_semaphore, #tpu.memory_space<semaphore_mem>>)
      %dma_wait3A = arith.constant 40 : i32
      %dma_wait3A_74 = arith.constant 0 : i32
      %dma_wait3A_75 = tpu.memref_slice %arg4[%add3A, %dma_wait3A, %dma_wait3A_74] : memref<32x80x128xi32, #tpu.memory_space<hbm>> -> memref<1x40x128xi32, #tpu.memory_space<hbm>>
      %dma_wait3A_76 = tpu.memref_squeeze %dma_wait3A_75 : memref<1x40x128xi32, #tpu.memory_space<hbm>> -> memref<40x128xi32, #tpu.memory_space<hbm>>
      %dma_wait3A_77 = arith.constant 40 : i32
      %dma_wait3A_78 = arith.constant 0 : i32
      %dma_wait3A_79 = tpu.memref_slice %arg4[%add3A, %dma_wait3A_77, %dma_wait3A_78] : memref<32x80x128xi32, #tpu.memory_space<hbm>> -> memref<1x40x128xi32, #tpu.memory_space<hbm>>
      %dma_wait3A_80 = tpu.memref_squeeze %dma_wait3A_79 : memref<1x40x128xi32, #tpu.memory_space<hbm>> -> memref<40x128xi32, #tpu.memory_space<hbm>>
      tpu.wait_dma2 semaphore(%run_scoped3A : memref<!tpu.dma_semaphore, #tpu.memory_space<semaphore_mem>>) src(%dma_wait3A_80 : memref<40x128xi32, #tpu.memory_space<hbm>>) dst(%arg8 : memref<40x128xi32, #tpu.memory_space<vmem>>)
      tpu.yield
    }) : () -> ()
    %dma_start3A_31 = arith.constant 0 : i32
    %dma_start3A_32 = arith.constant 0 : i32
    %dma_start3A_33 = arith.constant 0 : i32
    %dma_start3A_34 = arith.constant 0 : i32
    %dma_start3A_35 = tpu.memref_slice %arg9[%dma_start3A_32, %dma_start3A_33, %dma_start3A_34] : memref<2x128x128xf32, #tpu.memory_space<vmem>> -> memref<1x128x128xf32, #tpu.memory_space<vmem>>
    %dma_start3A_36 = tpu.memref_squeeze %dma_start3A_35 : memref<1x128x128xf32, #tpu.memory_space<vmem>> -> memref<128x128xf32, #tpu.memory_space<vmem>>
    %dma_start3A_37 = arith.constant 0 : i32
    %dma_start3A_38 = tpu.memref_slice %arg7[%dma_start3A_31, %dma_start3A_37] : memref<40x128xi32, #tpu.memory_space<vmem>> -> memref<1x128xi32, #tpu.memory_space<vmem>>
    %dma_start3A_39 = tpu.memref_squeeze %dma_start3A_38 : memref<1x128xi32, #tpu.memory_space<vmem>> -> memref<128xi32, #tpu.memory_space<vmem>>
    %dma_start3A_40 = arith.constant 0 : i32
    %dma_start3A_41 = arith.constant 0 : i32
    %dma_start3A_42 = tpu.memref_slice %arg2[%dma_start3A_40, %dma_start3A_41] : memref<10112x128xf32, #tpu.memory_space<hbm>> -> memref<10112x128xf32, #tpu.memory_space<hbm>>
    tpu.enqueue_indirect_dma source(%dma_start3A_42 : memref<10112x128xf32, #tpu.memory_space<hbm>>) target(%dma_start3A_36 : memref<128x128xf32, #tpu.memory_space<vmem>>) offsets(%dma_start3A_39 : memref<128xi32, #tpu.memory_space<vmem>>) semaphore(%arg11 : memref<!tpu.dma_semaphore, #tpu.memory_space<semaphore_mem>>)
    %dma_start3A_43 = arith.constant 1 : i32
    %dma_start3A_44 = arith.constant 1 : i32
    %dma_start3A_45 = arith.constant 0 : i32
    %dma_start3A_46 = arith.constant 0 : i32
    %dma_start3A_47 = tpu.memref_slice %arg9[%dma_start3A_44, %dma_start3A_45, %dma_start3A_46] : memref<2x128x128xf32, #tpu.memory_space<vmem>> -> memref<1x128x128xf32, #tpu.memory_space<vmem>>
    %dma_start3A_48 = tpu.memref_squeeze %dma_start3A_47 : memref<1x128x128xf32, #tpu.memory_space<vmem>> -> memref<128x128xf32, #tpu.memory_space<vmem>>
    %dma_start3A_49 = arith.constant 0 : i32
    %dma_start3A_50 = tpu.memref_slice %arg7[%dma_start3A_43, %dma_start3A_49] : memref<40x128xi32, #tpu.memory_space<vmem>> -> memref<1x128xi32, #tpu.memory_space<vmem>>
    %dma_start3A_51 = tpu.memref_squeeze %dma_start3A_50 : memref<1x128xi32, #tpu.memory_space<vmem>> -> memref<128xi32, #tpu.memory_space<vmem>>
    %dma_start3A_52 = arith.constant 0 : i32
    %dma_start3A_53 = arith.constant 0 : i32
    %dma_start3A_54 = tpu.memref_slice %arg2[%dma_start3A_52, %dma_start3A_53] : memref<10112x128xf32, #tpu.memory_space<hbm>> -> memref<10112x128xf32, #tpu.memory_space<hbm>>
    tpu.enqueue_indirect_dma source(%dma_start3A_54 : memref<10112x128xf32, #tpu.memory_space<hbm>>) target(%dma_start3A_48 : memref<128x128xf32, #tpu.memory_space<vmem>>) offsets(%dma_start3A_51 : memref<128xi32, #tpu.memory_space<vmem>>) semaphore(%arg12 : memref<!tpu.dma_semaphore, #tpu.memory_space<semaphore_mem>>)
    %scan3A_55 = arith.constant 0 : i32
    %scan3A_56 = arith.constant 0 : i32
    %scan3A_57 = arith.constant 20 : i32
    %scan3A_58 = arith.addi %scan3A_56, %scan3A_57 : i32
    %scan3A_59 = arith.constant 1 : i32
    scf.for %scan3A_66 = %scan3A_56 to %scan3A_58 step %scan3A_59  : i32 {
      %mul3A_67 = arith.constant 2 : i32
      %mul3A_68 = arith.muli %scan3A_66, %mul3A_67 : i32
      %add3A_69 = arith.constant 0 : i32
      %add3A_70 = arith.addi %mul3A_68, %add3A_69 : i32
      %dma_wait3A = arith.constant 0 : i32
      %dma_wait3A_71 = arith.constant 0 : i32
      %dma_wait3A_72 = arith.constant 0 : i32
      %dma_wait3A_73 = tpu.memref_slice %arg9[%dma_wait3A, %dma_wait3A_71, %dma_wait3A_72] : memref<2x128x128xf32, #tpu.memory_space<vmem>> -> memref<1x128x128xf32, #tpu.memory_space<vmem>>
      %dma_wait3A_74 = tpu.memref_squeeze %dma_wait3A_73 : memref<1x128x128xf32, #tpu.memory_space<vmem>> -> memref<128x128xf32, #tpu.memory_space<vmem>>
      %dma_wait3A_75 = arith.constant 0 : i32
      %dma_wait3A_76 = tpu.memref_slice %arg7[%add3A_70, %dma_wait3A_75] : memref<40x128xi32, #tpu.memory_space<vmem>> -> memref<1x128xi32, #tpu.memory_space<vmem>>
      %dma_wait3A_77 = tpu.memref_squeeze %dma_wait3A_76 : memref<1x128xi32, #tpu.memory_space<vmem>> -> memref<128xi32, #tpu.memory_space<vmem>>
      %dma_wait3A_78 = arith.constant 0 : i32
      %dma_wait3A_79 = arith.constant 0 : i32
      %dma_wait3A_80 = tpu.memref_slice %arg2[%dma_wait3A_78, %dma_wait3A_79] : memref<10112x128xf32, #tpu.memory_space<hbm>> -> memref<10112x128xf32, #tpu.memory_space<hbm>>
      tpu.wait_indirect_dma semaphore(%arg11 : memref<!tpu.dma_semaphore, #tpu.memory_space<semaphore_mem>>) src(%dma_wait3A_80 : memref<10112x128xf32, #tpu.memory_space<hbm>>) dst(%dma_wait3A_74 : memref<128x128xf32, #tpu.memory_space<vmem>>)
      %run_scoped3A = arith.constant 0 : i32
      "tpu.region"() ({
        %run_scoped3A_108 = tpu.sem_alloc : memref<!tpu.dma_semaphore, #tpu.memory_space<semaphore_mem>>
        %dma_start3A_109 = arith.constant 0 : i32
        %dma_start3A_110 = arith.constant 0 : i32
        %dma_start3A_111 = tpu.memref_slice %arg9[%run_scoped3A, %dma_start3A_109, %dma_start3A_110] : memref<2x128x128xf32, #tpu.memory_space<vmem>> -> memref<1x128x128xf32, #tpu.memory_space<vmem>>
        %dma_start3A_112 = tpu.memref_squeeze %dma_start3A_111 : memref<1x128x128xf32, #tpu.memory_space<vmem>> -> memref<128x128xf32, #tpu.memory_space<vmem>>
        %dma_start3A_113 = arith.constant 0 : i32
        %dma_start3A_114 = tpu.memref_slice %arg8[%add3A_70, %dma_start3A_113] : memref<40x128xi32, #tpu.memory_space<vmem>> -> memref<1x128xi32, #tpu.memory_space<vmem>>
        %dma_start3A_115 = tpu.memref_squeeze %dma_start3A_114 : memref<1x128xi32, #tpu.memory_space<vmem>> -> memref<128xi32, #tpu.memory_space<vmem>>
        %dma_start3A_116 = arith.constant 0 : i32
        %dma_start3A_117 = arith.constant 0 : i32
        %dma_start3A_118 = tpu.memref_slice %arg10[%dma_start3A_116, %dma_start3A_117] : memref<10112x128xf32, #tpu.memory_space<vmem_shared>> -> memref<10112x128xf32, #tpu.memory_space<vmem_shared>>
        tpu.enqueue_indirect_dma source(%dma_start3A_112 : memref<128x128xf32, #tpu.memory_space<vmem>>) target(%dma_start3A_118 : memref<10112x128xf32, #tpu.memory_space<vmem_shared>>) offsets(%dma_start3A_115 : memref<128xi32, #tpu.memory_space<vmem>>) semaphore(%run_scoped3A_108 : memref<!tpu.dma_semaphore, #tpu.memory_space<semaphore_mem>>) {add = true}
        %dma_wait3A_119 = arith.constant 0 : i32
        %dma_wait3A_120 = arith.constant 0 : i32
        %dma_wait3A_121 = tpu.memref_slice %arg9[%run_scoped3A, %dma_wait3A_119, %dma_wait3A_120] : memref<2x128x128xf32, #tpu.memory_space<vmem>> -> memref<1x128x128xf32, #tpu.memory_space<vmem>>
        %dma_wait3A_122 = tpu.memref_squeeze %dma_wait3A_121 : memref<1x128x128xf32, #tpu.memory_space<vmem>> -> memref<128x128xf32, #tpu.memory_space<vmem>>
        %dma_wait3A_123 = arith.constant 0 : i32
        %dma_wait3A_124 = tpu.memref_slice %arg8[%add3A_70, %dma_wait3A_123] : memref<40x128xi32, #tpu.memory_space<vmem>> -> memref<1x128xi32, #tpu.memory_space<vmem>>
        %dma_wait3A_125 = tpu.memref_squeeze %dma_wait3A_124 : memref<1x128xi32, #tpu.memory_space<vmem>> -> memref<128xi32, #tpu.memory_space<vmem>>
        %dma_wait3A_126 = arith.constant 0 : i32
        %dma_wait3A_127 = arith.constant 0 : i32
        %dma_wait3A_128 = tpu.memref_slice %arg10[%dma_wait3A_126, %dma_wait3A_127] : memref<10112x128xf32, #tpu.memory_space<vmem_shared>> -> memref<10112x128xf32, #tpu.memory_space<vmem_shared>>
        tpu.wait_indirect_dma semaphore(%run_scoped3A_108 : memref<!tpu.dma_semaphore, #tpu.memory_space<semaphore_mem>>) src(%dma_wait3A_122 : memref<128x128xf32, #tpu.memory_space<vmem>>) dst(%dma_wait3A_128 : memref<10112x128xf32, #tpu.memory_space<vmem_shared>>)
        tpu.yield
      }) : () -> ()
      %add3A_81 = arith.constant 2 : i32
      %add3A_82 = arith.addi %add3A_70, %add3A_81 : i32
      %lt3A = arith.constant 40 : i32
      %lt3A_83 = arith.cmpi slt, %add3A_82, %lt3A : i32
      %convert_element_type3A = arith.extui %lt3A_83 : i1 to i32
      %cond3A = arith.constant 0 : i32
      %cond3A_84 = arith.cmpi ne, %convert_element_type3A, %cond3A : i32
      scf.if %cond3A_84 {
        %add3A_108 = arith.constant 2 : i32
        %add3A_109 = arith.addi %add3A_70, %add3A_108 : i32
        %dma_start3A_110 = arith.constant 0 : i32
        %dma_start3A_111 = arith.constant 0 : i32
        %dma_start3A_112 = arith.constant 0 : i32
        %dma_start3A_113 = tpu.memref_slice %arg9[%dma_start3A_110, %dma_start3A_111, %dma_start3A_112] : memref<2x128x128xf32, #tpu.memory_space<vmem>> -> memref<1x128x128xf32, #tpu.memory_space<vmem>>
        %dma_start3A_114 = tpu.memref_squeeze %dma_start3A_113 : memref<1x128x128xf32, #tpu.memory_space<vmem>> -> memref<128x128xf32, #tpu.memory_space<vmem>>
        %dma_start3A_115 = arith.constant 0 : i32
        %dma_start3A_116 = tpu.memref_slice %arg7[%add3A_109, %dma_start3A_115] : memref<40x128xi32, #tpu.memory_space<vmem>> -> memref<1x128xi32, #tpu.memory_space<vmem>>
        %dma_start3A_117 = tpu.memref_squeeze %dma_start3A_116 : memref<1x128xi32, #tpu.memory_space<vmem>> -> memref<128xi32, #tpu.memory_space<vmem>>
        %dma_start3A_118 = arith.constant 0 : i32
        %dma_start3A_119 = arith.constant 0 : i32
        %dma_start3A_120 = tpu.memref_slice %arg2[%dma_start3A_118, %dma_start3A_119] : memref<10112x128xf32, #tpu.memory_space<hbm>> -> memref<10112x128xf32, #tpu.memory_space<hbm>>
        tpu.enqueue_indirect_dma source(%dma_start3A_120 : memref<10112x128xf32, #tpu.memory_space<hbm>>) target(%dma_start3A_114 : memref<128x128xf32, #tpu.memory_space<vmem>>) offsets(%dma_start3A_117 : memref<128xi32, #tpu.memory_space<vmem>>) semaphore(%arg11 : memref<!tpu.dma_semaphore, #tpu.memory_space<semaphore_mem>>)
      } else {
      }
      %mul3A_85 = arith.constant 2 : i32
      %mul3A_86 = arith.muli %scan3A_66, %mul3A_85 : i32
      %add3A_87 = arith.constant 1 : i32
      %add3A_88 = arith.addi %mul3A_86, %add3A_87 : i32
      %dma_wait3A_89 = arith.constant 1 : i32
      %dma_wait3A_90 = arith.constant 0 : i32
      %dma_wait3A_91 = arith.constant 0 : i32
      %dma_wait3A_92 = tpu.memref_slice %arg9[%dma_wait3A_89, %dma_wait3A_90, %dma_wait3A_91] : memref<2x128x128xf32, #tpu.memory_space<vmem>> -> memref<1x128x128xf32, #tpu.memory_space<vmem>>
      %dma_wait3A_93 = tpu.memref_squeeze %dma_wait3A_92 : memref<1x128x128xf32, #tpu.memory_space<vmem>> -> memref<128x128xf32, #tpu.memory_space<vmem>>
      %dma_wait3A_94 = arith.constant 0 : i32
      %dma_wait3A_95 = tpu.memref_slice %arg7[%add3A_88, %dma_wait3A_94] : memref<40x128xi32, #tpu.memory_space<vmem>> -> memref<1x128xi32, #tpu.memory_space<vmem>>
      %dma_wait3A_96 = tpu.memref_squeeze %dma_wait3A_95 : memref<1x128xi32, #tpu.memory_space<vmem>> -> memref<128xi32, #tpu.memory_space<vmem>>
      %dma_wait3A_97 = arith.constant 0 : i32
      %dma_wait3A_98 = arith.constant 0 : i32
      %dma_wait3A_99 = tpu.memref_slice %arg2[%dma_wait3A_97, %dma_wait3A_98] : memref<10112x128xf32, #tpu.memory_space<hbm>> -> memref<10112x128xf32, #tpu.memory_space<hbm>>
      tpu.wait_indirect_dma semaphore(%arg12 : memref<!tpu.dma_semaphore, #tpu.memory_space<semaphore_mem>>) src(%dma_wait3A_99 : memref<10112x128xf32, #tpu.memory_space<hbm>>) dst(%dma_wait3A_93 : memref<128x128xf32, #tpu.memory_space<vmem>>)
      %run_scoped3A_100 = arith.constant 1 : i32
      "tpu.region"() ({
        %run_scoped3A_108 = tpu.sem_alloc : memref<!tpu.dma_semaphore, #tpu.memory_space<semaphore_mem>>
        %dma_start3A_109 = arith.constant 0 : i32
        %dma_start3A_110 = arith.constant 0 : i32
        %dma_start3A_111 = tpu.memref_slice %arg9[%run_scoped3A_100, %dma_start3A_109, %dma_start3A_110] : memref<2x128x128xf32, #tpu.memory_space<vmem>> -> memref<1x128x128xf32, #tpu.memory_space<vmem>>
        %dma_start3A_112 = tpu.memref_squeeze %dma_start3A_111 : memref<1x128x128xf32, #tpu.memory_space<vmem>> -> memref<128x128xf32, #tpu.memory_space<vmem>>
        %dma_start3A_113 = arith.constant 0 : i32
        %dma_start3A_114 = tpu.memref_slice %arg8[%add3A_88, %dma_start3A_113] : memref<40x128xi32, #tpu.memory_space<vmem>> -> memref<1x128xi32, #tpu.memory_space<vmem>>
        %dma_start3A_115 = tpu.memref_squeeze %dma_start3A_114 : memref<1x128xi32, #tpu.memory_space<vmem>> -> memref<128xi32, #tpu.memory_space<vmem>>
        %dma_start3A_116 = arith.constant 0 : i32
        %dma_start3A_117 = arith.constant 0 : i32
        %dma_start3A_118 = tpu.memref_slice %arg10[%dma_start3A_116, %dma_start3A_117] : memref<10112x128xf32, #tpu.memory_space<vmem_shared>> -> memref<10112x128xf32, #tpu.memory_space<vmem_shared>>
        tpu.enqueue_indirect_dma source(%dma_start3A_112 : memref<128x128xf32, #tpu.memory_space<vmem>>) target(%dma_start3A_118 : memref<10112x128xf32, #tpu.memory_space<vmem_shared>>) offsets(%dma_start3A_115 : memref<128xi32, #tpu.memory_space<vmem>>) semaphore(%run_scoped3A_108 : memref<!tpu.dma_semaphore, #tpu.memory_space<semaphore_mem>>) {add = true}
        %dma_wait3A_119 = arith.constant 0 : i32
        %dma_wait3A_120 = arith.constant 0 : i32
        %dma_wait3A_121 = tpu.memref_slice %arg9[%run_scoped3A_100, %dma_wait3A_119, %dma_wait3A_120] : memref<2x128x128xf32, #tpu.memory_space<vmem>> -> memref<1x128x128xf32, #tpu.memory_space<vmem>>
        %dma_wait3A_122 = tpu.memref_squeeze %dma_wait3A_121 : memref<1x128x128xf32, #tpu.memory_space<vmem>> -> memref<128x128xf32, #tpu.memory_space<vmem>>
        %dma_wait3A_123 = arith.constant 0 : i32
        %dma_wait3A_124 = tpu.memref_slice %arg8[%add3A_88, %dma_wait3A_123] : memref<40x128xi32, #tpu.memory_space<vmem>> -> memref<1x128xi32, #tpu.memory_space<vmem>>
        %dma_wait3A_125 = tpu.memref_squeeze %dma_wait3A_124 : memref<1x128xi32, #tpu.memory_space<vmem>> -> memref<128xi32, #tpu.memory_space<vmem>>
        %dma_wait3A_126 = arith.constant 0 : i32
        %dma_wait3A_127 = arith.constant 0 : i32
        %dma_wait3A_128 = tpu.memref_slice %arg10[%dma_wait3A_126, %dma_wait3A_127] : memref<10112x128xf32, #tpu.memory_space<vmem_shared>> -> memref<10112x128xf32, #tpu.memory_space<vmem_shared>>
        tpu.wait_indirect_dma semaphore(%run_scoped3A_108 : memref<!tpu.dma_semaphore, #tpu.memory_space<semaphore_mem>>) src(%dma_wait3A_122 : memref<128x128xf32, #tpu.memory_space<vmem>>) dst(%dma_wait3A_128 : memref<10112x128xf32, #tpu.memory_space<vmem_shared>>)
        tpu.yield
      }) : () -> ()
      %add3A_101 = arith.constant 2 : i32
      %add3A_102 = arith.addi %add3A_88, %add3A_101 : i32
      %lt3A_103 = arith.constant 40 : i32
      %lt3A_104 = arith.cmpi slt, %add3A_102, %lt3A_103 : i32
      %convert_element_type3A_105 = arith.extui %lt3A_104 : i1 to i32
      %cond3A_106 = arith.constant 0 : i32
      %cond3A_107 = arith.cmpi ne, %convert_element_type3A_105, %cond3A_106 : i32
      scf.if %cond3A_107 {
        %add3A_108 = arith.constant 2 : i32
        %add3A_109 = arith.addi %add3A_88, %add3A_108 : i32
        %dma_start3A_110 = arith.constant 1 : i32
        %dma_start3A_111 = arith.constant 0 : i32
        %dma_start3A_112 = arith.constant 0 : i32
        %dma_start3A_113 = tpu.memref_slice %arg9[%dma_start3A_110, %dma_start3A_111, %dma_start3A_112] : memref<2x128x128xf32, #tpu.memory_space<vmem>> -> memref<1x128x128xf32, #tpu.memory_space<vmem>>
        %dma_start3A_114 = tpu.memref_squeeze %dma_start3A_113 : memref<1x128x128xf32, #tpu.memory_space<vmem>> -> memref<128x128xf32, #tpu.memory_space<vmem>>
        %dma_start3A_115 = arith.constant 0 : i32
        %dma_start3A_116 = tpu.memref_slice %arg7[%add3A_109, %dma_start3A_115] : memref<40x128xi32, #tpu.memory_space<vmem>> -> memref<1x128xi32, #tpu.memory_space<vmem>>
        %dma_start3A_117 = tpu.memref_squeeze %dma_start3A_116 : memref<1x128xi32, #tpu.memory_space<vmem>> -> memref<128xi32, #tpu.memory_space<vmem>>
        %dma_start3A_118 = arith.constant 0 : i32
        %dma_start3A_119 = arith.constant 0 : i32
        %dma_start3A_120 = tpu.memref_slice %arg2[%dma_start3A_118, %dma_start3A_119] : memref<10112x128xf32, #tpu.memory_space<hbm>> -> memref<10112x128xf32, #tpu.memory_space<hbm>>
        tpu.enqueue_indirect_dma source(%dma_start3A_120 : memref<10112x128xf32, #tpu.memory_space<hbm>>) target(%dma_start3A_114 : memref<128x128xf32, #tpu.memory_space<vmem>>) offsets(%dma_start3A_117 : memref<128xi32, #tpu.memory_space<vmem>>) semaphore(%arg12 : memref<!tpu.dma_semaphore, #tpu.memory_space<semaphore_mem>>)
      } else {
      }
    }
    %scan3A_60 = arith.constant 20 : i32
    %barrier3A_61 = arith.constant 0 : index
    tpu.barrier barrier_id(%barrier3A_61)
    %mul3A_62 = arith.constant 632 : i32
    %mul3A_63 = arith.muli %arg1, %mul3A_62 : i32
    %mul3A_64 = arith.constant 632 : i32
    %mul3A_65 = arith.muli %arg1, %mul3A_64 : i32
    "tpu.region"() ({
      %run_scoped3A = tpu.sem_alloc : memref<!tpu.dma_semaphore, #tpu.memory_space<semaphore_mem>>
      %dma_start3A_66 = arith.constant 0 : i32
      %dma_start3A_67 = tpu.memref_slice %arg6[%arg0, %mul3A_65, %dma_start3A_66] : memref<2x10112x128xf32, #tpu.memory_space<hbm>> -> memref<1x632x128xf32, #tpu.memory_space<hbm>>
      %dma_start3A_68 = tpu.memref_squeeze %dma_start3A_67 : memref<1x632x128xf32, #tpu.memory_space<hbm>> -> memref<632x128xf32, #tpu.memory_space<hbm>>
      %dma_start3A_69 = arith.constant 0 : i32
      %dma_start3A_70 = tpu.memref_slice %arg10[%mul3A_63, %dma_start3A_69] : memref<10112x128xf32, #tpu.memory_space<vmem_shared>> -> memref<632x128xf32, #tpu.memory_space<vmem_shared>>
      tpu.enqueue_dma source(%dma_start3A_70 : memref<632x128xf32, #tpu.memory_space<vmem_shared>>) target(%dma_start3A_68 : memref<632x128xf32, #tpu.memory_space<hbm>>) target_semaphore(%run_scoped3A : memref<!tpu.dma_semaphore, #tpu.memory_space<semaphore_mem>>)
      %dma_wait3A = arith.constant 0 : i32
      %dma_wait3A_71 = tpu.memref_slice %arg6[%arg0, %mul3A_65, %dma_wait3A] : memref<2x10112x128xf32, #tpu.memory_space<hbm>> -> memref<1x632x128xf32, #tpu.memory_space<hbm>>
      %dma_wait3A_72 = tpu.memref_squeeze %dma_wait3A_71 : memref<1x632x128xf32, #tpu.memory_space<hbm>> -> memref<632x128xf32, #tpu.memory_space<hbm>>
      %dma_wait3A_73 = arith.constant 0 : i32
      %dma_wait3A_74 = tpu.memref_slice %arg10[%mul3A_63, %dma_wait3A_73] : memref<10112x128xf32, #tpu.memory_space<vmem_shared>> -> memref<632x128xf32, #tpu.memory_space<vmem_shared>>
      tpu.wait_dma2 semaphore(%run_scoped3A : memref<!tpu.dma_semaphore, #tpu.memory_space<semaphore_mem>>) src(%dma_wait3A_74 : memref<632x128xf32, #tpu.memory_space<vmem_shared>>) dst(%dma_wait3A_72 : memref<632x128xf32, #tpu.memory_space<hbm>>)
      tpu.yield
    }) : () -> ()
    return
  }
}

#map = affine_map<(d0, d1) -> (0, 0)>
#map1 = affine_map<(d0, d1) -> (0, 0, 0)>
module attributes {stable_mosaic.version = 14 : i64} {
  func.func @_spmv_body(%arg0: i32, %arg1: i32, %arg2: memref<10112x128xf32, #tpu.memory_space<hbm>>, %arg3: memref<32x80x128xi32, #tpu.memory_space<hbm>>, %arg4: memref<32x80x128xi32, #tpu.memory_space<hbm>>, %arg5: memref<632x128xf32, #tpu.memory_space<hbm>>, %arg6: memref<2x10112x128xf32, #tpu.memory_space<hbm>>, %arg7: memref<40x128xi32, #tpu.memory_space<vmem>>, %arg8: memref<40x128xi32, #tpu.memory_space<vmem>>, %arg9: memref<2x128x128xf32, #tpu.memory_space<vmem>>, %arg10: memref<10112x128xf32, #tpu.memory_space<vmem_shared>>, %arg11: memref<!tpu.dma_semaphore, #tpu.memory_space<semaphore_mem>>, %arg12: memref<!tpu.dma_semaphore, #tpu.memory_space<semaphore_mem>>) attributes {dimension_semantics = [#tpu.dimension_semantics<core_parallel>, #tpu.dimension_semantics<subcore_parallel>], iteration_bounds = array<i64: 2, 16>, scalar_prefetch = 0 : i64, scratch_operands = 6 : i64, tpu.core_type = #tpu.core_type<sc_vector_subcore>, window_params = [{transform_indices = #map}, {transform_indices = #map1}, {transform_indices = #map1}, {transform_indices = #map}, {transform_indices = #map1}]} {
    %mul3A = arith.constant 16 : i32
    %mul3A_0 = arith.muli %arg0, %mul3A : i32
    %add3A = arith.addi %mul3A_0, %arg1 : i32
    %mul3A_1 = arith.constant 632 : i32
    %mul3A_2 = arith.muli %arg1, %mul3A_1 : i32
    "tpu.region"() ({
      %run_scoped3A = tpu.sem_alloc : memref<!tpu.dma_semaphore, #tpu.memory_space<semaphore_mem>>
      %dma_start3A_66 = arith.constant 0 : i32
      %dma_start3A_67 = tpu.memref_slice %arg10[%mul3A_2, %dma_start3A_66] : memref<10112x128xf32, #tpu.memory_space<vmem_shared>> -> memref<632x128xf32, #tpu.memory_space<vmem_shared>>
      tpu.enqueue_dma source(%arg5 : memref<632x128xf32, #tpu.memory_space<hbm>>) target(%dma_start3A_67 : memref<632x128xf32, #tpu.memory_space<vmem_shared>>) target_semaphore(%run_scoped3A : memref<!tpu.dma_semaphore, #tpu.memory_space<semaphore_mem>>)
      %dma_wait3A = arith.constant 0 : i32
      %dma_wait3A_68 = tpu.memref_slice %arg10[%mul3A_2, %dma_wait3A] : memref<10112x128xf32, #tpu.memory_space<vmem_shared>> -> memref<632x128xf32, #tpu.memory_space<vmem_shared>>
      tpu.wait_dma2 semaphore(%run_scoped3A : memref<!tpu.dma_semaphore, #tpu.memory_space<semaphore_mem>>) src(%arg5 : memref<632x128xf32, #tpu.memory_space<hbm>>) dst(%dma_wait3A_68 : memref<632x128xf32, #tpu.memory_space<vmem_shared>>)
      tpu.yield
    }) : () -> ()
    %barrier3A = arith.constant 0 : index
    tpu.barrier barrier_id(%barrier3A)
    "tpu.region"() ({
      %run_scoped3A = tpu.sem_alloc : memref<!tpu.dma_semaphore, #tpu.memory_space<semaphore_mem>>
      %dma_start3A_66 = arith.constant 0 : i32
      %dma_start3A_67 = arith.constant 0 : i32
      %dma_start3A_68 = tpu.memref_slice %arg3[%add3A, %dma_start3A_66, %dma_start3A_67] : memref<32x80x128xi32, #tpu.memory_space<hbm>> -> memref<1x40x128xi32, #tpu.memory_space<hbm>>
      %dma_start3A_69 = tpu.memref_squeeze %dma_start3A_68 : memref<1x40x128xi32, #tpu.memory_space<hbm>> -> memref<40x128xi32, #tpu.memory_space<hbm>>
      %dma_start3A_70 = arith.constant 0 : i32
      %dma_start3A_71 = arith.constant 0 : i32
      %dma_start3A_72 = tpu.memref_slice %arg3[%add3A, %dma_start3A_70, %dma_start3A_71] : memref<32x80x128xi32, #tpu.memory_space<hbm>> -> memref<1x40x128xi32, #tpu.memory_space<hbm>>
      %dma_start3A_73 = tpu.memref_squeeze %dma_start3A_72 : memref<1x40x128xi32, #tpu.memory_space<hbm>> -> memref<40x128xi32, #tpu.memory_space<hbm>>
      tpu.enqueue_dma source(%dma_start3A_73 : memref<40x128xi32, #tpu.memory_space<hbm>>) target(%arg7 : memref<40x128xi32, #tpu.memory_space<vmem>>) target_semaphore(%run_scoped3A : memref<!tpu.dma_semaphore, #tpu.memory_space<semaphore_mem>>)
      %dma_wait3A = arith.constant 0 : i32
      %dma_wait3A_74 = arith.constant 0 : i32
      %dma_wait3A_75 = tpu.memref_slice %arg3[%add3A, %dma_wait3A, %dma_wait3A_74] : memref<32x80x128xi32, #tpu.memory_space<hbm>> -> memref<1x40x128xi32, #tpu.memory_space<hbm>>
      %dma_wait3A_76 = tpu.memref_squeeze %dma_wait3A_75 : memref<1x40x128xi32, #tpu.memory_space<hbm>> -> memref<40x128xi32, #tpu.memory_space<hbm>>
      %dma_wait3A_77 = arith.constant 0 : i32
      %dma_wait3A_78 = arith.constant 0 : i32
      %dma_wait3A_79 = tpu.memref_slice %arg3[%add3A, %dma_wait3A_77, %dma_wait3A_78] : memref<32x80x128xi32, #tpu.memory_space<hbm>> -> memref<1x40x128xi32, #tpu.memory_space<hbm>>
      %dma_wait3A_80 = tpu.memref_squeeze %dma_wait3A_79 : memref<1x40x128xi32, #tpu.memory_space<hbm>> -> memref<40x128xi32, #tpu.memory_space<hbm>>
      tpu.wait_dma2 semaphore(%run_scoped3A : memref<!tpu.dma_semaphore, #tpu.memory_space<semaphore_mem>>) src(%dma_wait3A_80 : memref<40x128xi32, #tpu.memory_space<hbm>>) dst(%arg7 : memref<40x128xi32, #tpu.memory_space<vmem>>)
      tpu.yield
    }) : () -> ()
    "tpu.region"() ({
      %run_scoped3A = tpu.sem_alloc : memref<!tpu.dma_semaphore, #tpu.memory_space<semaphore_mem>>
      %dma_start3A_66 = arith.constant 0 : i32
      %dma_start3A_67 = arith.constant 0 : i32
      %dma_start3A_68 = tpu.memref_slice %arg4[%add3A, %dma_start3A_66, %dma_start3A_67] : memref<32x80x128xi32, #tpu.memory_space<hbm>> -> memref<1x40x128xi32, #tpu.memory_space<hbm>>
      %dma_start3A_69 = tpu.memref_squeeze %dma_start3A_68 : memref<1x40x128xi32, #tpu.memory_space<hbm>> -> memref<40x128xi32, #tpu.memory_space<hbm>>
      %dma_start3A_70 = arith.constant 0 : i32
      %dma_start3A_71 = arith.constant 0 : i32
      %dma_start3A_72 = tpu.memref_slice %arg4[%add3A, %dma_start3A_70, %dma_start3A_71] : memref<32x80x128xi32, #tpu.memory_space<hbm>> -> memref<1x40x128xi32, #tpu.memory_space<hbm>>
      %dma_start3A_73 = tpu.memref_squeeze %dma_start3A_72 : memref<1x40x128xi32, #tpu.memory_space<hbm>> -> memref<40x128xi32, #tpu.memory_space<hbm>>
      tpu.enqueue_dma source(%dma_start3A_73 : memref<40x128xi32, #tpu.memory_space<hbm>>) target(%arg8 : memref<40x128xi32, #tpu.memory_space<vmem>>) target_semaphore(%run_scoped3A : memref<!tpu.dma_semaphore, #tpu.memory_space<semaphore_mem>>)
      %dma_wait3A = arith.constant 0 : i32
      %dma_wait3A_74 = arith.constant 0 : i32
      %dma_wait3A_75 = tpu.memref_slice %arg4[%add3A, %dma_wait3A, %dma_wait3A_74] : memref<32x80x128xi32, #tpu.memory_space<hbm>> -> memref<1x40x128xi32, #tpu.memory_space<hbm>>
      %dma_wait3A_76 = tpu.memref_squeeze %dma_wait3A_75 : memref<1x40x128xi32, #tpu.memory_space<hbm>> -> memref<40x128xi32, #tpu.memory_space<hbm>>
      %dma_wait3A_77 = arith.constant 0 : i32
      %dma_wait3A_78 = arith.constant 0 : i32
      %dma_wait3A_79 = tpu.memref_slice %arg4[%add3A, %dma_wait3A_77, %dma_wait3A_78] : memref<32x80x128xi32, #tpu.memory_space<hbm>> -> memref<1x40x128xi32, #tpu.memory_space<hbm>>
      %dma_wait3A_80 = tpu.memref_squeeze %dma_wait3A_79 : memref<1x40x128xi32, #tpu.memory_space<hbm>> -> memref<40x128xi32, #tpu.memory_space<hbm>>
      tpu.wait_dma2 semaphore(%run_scoped3A : memref<!tpu.dma_semaphore, #tpu.memory_space<semaphore_mem>>) src(%dma_wait3A_80 : memref<40x128xi32, #tpu.memory_space<hbm>>) dst(%arg8 : memref<40x128xi32, #tpu.memory_space<vmem>>)
      tpu.yield
    }) : () -> ()
    %dma_start3A = arith.constant 0 : i32
    %dma_start3A_3 = arith.constant 0 : i32
    %dma_start3A_4 = arith.constant 0 : i32
    %dma_start3A_5 = arith.constant 0 : i32
    %dma_start3A_6 = tpu.memref_slice %arg9[%dma_start3A_3, %dma_start3A_4, %dma_start3A_5] : memref<2x128x128xf32, #tpu.memory_space<vmem>> -> memref<1x128x128xf32, #tpu.memory_space<vmem>>
    %dma_start3A_7 = tpu.memref_squeeze %dma_start3A_6 : memref<1x128x128xf32, #tpu.memory_space<vmem>> -> memref<128x128xf32, #tpu.memory_space<vmem>>
    %dma_start3A_8 = arith.constant 0 : i32
    %dma_start3A_9 = tpu.memref_slice %arg7[%dma_start3A, %dma_start3A_8] : memref<40x128xi32, #tpu.memory_space<vmem>> -> memref<1x128xi32, #tpu.memory_space<vmem>>
    %dma_start3A_10 = tpu.memref_squeeze %dma_start3A_9 : memref<1x128xi32, #tpu.memory_space<vmem>> -> memref<128xi32, #tpu.memory_space<vmem>>
    %dma_start3A_11 = arith.constant 0 : i32
    %dma_start3A_12 = arith.constant 0 : i32
    %dma_start3A_13 = tpu.memref_slice %arg2[%dma_start3A_11, %dma_start3A_12] : memref<10112x128xf32, #tpu.memory_space<hbm>> -> memref<10112x128xf32, #tpu.memory_space<hbm>>
    tpu.enqueue_indirect_dma source(%dma_start3A_13 : memref<10112x128xf32, #tpu.memory_space<hbm>>) target(%dma_start3A_7 : memref<128x128xf32, #tpu.memory_space<vmem>>) offsets(%dma_start3A_10 : memref<128xi32, #tpu.memory_space<vmem>>) semaphore(%arg11 : memref<!tpu.dma_semaphore, #tpu.memory_space<semaphore_mem>>)
    %dma_start3A_14 = arith.constant 1 : i32
    %dma_start3A_15 = arith.constant 1 : i32
    %dma_start3A_16 = arith.constant 0 : i32
    %dma_start3A_17 = arith.constant 0 : i32
    %dma_start3A_18 = tpu.memref_slice %arg9[%dma_start3A_15, %dma_start3A_16, %dma_start3A_17] : memref<2x128x128xf32, #tpu.memory_space<vmem>> -> memref<1x128x128xf32, #tpu.memory_space<vmem>>
    %dma_start3A_19 = tpu.memref_squeeze %dma_start3A_18 : memref<1x128x128xf32, #tpu.memory_space<vmem>> -> memref<128x128xf32, #tpu.memory_space<vmem>>
    %dma_start3A_20 = arith.constant 0 : i32
    %dma_start3A_21 = tpu.memref_slice %arg7[%dma_start3A_14, %dma_start3A_20] : memref<40x128xi32, #tpu.memory_space<vmem>> -> memref<1x128xi32, #tpu.memory_space<vmem>>
    %dma_start3A_22 = tpu.memref_squeeze %dma_start3A_21 : memref<1x128xi32, #tpu.memory_space<vmem>> -> memref<128xi32, #tpu.memory_space<vmem>>
    %dma_start3A_23 = arith.constant 0 : i32
    %dma_start3A_24 = arith.constant 0 : i32
    %dma_start3A_25 = tpu.memref_slice %arg2[%dma_start3A_23, %dma_start3A_24] : memref<10112x128xf32, #tpu.memory_space<hbm>> -> memref<10112x128xf32, #tpu.memory_space<hbm>>
    tpu.enqueue_indirect_dma source(%dma_start3A_25 : memref<10112x128xf32, #tpu.memory_space<hbm>>) target(%dma_start3A_19 : memref<128x128xf32, #tpu.memory_space<vmem>>) offsets(%dma_start3A_22 : memref<128xi32, #tpu.memory_space<vmem>>) semaphore(%arg12 : memref<!tpu.dma_semaphore, #tpu.memory_space<semaphore_mem>>)
    %scan3A = arith.constant 0 : i32
    %scan3A_26 = arith.constant 0 : i32
    %scan3A_27 = arith.constant 20 : i32
    %scan3A_28 = arith.addi %scan3A_26, %scan3A_27 : i32
    %scan3A_29 = arith.constant 1 : i32
    scf.for %scan3A_66 = %scan3A_26 to %scan3A_28 step %scan3A_29  : i32 {
      %mul3A_67 = arith.constant 2 : i32
      %mul3A_68 = arith.muli %scan3A_66, %mul3A_67 : i32
      %add3A_69 = arith.constant 0 : i32
      %add3A_70 = arith.addi %mul3A_68, %add3A_69 : i32
      %dma_wait3A = arith.constant 0 : i32
      %dma_wait3A_71 = arith.constant 0 : i32
      %dma_wait3A_72 = arith.constant 0 : i32
      %dma_wait3A_73 = tpu.memref_slice %arg9[%dma_wait3A, %dma_wait3A_71, %dma_wait3A_72] : memref<2x128x128xf32, #tpu.memory_space<vmem>> -> memref<1x128x128xf32, #tpu.memory_space<vmem>>
      %dma_wait3A_74 = tpu.memref_squeeze %dma_wait3A_73 : memref<1x128x128xf32, #tpu.memory_space<vmem>> -> memref<128x128xf32, #tpu.memory_space<vmem>>
      %dma_wait3A_75 = arith.constant 0 : i32
      %dma_wait3A_76 = tpu.memref_slice %arg7[%add3A_70, %dma_wait3A_75] : memref<40x128xi32, #tpu.memory_space<vmem>> -> memref<1x128xi32, #tpu.memory_space<vmem>>
      %dma_wait3A_77 = tpu.memref_squeeze %dma_wait3A_76 : memref<1x128xi32, #tpu.memory_space<vmem>> -> memref<128xi32, #tpu.memory_space<vmem>>
      %dma_wait3A_78 = arith.constant 0 : i32
      %dma_wait3A_79 = arith.constant 0 : i32
      %dma_wait3A_80 = tpu.memref_slice %arg2[%dma_wait3A_78, %dma_wait3A_79] : memref<10112x128xf32, #tpu.memory_space<hbm>> -> memref<10112x128xf32, #tpu.memory_space<hbm>>
      tpu.wait_indirect_dma semaphore(%arg11 : memref<!tpu.dma_semaphore, #tpu.memory_space<semaphore_mem>>) src(%dma_wait3A_80 : memref<10112x128xf32, #tpu.memory_space<hbm>>) dst(%dma_wait3A_74 : memref<128x128xf32, #tpu.memory_space<vmem>>)
      %run_scoped3A = arith.constant 0 : i32
      "tpu.region"() ({
        %run_scoped3A_108 = tpu.sem_alloc : memref<!tpu.dma_semaphore, #tpu.memory_space<semaphore_mem>>
        %dma_start3A_109 = arith.constant 0 : i32
        %dma_start3A_110 = arith.constant 0 : i32
        %dma_start3A_111 = tpu.memref_slice %arg9[%run_scoped3A, %dma_start3A_109, %dma_start3A_110] : memref<2x128x128xf32, #tpu.memory_space<vmem>> -> memref<1x128x128xf32, #tpu.memory_space<vmem>>
        %dma_start3A_112 = tpu.memref_squeeze %dma_start3A_111 : memref<1x128x128xf32, #tpu.memory_space<vmem>> -> memref<128x128xf32, #tpu.memory_space<vmem>>
        %dma_start3A_113 = arith.constant 0 : i32
        %dma_start3A_114 = tpu.memref_slice %arg8[%add3A_70, %dma_start3A_113] : memref<40x128xi32, #tpu.memory_space<vmem>> -> memref<1x128xi32, #tpu.memory_space<vmem>>
        %dma_start3A_115 = tpu.memref_squeeze %dma_start3A_114 : memref<1x128xi32, #tpu.memory_space<vmem>> -> memref<128xi32, #tpu.memory_space<vmem>>
        %dma_start3A_116 = arith.constant 0 : i32
        %dma_start3A_117 = arith.constant 0 : i32
        %dma_start3A_118 = tpu.memref_slice %arg10[%dma_start3A_116, %dma_start3A_117] : memref<10112x128xf32, #tpu.memory_space<vmem_shared>> -> memref<10112x128xf32, #tpu.memory_space<vmem_shared>>
        tpu.enqueue_indirect_dma source(%dma_start3A_112 : memref<128x128xf32, #tpu.memory_space<vmem>>) target(%dma_start3A_118 : memref<10112x128xf32, #tpu.memory_space<vmem_shared>>) offsets(%dma_start3A_115 : memref<128xi32, #tpu.memory_space<vmem>>) semaphore(%run_scoped3A_108 : memref<!tpu.dma_semaphore, #tpu.memory_space<semaphore_mem>>) {add = true}
        %dma_wait3A_119 = arith.constant 0 : i32
        %dma_wait3A_120 = arith.constant 0 : i32
        %dma_wait3A_121 = tpu.memref_slice %arg9[%run_scoped3A, %dma_wait3A_119, %dma_wait3A_120] : memref<2x128x128xf32, #tpu.memory_space<vmem>> -> memref<1x128x128xf32, #tpu.memory_space<vmem>>
        %dma_wait3A_122 = tpu.memref_squeeze %dma_wait3A_121 : memref<1x128x128xf32, #tpu.memory_space<vmem>> -> memref<128x128xf32, #tpu.memory_space<vmem>>
        %dma_wait3A_123 = arith.constant 0 : i32
        %dma_wait3A_124 = tpu.memref_slice %arg8[%add3A_70, %dma_wait3A_123] : memref<40x128xi32, #tpu.memory_space<vmem>> -> memref<1x128xi32, #tpu.memory_space<vmem>>
        %dma_wait3A_125 = tpu.memref_squeeze %dma_wait3A_124 : memref<1x128xi32, #tpu.memory_space<vmem>> -> memref<128xi32, #tpu.memory_space<vmem>>
        %dma_wait3A_126 = arith.constant 0 : i32
        %dma_wait3A_127 = arith.constant 0 : i32
        %dma_wait3A_128 = tpu.memref_slice %arg10[%dma_wait3A_126, %dma_wait3A_127] : memref<10112x128xf32, #tpu.memory_space<vmem_shared>> -> memref<10112x128xf32, #tpu.memory_space<vmem_shared>>
        tpu.wait_indirect_dma semaphore(%run_scoped3A_108 : memref<!tpu.dma_semaphore, #tpu.memory_space<semaphore_mem>>) src(%dma_wait3A_122 : memref<128x128xf32, #tpu.memory_space<vmem>>) dst(%dma_wait3A_128 : memref<10112x128xf32, #tpu.memory_space<vmem_shared>>)
        tpu.yield
      }) : () -> ()
      %add3A_81 = arith.constant 2 : i32
      %add3A_82 = arith.addi %add3A_70, %add3A_81 : i32
      %lt3A = arith.constant 40 : i32
      %lt3A_83 = arith.cmpi slt, %add3A_82, %lt3A : i32
      %convert_element_type3A = arith.extui %lt3A_83 : i1 to i32
      %cond3A = arith.constant 0 : i32
      %cond3A_84 = arith.cmpi ne, %convert_element_type3A, %cond3A : i32
      scf.if %cond3A_84 {
        %add3A_108 = arith.constant 2 : i32
        %add3A_109 = arith.addi %add3A_70, %add3A_108 : i32
        %dma_start3A_110 = arith.constant 0 : i32
        %dma_start3A_111 = arith.constant 0 : i32
        %dma_start3A_112 = arith.constant 0 : i32
        %dma_start3A_113 = tpu.memref_slice %arg9[%dma_start3A_110, %dma_start3A_111, %dma_start3A_112] : memref<2x128x128xf32, #tpu.memory_space<vmem>> -> memref<1x128x128xf32, #tpu.memory_space<vmem>>
        %dma_start3A_114 = tpu.memref_squeeze %dma_start3A_113 : memref<1x128x128xf32, #tpu.memory_space<vmem>> -> memref<128x128xf32, #tpu.memory_space<vmem>>
        %dma_start3A_115 = arith.constant 0 : i32
        %dma_start3A_116 = tpu.memref_slice %arg7[%add3A_109, %dma_start3A_115] : memref<40x128xi32, #tpu.memory_space<vmem>> -> memref<1x128xi32, #tpu.memory_space<vmem>>
        %dma_start3A_117 = tpu.memref_squeeze %dma_start3A_116 : memref<1x128xi32, #tpu.memory_space<vmem>> -> memref<128xi32, #tpu.memory_space<vmem>>
        %dma_start3A_118 = arith.constant 0 : i32
        %dma_start3A_119 = arith.constant 0 : i32
        %dma_start3A_120 = tpu.memref_slice %arg2[%dma_start3A_118, %dma_start3A_119] : memref<10112x128xf32, #tpu.memory_space<hbm>> -> memref<10112x128xf32, #tpu.memory_space<hbm>>
        tpu.enqueue_indirect_dma source(%dma_start3A_120 : memref<10112x128xf32, #tpu.memory_space<hbm>>) target(%dma_start3A_114 : memref<128x128xf32, #tpu.memory_space<vmem>>) offsets(%dma_start3A_117 : memref<128xi32, #tpu.memory_space<vmem>>) semaphore(%arg11 : memref<!tpu.dma_semaphore, #tpu.memory_space<semaphore_mem>>)
      } else {
      }
      %mul3A_85 = arith.constant 2 : i32
      %mul3A_86 = arith.muli %scan3A_66, %mul3A_85 : i32
      %add3A_87 = arith.constant 1 : i32
      %add3A_88 = arith.addi %mul3A_86, %add3A_87 : i32
      %dma_wait3A_89 = arith.constant 1 : i32
      %dma_wait3A_90 = arith.constant 0 : i32
      %dma_wait3A_91 = arith.constant 0 : i32
      %dma_wait3A_92 = tpu.memref_slice %arg9[%dma_wait3A_89, %dma_wait3A_90, %dma_wait3A_91] : memref<2x128x128xf32, #tpu.memory_space<vmem>> -> memref<1x128x128xf32, #tpu.memory_space<vmem>>
      %dma_wait3A_93 = tpu.memref_squeeze %dma_wait3A_92 : memref<1x128x128xf32, #tpu.memory_space<vmem>> -> memref<128x128xf32, #tpu.memory_space<vmem>>
      %dma_wait3A_94 = arith.constant 0 : i32
      %dma_wait3A_95 = tpu.memref_slice %arg7[%add3A_88, %dma_wait3A_94] : memref<40x128xi32, #tpu.memory_space<vmem>> -> memref<1x128xi32, #tpu.memory_space<vmem>>
      %dma_wait3A_96 = tpu.memref_squeeze %dma_wait3A_95 : memref<1x128xi32, #tpu.memory_space<vmem>> -> memref<128xi32, #tpu.memory_space<vmem>>
      %dma_wait3A_97 = arith.constant 0 : i32
      %dma_wait3A_98 = arith.constant 0 : i32
      %dma_wait3A_99 = tpu.memref_slice %arg2[%dma_wait3A_97, %dma_wait3A_98] : memref<10112x128xf32, #tpu.memory_space<hbm>> -> memref<10112x128xf32, #tpu.memory_space<hbm>>
      tpu.wait_indirect_dma semaphore(%arg12 : memref<!tpu.dma_semaphore, #tpu.memory_space<semaphore_mem>>) src(%dma_wait3A_99 : memref<10112x128xf32, #tpu.memory_space<hbm>>) dst(%dma_wait3A_93 : memref<128x128xf32, #tpu.memory_space<vmem>>)
      %run_scoped3A_100 = arith.constant 1 : i32
      "tpu.region"() ({
        %run_scoped3A_108 = tpu.sem_alloc : memref<!tpu.dma_semaphore, #tpu.memory_space<semaphore_mem>>
        %dma_start3A_109 = arith.constant 0 : i32
        %dma_start3A_110 = arith.constant 0 : i32
        %dma_start3A_111 = tpu.memref_slice %arg9[%run_scoped3A_100, %dma_start3A_109, %dma_start3A_110] : memref<2x128x128xf32, #tpu.memory_space<vmem>> -> memref<1x128x128xf32, #tpu.memory_space<vmem>>
        %dma_start3A_112 = tpu.memref_squeeze %dma_start3A_111 : memref<1x128x128xf32, #tpu.memory_space<vmem>> -> memref<128x128xf32, #tpu.memory_space<vmem>>
        %dma_start3A_113 = arith.constant 0 : i32
        %dma_start3A_114 = tpu.memref_slice %arg8[%add3A_88, %dma_start3A_113] : memref<40x128xi32, #tpu.memory_space<vmem>> -> memref<1x128xi32, #tpu.memory_space<vmem>>
        %dma_start3A_115 = tpu.memref_squeeze %dma_start3A_114 : memref<1x128xi32, #tpu.memory_space<vmem>> -> memref<128xi32, #tpu.memory_space<vmem>>
        %dma_start3A_116 = arith.constant 0 : i32
        %dma_start3A_117 = arith.constant 0 : i32
        %dma_start3A_118 = tpu.memref_slice %arg10[%dma_start3A_116, %dma_start3A_117] : memref<10112x128xf32, #tpu.memory_space<vmem_shared>> -> memref<10112x128xf32, #tpu.memory_space<vmem_shared>>
        tpu.enqueue_indirect_dma source(%dma_start3A_112 : memref<128x128xf32, #tpu.memory_space<vmem>>) target(%dma_start3A_118 : memref<10112x128xf32, #tpu.memory_space<vmem_shared>>) offsets(%dma_start3A_115 : memref<128xi32, #tpu.memory_space<vmem>>) semaphore(%run_scoped3A_108 : memref<!tpu.dma_semaphore, #tpu.memory_space<semaphore_mem>>) {add = true}
        %dma_wait3A_119 = arith.constant 0 : i32
        %dma_wait3A_120 = arith.constant 0 : i32
        %dma_wait3A_121 = tpu.memref_slice %arg9[%run_scoped3A_100, %dma_wait3A_119, %dma_wait3A_120] : memref<2x128x128xf32, #tpu.memory_space<vmem>> -> memref<1x128x128xf32, #tpu.memory_space<vmem>>
        %dma_wait3A_122 = tpu.memref_squeeze %dma_wait3A_121 : memref<1x128x128xf32, #tpu.memory_space<vmem>> -> memref<128x128xf32, #tpu.memory_space<vmem>>
        %dma_wait3A_123 = arith.constant 0 : i32
        %dma_wait3A_124 = tpu.memref_slice %arg8[%add3A_88, %dma_wait3A_123] : memref<40x128xi32, #tpu.memory_space<vmem>> -> memref<1x128xi32, #tpu.memory_space<vmem>>
        %dma_wait3A_125 = tpu.memref_squeeze %dma_wait3A_124 : memref<1x128xi32, #tpu.memory_space<vmem>> -> memref<128xi32, #tpu.memory_space<vmem>>
        %dma_wait3A_126 = arith.constant 0 : i32
        %dma_wait3A_127 = arith.constant 0 : i32
        %dma_wait3A_128 = tpu.memref_slice %arg10[%dma_wait3A_126, %dma_wait3A_127] : memref<10112x128xf32, #tpu.memory_space<vmem_shared>> -> memref<10112x128xf32, #tpu.memory_space<vmem_shared>>
        tpu.wait_indirect_dma semaphore(%run_scoped3A_108 : memref<!tpu.dma_semaphore, #tpu.memory_space<semaphore_mem>>) src(%dma_wait3A_122 : memref<128x128xf32, #tpu.memory_space<vmem>>) dst(%dma_wait3A_128 : memref<10112x128xf32, #tpu.memory_space<vmem_shared>>)
        tpu.yield
      }) : () -> ()
      %add3A_101 = arith.constant 2 : i32
      %add3A_102 = arith.addi %add3A_88, %add3A_101 : i32
      %lt3A_103 = arith.constant 40 : i32
      %lt3A_104 = arith.cmpi slt, %add3A_102, %lt3A_103 : i32
      %convert_element_type3A_105 = arith.extui %lt3A_104 : i1 to i32
      %cond3A_106 = arith.constant 0 : i32
      %cond3A_107 = arith.cmpi ne, %convert_element_type3A_105, %cond3A_106 : i32
      scf.if %cond3A_107 {
        %add3A_108 = arith.constant 2 : i32
        %add3A_109 = arith.addi %add3A_88, %add3A_108 : i32
        %dma_start3A_110 = arith.constant 1 : i32
        %dma_start3A_111 = arith.constant 0 : i32
        %dma_start3A_112 = arith.constant 0 : i32
        %dma_start3A_113 = tpu.memref_slice %arg9[%dma_start3A_110, %dma_start3A_111, %dma_start3A_112] : memref<2x128x128xf32, #tpu.memory_space<vmem>> -> memref<1x128x128xf32, #tpu.memory_space<vmem>>
        %dma_start3A_114 = tpu.memref_squeeze %dma_start3A_113 : memref<1x128x128xf32, #tpu.memory_space<vmem>> -> memref<128x128xf32, #tpu.memory_space<vmem>>
        %dma_start3A_115 = arith.constant 0 : i32
        %dma_start3A_116 = tpu.memref_slice %arg7[%add3A_109, %dma_start3A_115] : memref<40x128xi32, #tpu.memory_space<vmem>> -> memref<1x128xi32, #tpu.memory_space<vmem>>
        %dma_start3A_117 = tpu.memref_squeeze %dma_start3A_116 : memref<1x128xi32, #tpu.memory_space<vmem>> -> memref<128xi32, #tpu.memory_space<vmem>>
        %dma_start3A_118 = arith.constant 0 : i32
        %dma_start3A_119 = arith.constant 0 : i32
        %dma_start3A_120 = tpu.memref_slice %arg2[%dma_start3A_118, %dma_start3A_119] : memref<10112x128xf32, #tpu.memory_space<hbm>> -> memref<10112x128xf32, #tpu.memory_space<hbm>>
        tpu.enqueue_indirect_dma source(%dma_start3A_120 : memref<10112x128xf32, #tpu.memory_space<hbm>>) target(%dma_start3A_114 : memref<128x128xf32, #tpu.memory_space<vmem>>) offsets(%dma_start3A_117 : memref<128xi32, #tpu.memory_space<vmem>>) semaphore(%arg12 : memref<!tpu.dma_semaphore, #tpu.memory_space<semaphore_mem>>)
      } else {
      }
    }
    %scan3A_30 = arith.constant 20 : i32
    "tpu.region"() ({
      %run_scoped3A = tpu.sem_alloc : memref<!tpu.dma_semaphore, #tpu.memory_space<semaphore_mem>>
      %dma_start3A_66 = arith.constant 40 : i32
      %dma_start3A_67 = arith.constant 0 : i32
      %dma_start3A_68 = tpu.memref_slice %arg3[%add3A, %dma_start3A_66, %dma_start3A_67] : memref<32x80x128xi32, #tpu.memory_space<hbm>> -> memref<1x40x128xi32, #tpu.memory_space<hbm>>
      %dma_start3A_69 = tpu.memref_squeeze %dma_start3A_68 : memref<1x40x128xi32, #tpu.memory_space<hbm>> -> memref<40x128xi32, #tpu.memory_space<hbm>>
      %dma_start3A_70 = arith.constant 40 : i32
      %dma_start3A_71 = arith.constant 0 : i32
      %dma_start3A_72 = tpu.memref_slice %arg3[%add3A, %dma_start3A_70, %dma_start3A_71] : memref<32x80x128xi32, #tpu.memory_space<hbm>> -> memref<1x40x128xi32, #tpu.memory_space<hbm>>
      %dma_start3A_73 = tpu.memref_squeeze %dma_start3A_72 : memref<1x40x128xi32, #tpu.memory_space<hbm>> -> memref<40x128xi32, #tpu.memory_space<hbm>>
      tpu.enqueue_dma source(%dma_start3A_73 : memref<40x128xi32, #tpu.memory_space<hbm>>) target(%arg7 : memref<40x128xi32, #tpu.memory_space<vmem>>) target_semaphore(%run_scoped3A : memref<!tpu.dma_semaphore, #tpu.memory_space<semaphore_mem>>)
      %dma_wait3A = arith.constant 40 : i32
      %dma_wait3A_74 = arith.constant 0 : i32
      %dma_wait3A_75 = tpu.memref_slice %arg3[%add3A, %dma_wait3A, %dma_wait3A_74] : memref<32x80x128xi32, #tpu.memory_space<hbm>> -> memref<1x40x128xi32, #tpu.memory_space<hbm>>
      %dma_wait3A_76 = tpu.memref_squeeze %dma_wait3A_75 : memref<1x40x128xi32, #tpu.memory_space<hbm>> -> memref<40x128xi32, #tpu.memory_space<hbm>>
      %dma_wait3A_77 = arith.constant 40 : i32
      %dma_wait3A_78 = arith.constant 0 : i32
      %dma_wait3A_79 = tpu.memref_slice %arg3[%add3A, %dma_wait3A_77, %dma_wait3A_78] : memref<32x80x128xi32, #tpu.memory_space<hbm>> -> memref<1x40x128xi32, #tpu.memory_space<hbm>>
      %dma_wait3A_80 = tpu.memref_squeeze %dma_wait3A_79 : memref<1x40x128xi32, #tpu.memory_space<hbm>> -> memref<40x128xi32, #tpu.memory_space<hbm>>
      tpu.wait_dma2 semaphore(%run_scoped3A : memref<!tpu.dma_semaphore, #tpu.memory_space<semaphore_mem>>) src(%dma_wait3A_80 : memref<40x128xi32, #tpu.memory_space<hbm>>) dst(%arg7 : memref<40x128xi32, #tpu.memory_space<vmem>>)
      tpu.yield
    }) : () -> ()
    "tpu.region"() ({
      %run_scoped3A = tpu.sem_alloc : memref<!tpu.dma_semaphore, #tpu.memory_space<semaphore_mem>>
      %dma_start3A_66 = arith.constant 40 : i32
      %dma_start3A_67 = arith.constant 0 : i32
      %dma_start3A_68 = tpu.memref_slice %arg4[%add3A, %dma_start3A_66, %dma_start3A_67] : memref<32x80x128xi32, #tpu.memory_space<hbm>> -> memref<1x40x128xi32, #tpu.memory_space<hbm>>
      %dma_start3A_69 = tpu.memref_squeeze %dma_start3A_68 : memref<1x40x128xi32, #tpu.memory_space<hbm>> -> memref<40x128xi32, #tpu.memory_space<hbm>>
      %dma_start3A_70 = arith.constant 40 : i32
      %dma_start3A_71 = arith.constant 0 : i32
      %dma_start3A_72 = tpu.memref_slice %arg4[%add3A, %dma_start3A_70, %dma_start3A_71] : memref<32x80x128xi32, #tpu.memory_space<hbm>> -> memref<1x40x128xi32, #tpu.memory_space<hbm>>
      %dma_start3A_73 = tpu.memref_squeeze %dma_start3A_72 : memref<1x40x128xi32, #tpu.memory_space<hbm>> -> memref<40x128xi32, #tpu.memory_space<hbm>>
      tpu.enqueue_dma source(%dma_start3A_73 : memref<40x128xi32, #tpu.memory_space<hbm>>) target(%arg8 : memref<40x128xi32, #tpu.memory_space<vmem>>) target_semaphore(%run_scoped3A : memref<!tpu.dma_semaphore, #tpu.memory_space<semaphore_mem>>)
      %dma_wait3A = arith.constant 40 : i32
      %dma_wait3A_74 = arith.constant 0 : i32
      %dma_wait3A_75 = tpu.memref_slice %arg4[%add3A, %dma_wait3A, %dma_wait3A_74] : memref<32x80x128xi32, #tpu.memory_space<hbm>> -> memref<1x40x128xi32, #tpu.memory_space<hbm>>
      %dma_wait3A_76 = tpu.memref_squeeze %dma_wait3A_75 : memref<1x40x128xi32, #tpu.memory_space<hbm>> -> memref<40x128xi32, #tpu.memory_space<hbm>>
      %dma_wait3A_77 = arith.constant 40 : i32
      %dma_wait3A_78 = arith.constant 0 : i32
      %dma_wait3A_79 = tpu.memref_slice %arg4[%add3A, %dma_wait3A_77, %dma_wait3A_78] : memref<32x80x128xi32, #tpu.memory_space<hbm>> -> memref<1x40x128xi32, #tpu.memory_space<hbm>>
      %dma_wait3A_80 = tpu.memref_squeeze %dma_wait3A_79 : memref<1x40x128xi32, #tpu.memory_space<hbm>> -> memref<40x128xi32, #tpu.memory_space<hbm>>
      tpu.wait_dma2 semaphore(%run_scoped3A : memref<!tpu.dma_semaphore, #tpu.memory_space<semaphore_mem>>) src(%dma_wait3A_80 : memref<40x128xi32, #tpu.memory_space<hbm>>) dst(%arg8 : memref<40x128xi32, #tpu.memory_space<vmem>>)
      tpu.yield
    }) : () -> ()
    %dma_start3A_31 = arith.constant 0 : i32
    %dma_start3A_32 = arith.constant 0 : i32
    %dma_start3A_33 = arith.constant 0 : i32
    %dma_start3A_34 = arith.constant 0 : i32
    %dma_start3A_35 = tpu.memref_slice %arg9[%dma_start3A_32, %dma_start3A_33, %dma_start3A_34] : memref<2x128x128xf32, #tpu.memory_space<vmem>> -> memref<1x128x128xf32, #tpu.memory_space<vmem>>
    %dma_start3A_36 = tpu.memref_squeeze %dma_start3A_35 : memref<1x128x128xf32, #tpu.memory_space<vmem>> -> memref<128x128xf32, #tpu.memory_space<vmem>>
    %dma_start3A_37 = arith.constant 0 : i32
    %dma_start3A_38 = tpu.memref_slice %arg7[%dma_start3A_31, %dma_start3A_37] : memref<40x128xi32, #tpu.memory_space<vmem>> -> memref<1x128xi32, #tpu.memory_space<vmem>>
    %dma_start3A_39 = tpu.memref_squeeze %dma_start3A_38 : memref<1x128xi32, #tpu.memory_space<vmem>> -> memref<128xi32, #tpu.memory_space<vmem>>
    %dma_start3A_40 = arith.constant 0 : i32
    %dma_start3A_41 = arith.constant 0 : i32
    %dma_start3A_42 = tpu.memref_slice %arg2[%dma_start3A_40, %dma_start3A_41] : memref<10112x128xf32, #tpu.memory_space<hbm>> -> memref<10112x128xf32, #tpu.memory_space<hbm>>
    tpu.enqueue_indirect_dma source(%dma_start3A_42 : memref<10112x128xf32, #tpu.memory_space<hbm>>) target(%dma_start3A_36 : memref<128x128xf32, #tpu.memory_space<vmem>>) offsets(%dma_start3A_39 : memref<128xi32, #tpu.memory_space<vmem>>) semaphore(%arg11 : memref<!tpu.dma_semaphore, #tpu.memory_space<semaphore_mem>>)
    %dma_start3A_43 = arith.constant 1 : i32
    %dma_start3A_44 = arith.constant 1 : i32
    %dma_start3A_45 = arith.constant 0 : i32
    %dma_start3A_46 = arith.constant 0 : i32
    %dma_start3A_47 = tpu.memref_slice %arg9[%dma_start3A_44, %dma_start3A_45, %dma_start3A_46] : memref<2x128x128xf32, #tpu.memory_space<vmem>> -> memref<1x128x128xf32, #tpu.memory_space<vmem>>
    %dma_start3A_48 = tpu.memref_squeeze %dma_start3A_47 : memref<1x128x128xf32, #tpu.memory_space<vmem>> -> memref<128x128xf32, #tpu.memory_space<vmem>>
    %dma_start3A_49 = arith.constant 0 : i32
    %dma_start3A_50 = tpu.memref_slice %arg7[%dma_start3A_43, %dma_start3A_49] : memref<40x128xi32, #tpu.memory_space<vmem>> -> memref<1x128xi32, #tpu.memory_space<vmem>>
    %dma_start3A_51 = tpu.memref_squeeze %dma_start3A_50 : memref<1x128xi32, #tpu.memory_space<vmem>> -> memref<128xi32, #tpu.memory_space<vmem>>
    %dma_start3A_52 = arith.constant 0 : i32
    %dma_start3A_53 = arith.constant 0 : i32
    %dma_start3A_54 = tpu.memref_slice %arg2[%dma_start3A_52, %dma_start3A_53] : memref<10112x128xf32, #tpu.memory_space<hbm>> -> memref<10112x128xf32, #tpu.memory_space<hbm>>
    tpu.enqueue_indirect_dma source(%dma_start3A_54 : memref<10112x128xf32, #tpu.memory_space<hbm>>) target(%dma_start3A_48 : memref<128x128xf32, #tpu.memory_space<vmem>>) offsets(%dma_start3A_51 : memref<128xi32, #tpu.memory_space<vmem>>) semaphore(%arg12 : memref<!tpu.dma_semaphore, #tpu.memory_space<semaphore_mem>>)
    %scan3A_55 = arith.constant 0 : i32
    %scan3A_56 = arith.constant 0 : i32
    %scan3A_57 = arith.constant 20 : i32
    %scan3A_58 = arith.addi %scan3A_56, %scan3A_57 : i32
    %scan3A_59 = arith.constant 1 : i32
    scf.for %scan3A_66 = %scan3A_56 to %scan3A_58 step %scan3A_59  : i32 {
      %mul3A_67 = arith.constant 2 : i32
      %mul3A_68 = arith.muli %scan3A_66, %mul3A_67 : i32
      %add3A_69 = arith.constant 0 : i32
      %add3A_70 = arith.addi %mul3A_68, %add3A_69 : i32
      %dma_wait3A = arith.constant 0 : i32
      %dma_wait3A_71 = arith.constant 0 : i32
      %dma_wait3A_72 = arith.constant 0 : i32
      %dma_wait3A_73 = tpu.memref_slice %arg9[%dma_wait3A, %dma_wait3A_71, %dma_wait3A_72] : memref<2x128x128xf32, #tpu.memory_space<vmem>> -> memref<1x128x128xf32, #tpu.memory_space<vmem>>
      %dma_wait3A_74 = tpu.memref_squeeze %dma_wait3A_73 : memref<1x128x128xf32, #tpu.memory_space<vmem>> -> memref<128x128xf32, #tpu.memory_space<vmem>>
      %dma_wait3A_75 = arith.constant 0 : i32
      %dma_wait3A_76 = tpu.memref_slice %arg7[%add3A_70, %dma_wait3A_75] : memref<40x128xi32, #tpu.memory_space<vmem>> -> memref<1x128xi32, #tpu.memory_space<vmem>>
      %dma_wait3A_77 = tpu.memref_squeeze %dma_wait3A_76 : memref<1x128xi32, #tpu.memory_space<vmem>> -> memref<128xi32, #tpu.memory_space<vmem>>
      %dma_wait3A_78 = arith.constant 0 : i32
      %dma_wait3A_79 = arith.constant 0 : i32
      %dma_wait3A_80 = tpu.memref_slice %arg2[%dma_wait3A_78, %dma_wait3A_79] : memref<10112x128xf32, #tpu.memory_space<hbm>> -> memref<10112x128xf32, #tpu.memory_space<hbm>>
      tpu.wait_indirect_dma semaphore(%arg11 : memref<!tpu.dma_semaphore, #tpu.memory_space<semaphore_mem>>) src(%dma_wait3A_80 : memref<10112x128xf32, #tpu.memory_space<hbm>>) dst(%dma_wait3A_74 : memref<128x128xf32, #tpu.memory_space<vmem>>)
      %run_scoped3A = arith.constant 0 : i32
      "tpu.region"() ({
        %run_scoped3A_108 = tpu.sem_alloc : memref<!tpu.dma_semaphore, #tpu.memory_space<semaphore_mem>>
        %dma_start3A_109 = arith.constant 0 : i32
        %dma_start3A_110 = arith.constant 0 : i32
        %dma_start3A_111 = tpu.memref_slice %arg9[%run_scoped3A, %dma_start3A_109, %dma_start3A_110] : memref<2x128x128xf32, #tpu.memory_space<vmem>> -> memref<1x128x128xf32, #tpu.memory_space<vmem>>
        %dma_start3A_112 = tpu.memref_squeeze %dma_start3A_111 : memref<1x128x128xf32, #tpu.memory_space<vmem>> -> memref<128x128xf32, #tpu.memory_space<vmem>>
        %dma_start3A_113 = arith.constant 0 : i32
        %dma_start3A_114 = tpu.memref_slice %arg8[%add3A_70, %dma_start3A_113] : memref<40x128xi32, #tpu.memory_space<vmem>> -> memref<1x128xi32, #tpu.memory_space<vmem>>
        %dma_start3A_115 = tpu.memref_squeeze %dma_start3A_114 : memref<1x128xi32, #tpu.memory_space<vmem>> -> memref<128xi32, #tpu.memory_space<vmem>>
        %dma_start3A_116 = arith.constant 0 : i32
        %dma_start3A_117 = arith.constant 0 : i32
        %dma_start3A_118 = tpu.memref_slice %arg10[%dma_start3A_116, %dma_start3A_117] : memref<10112x128xf32, #tpu.memory_space<vmem_shared>> -> memref<10112x128xf32, #tpu.memory_space<vmem_shared>>
        tpu.enqueue_indirect_dma source(%dma_start3A_112 : memref<128x128xf32, #tpu.memory_space<vmem>>) target(%dma_start3A_118 : memref<10112x128xf32, #tpu.memory_space<vmem_shared>>) offsets(%dma_start3A_115 : memref<128xi32, #tpu.memory_space<vmem>>) semaphore(%run_scoped3A_108 : memref<!tpu.dma_semaphore, #tpu.memory_space<semaphore_mem>>) {add = true}
        %dma_wait3A_119 = arith.constant 0 : i32
        %dma_wait3A_120 = arith.constant 0 : i32
        %dma_wait3A_121 = tpu.memref_slice %arg9[%run_scoped3A, %dma_wait3A_119, %dma_wait3A_120] : memref<2x128x128xf32, #tpu.memory_space<vmem>> -> memref<1x128x128xf32, #tpu.memory_space<vmem>>
        %dma_wait3A_122 = tpu.memref_squeeze %dma_wait3A_121 : memref<1x128x128xf32, #tpu.memory_space<vmem>> -> memref<128x128xf32, #tpu.memory_space<vmem>>
        %dma_wait3A_123 = arith.constant 0 : i32
        %dma_wait3A_124 = tpu.memref_slice %arg8[%add3A_70, %dma_wait3A_123] : memref<40x128xi32, #tpu.memory_space<vmem>> -> memref<1x128xi32, #tpu.memory_space<vmem>>
        %dma_wait3A_125 = tpu.memref_squeeze %dma_wait3A_124 : memref<1x128xi32, #tpu.memory_space<vmem>> -> memref<128xi32, #tpu.memory_space<vmem>>
        %dma_wait3A_126 = arith.constant 0 : i32
        %dma_wait3A_127 = arith.constant 0 : i32
        %dma_wait3A_128 = tpu.memref_slice %arg10[%dma_wait3A_126, %dma_wait3A_127] : memref<10112x128xf32, #tpu.memory_space<vmem_shared>> -> memref<10112x128xf32, #tpu.memory_space<vmem_shared>>
        tpu.wait_indirect_dma semaphore(%run_scoped3A_108 : memref<!tpu.dma_semaphore, #tpu.memory_space<semaphore_mem>>) src(%dma_wait3A_122 : memref<128x128xf32, #tpu.memory_space<vmem>>) dst(%dma_wait3A_128 : memref<10112x128xf32, #tpu.memory_space<vmem_shared>>)
        tpu.yield
      }) : () -> ()
      %add3A_81 = arith.constant 2 : i32
      %add3A_82 = arith.addi %add3A_70, %add3A_81 : i32
      %lt3A = arith.constant 40 : i32
      %lt3A_83 = arith.cmpi slt, %add3A_82, %lt3A : i32
      %convert_element_type3A = arith.extui %lt3A_83 : i1 to i32
      %cond3A = arith.constant 0 : i32
      %cond3A_84 = arith.cmpi ne, %convert_element_type3A, %cond3A : i32
      scf.if %cond3A_84 {
        %add3A_108 = arith.constant 2 : i32
        %add3A_109 = arith.addi %add3A_70, %add3A_108 : i32
        %dma_start3A_110 = arith.constant 0 : i32
        %dma_start3A_111 = arith.constant 0 : i32
        %dma_start3A_112 = arith.constant 0 : i32
        %dma_start3A_113 = tpu.memref_slice %arg9[%dma_start3A_110, %dma_start3A_111, %dma_start3A_112] : memref<2x128x128xf32, #tpu.memory_space<vmem>> -> memref<1x128x128xf32, #tpu.memory_space<vmem>>
        %dma_start3A_114 = tpu.memref_squeeze %dma_start3A_113 : memref<1x128x128xf32, #tpu.memory_space<vmem>> -> memref<128x128xf32, #tpu.memory_space<vmem>>
        %dma_start3A_115 = arith.constant 0 : i32
        %dma_start3A_116 = tpu.memref_slice %arg7[%add3A_109, %dma_start3A_115] : memref<40x128xi32, #tpu.memory_space<vmem>> -> memref<1x128xi32, #tpu.memory_space<vmem>>
        %dma_start3A_117 = tpu.memref_squeeze %dma_start3A_116 : memref<1x128xi32, #tpu.memory_space<vmem>> -> memref<128xi32, #tpu.memory_space<vmem>>
        %dma_start3A_118 = arith.constant 0 : i32
        %dma_start3A_119 = arith.constant 0 : i32
        %dma_start3A_120 = tpu.memref_slice %arg2[%dma_start3A_118, %dma_start3A_119] : memref<10112x128xf32, #tpu.memory_space<hbm>> -> memref<10112x128xf32, #tpu.memory_space<hbm>>
        tpu.enqueue_indirect_dma source(%dma_start3A_120 : memref<10112x128xf32, #tpu.memory_space<hbm>>) target(%dma_start3A_114 : memref<128x128xf32, #tpu.memory_space<vmem>>) offsets(%dma_start3A_117 : memref<128xi32, #tpu.memory_space<vmem>>) semaphore(%arg11 : memref<!tpu.dma_semaphore, #tpu.memory_space<semaphore_mem>>)
      } else {
      }
      %mul3A_85 = arith.constant 2 : i32
      %mul3A_86 = arith.muli %scan3A_66, %mul3A_85 : i32
      %add3A_87 = arith.constant 1 : i32
      %add3A_88 = arith.addi %mul3A_86, %add3A_87 : i32
      %dma_wait3A_89 = arith.constant 1 : i32
      %dma_wait3A_90 = arith.constant 0 : i32
      %dma_wait3A_91 = arith.constant 0 : i32
      %dma_wait3A_92 = tpu.memref_slice %arg9[%dma_wait3A_89, %dma_wait3A_90, %dma_wait3A_91] : memref<2x128x128xf32, #tpu.memory_space<vmem>> -> memref<1x128x128xf32, #tpu.memory_space<vmem>>
      %dma_wait3A_93 = tpu.memref_squeeze %dma_wait3A_92 : memref<1x128x128xf32, #tpu.memory_space<vmem>> -> memref<128x128xf32, #tpu.memory_space<vmem>>
      %dma_wait3A_94 = arith.constant 0 : i32
      %dma_wait3A_95 = tpu.memref_slice %arg7[%add3A_88, %dma_wait3A_94] : memref<40x128xi32, #tpu.memory_space<vmem>> -> memref<1x128xi32, #tpu.memory_space<vmem>>
      %dma_wait3A_96 = tpu.memref_squeeze %dma_wait3A_95 : memref<1x128xi32, #tpu.memory_space<vmem>> -> memref<128xi32, #tpu.memory_space<vmem>>
      %dma_wait3A_97 = arith.constant 0 : i32
      %dma_wait3A_98 = arith.constant 0 : i32
      %dma_wait3A_99 = tpu.memref_slice %arg2[%dma_wait3A_97, %dma_wait3A_98] : memref<10112x128xf32, #tpu.memory_space<hbm>> -> memref<10112x128xf32, #tpu.memory_space<hbm>>
      tpu.wait_indirect_dma semaphore(%arg12 : memref<!tpu.dma_semaphore, #tpu.memory_space<semaphore_mem>>) src(%dma_wait3A_99 : memref<10112x128xf32, #tpu.memory_space<hbm>>) dst(%dma_wait3A_93 : memref<128x128xf32, #tpu.memory_space<vmem>>)
      %run_scoped3A_100 = arith.constant 1 : i32
      "tpu.region"() ({
        %run_scoped3A_108 = tpu.sem_alloc : memref<!tpu.dma_semaphore, #tpu.memory_space<semaphore_mem>>
        %dma_start3A_109 = arith.constant 0 : i32
        %dma_start3A_110 = arith.constant 0 : i32
        %dma_start3A_111 = tpu.memref_slice %arg9[%run_scoped3A_100, %dma_start3A_109, %dma_start3A_110] : memref<2x128x128xf32, #tpu.memory_space<vmem>> -> memref<1x128x128xf32, #tpu.memory_space<vmem>>
        %dma_start3A_112 = tpu.memref_squeeze %dma_start3A_111 : memref<1x128x128xf32, #tpu.memory_space<vmem>> -> memref<128x128xf32, #tpu.memory_space<vmem>>
        %dma_start3A_113 = arith.constant 0 : i32
        %dma_start3A_114 = tpu.memref_slice %arg8[%add3A_88, %dma_start3A_113] : memref<40x128xi32, #tpu.memory_space<vmem>> -> memref<1x128xi32, #tpu.memory_space<vmem>>
        %dma_start3A_115 = tpu.memref_squeeze %dma_start3A_114 : memref<1x128xi32, #tpu.memory_space<vmem>> -> memref<128xi32, #tpu.memory_space<vmem>>
        %dma_start3A_116 = arith.constant 0 : i32
        %dma_start3A_117 = arith.constant 0 : i32
        %dma_start3A_118 = tpu.memref_slice %arg10[%dma_start3A_116, %dma_start3A_117] : memref<10112x128xf32, #tpu.memory_space<vmem_shared>> -> memref<10112x128xf32, #tpu.memory_space<vmem_shared>>
        tpu.enqueue_indirect_dma source(%dma_start3A_112 : memref<128x128xf32, #tpu.memory_space<vmem>>) target(%dma_start3A_118 : memref<10112x128xf32, #tpu.memory_space<vmem_shared>>) offsets(%dma_start3A_115 : memref<128xi32, #tpu.memory_space<vmem>>) semaphore(%run_scoped3A_108 : memref<!tpu.dma_semaphore, #tpu.memory_space<semaphore_mem>>) {add = true}
        %dma_wait3A_119 = arith.constant 0 : i32
        %dma_wait3A_120 = arith.constant 0 : i32
        %dma_wait3A_121 = tpu.memref_slice %arg9[%run_scoped3A_100, %dma_wait3A_119, %dma_wait3A_120] : memref<2x128x128xf32, #tpu.memory_space<vmem>> -> memref<1x128x128xf32, #tpu.memory_space<vmem>>
        %dma_wait3A_122 = tpu.memref_squeeze %dma_wait3A_121 : memref<1x128x128xf32, #tpu.memory_space<vmem>> -> memref<128x128xf32, #tpu.memory_space<vmem>>
        %dma_wait3A_123 = arith.constant 0 : i32
        %dma_wait3A_124 = tpu.memref_slice %arg8[%add3A_88, %dma_wait3A_123] : memref<40x128xi32, #tpu.memory_space<vmem>> -> memref<1x128xi32, #tpu.memory_space<vmem>>
        %dma_wait3A_125 = tpu.memref_squeeze %dma_wait3A_124 : memref<1x128xi32, #tpu.memory_space<vmem>> -> memref<128xi32, #tpu.memory_space<vmem>>
        %dma_wait3A_126 = arith.constant 0 : i32
        %dma_wait3A_127 = arith.constant 0 : i32
        %dma_wait3A_128 = tpu.memref_slice %arg10[%dma_wait3A_126, %dma_wait3A_127] : memref<10112x128xf32, #tpu.memory_space<vmem_shared>> -> memref<10112x128xf32, #tpu.memory_space<vmem_shared>>
        tpu.wait_indirect_dma semaphore(%run_scoped3A_108 : memref<!tpu.dma_semaphore, #tpu.memory_space<semaphore_mem>>) src(%dma_wait3A_122 : memref<128x128xf32, #tpu.memory_space<vmem>>) dst(%dma_wait3A_128 : memref<10112x128xf32, #tpu.memory_space<vmem_shared>>)
        tpu.yield
      }) : () -> ()
      %add3A_101 = arith.constant 2 : i32
      %add3A_102 = arith.addi %add3A_88, %add3A_101 : i32
      %lt3A_103 = arith.constant 40 : i32
      %lt3A_104 = arith.cmpi slt, %add3A_102, %lt3A_103 : i32
      %convert_element_type3A_105 = arith.extui %lt3A_104 : i1 to i32
      %cond3A_106 = arith.constant 0 : i32
      %cond3A_107 = arith.cmpi ne, %convert_element_type3A_105, %cond3A_106 : i32
      scf.if %cond3A_107 {
        %add3A_108 = arith.constant 2 : i32
        %add3A_109 = arith.addi %add3A_88, %add3A_108 : i32
        %dma_start3A_110 = arith.constant 1 : i32
        %dma_start3A_111 = arith.constant 0 : i32
        %dma_start3A_112 = arith.constant 0 : i32
        %dma_start3A_113 = tpu.memref_slice %arg9[%dma_start3A_110, %dma_start3A_111, %dma_start3A_112] : memref<2x128x128xf32, #tpu.memory_space<vmem>> -> memref<1x128x128xf32, #tpu.memory_space<vmem>>
        %dma_start3A_114 = tpu.memref_squeeze %dma_start3A_113 : memref<1x128x128xf32, #tpu.memory_space<vmem>> -> memref<128x128xf32, #tpu.memory_space<vmem>>
        %dma_start3A_115 = arith.constant 0 : i32
        %dma_start3A_116 = tpu.memref_slice %arg7[%add3A_109, %dma_start3A_115] : memref<40x128xi32, #tpu.memory_space<vmem>> -> memref<1x128xi32, #tpu.memory_space<vmem>>
        %dma_start3A_117 = tpu.memref_squeeze %dma_start3A_116 : memref<1x128xi32, #tpu.memory_space<vmem>> -> memref<128xi32, #tpu.memory_space<vmem>>
        %dma_start3A_118 = arith.constant 0 : i32
        %dma_start3A_119 = arith.constant 0 : i32
        %dma_start3A_120 = tpu.memref_slice %arg2[%dma_start3A_118, %dma_start3A_119] : memref<10112x128xf32, #tpu.memory_space<hbm>> -> memref<10112x128xf32, #tpu.memory_space<hbm>>
        tpu.enqueue_indirect_dma source(%dma_start3A_120 : memref<10112x128xf32, #tpu.memory_space<hbm>>) target(%dma_start3A_114 : memref<128x128xf32, #tpu.memory_space<vmem>>) offsets(%dma_start3A_117 : memref<128xi32, #tpu.memory_space<vmem>>) semaphore(%arg12 : memref<!tpu.dma_semaphore, #tpu.memory_space<semaphore_mem>>)
      } else {
      }
    }
    %scan3A_60 = arith.constant 20 : i32
    %barrier3A_61 = arith.constant 0 : index
    tpu.barrier barrier_id(%barrier3A_61)
    %mul3A_62 = arith.constant 632 : i32
    %mul3A_63 = arith.muli %arg1, %mul3A_62 : i32
    %mul3A_64 = arith.constant 632 : i32
    %mul3A_65 = arith.muli %arg1, %mul3A_64 : i32
    "tpu.region"() ({
      %run_scoped3A = tpu.sem_alloc : memref<!tpu.dma_semaphore, #tpu.memory_space<semaphore_mem>>
      %dma_start3A_66 = arith.constant 0 : i32
      %dma_start3A_67 = tpu.memref_slice %arg6[%arg0, %mul3A_65, %dma_start3A_66] : memref<2x10112x128xf32, #tpu.memory_space<hbm>> -> memref<1x632x128xf32, #tpu.memory_space<hbm>>
      %dma_start3A_68 = tpu.memref_squeeze %dma_start3A_67 : memref<1x632x128xf32, #tpu.memory_space<hbm>> -> memref<632x128xf32, #tpu.memory_space<hbm>>
      %dma_start3A_69 = arith.constant 0 : i32
      %dma_start3A_70 = tpu.memref_slice %arg10[%mul3A_63, %dma_start3A_69] : memref<10112x128xf32, #tpu.memory_space<vmem_shared>> -> memref<632x128xf32, #tpu.memory_space<vmem_shared>>
      tpu.enqueue_dma source(%dma_start3A_70 : memref<632x128xf32, #tpu.memory_space<vmem_shared>>) target(%dma_start3A_68 : memref<632x128xf32, #tpu.memory_space<hbm>>) target_semaphore(%run_scoped3A : memref<!tpu.dma_semaphore, #tpu.memory_space<semaphore_mem>>)
      %dma_wait3A = arith.constant 0 : i32
      %dma_wait3A_71 = tpu.memref_slice %arg6[%arg0, %mul3A_65, %dma_wait3A] : memref<2x10112x128xf32, #tpu.memory_space<hbm>> -> memref<1x632x128xf32, #tpu.memory_space<hbm>>
      %dma_wait3A_72 = tpu.memref_squeeze %dma_wait3A_71 : memref<1x632x128xf32, #tpu.memory_space<hbm>> -> memref<632x128xf32, #tpu.memory_space<hbm>>
      %dma_wait3A_73 = arith.constant 0 : i32
      %dma_wait3A_74 = tpu.memref_slice %arg10[%mul3A_63, %dma_wait3A_73] : memref<10112x128xf32, #tpu.memory_space<vmem_shared>> -> memref<632x128xf32, #tpu.memory_space<vmem_shared>>
      tpu.wait_dma2 semaphore(%run_scoped3A : memref<!tpu.dma_semaphore, #tpu.memory_space<semaphore_mem>>) src(%dma_wait3A_74 : memref<632x128xf32, #tpu.memory_space<vmem_shared>>) dst(%dma_wait3A_72 : memref<632x128xf32, #tpu.memory_space<hbm>>)
      tpu.yield
    }) : () -> ()
    return
  }
}

module attributes {stable_mosaic.version = 14 : i64} {
  func.func @_tc1_body(%arg0: memref<10112x128xf32, #tpu.memory_space<vmem>>, %arg1: memref<128x128xf32, #tpu.memory_space<vmem>>, %arg2: memref<32x10112xf32, #tpu.memory_space<vmem>>, %arg3: memref<10112x128xf32, #tpu.memory_space<vmem>>) attributes {dimension_semantics = [], scalar_prefetch = 0 : i64, scratch_operands = 0 : i64, tpu.core_type = #tpu.core_type<tc>} {
    %broadcast_in_dim3A = arith.constant 1.000000e+00 : f32
    %broadcast_in_dim3A_0 = vector.broadcast %broadcast_in_dim3A : f32 to vector<32x1xf32>
    %get3A = arith.constant 0 : index
    %get3A_1 = arith.constant 0 : index
    %get3A_2 = vector.load %arg2[%get3A, %get3A_1] : memref<32x10112xf32, #tpu.memory_space<vmem>>, vector<32x10112xf32>
    %dot_general3A = arith.constant dense<0.000000e+00> : vector<10112x1xf32>
    %dot_general3A_3 = tpu.matmul %get3A_2, %broadcast_in_dim3A_0, %dot_general3A {dimension_numbers = #tpu.dot_dimension_numbers<[0], [0], [1], [1], [0, 1, 1, 1], [], []>, transpose_lhs_hint = false} : vector<32x10112xf32>, vector<32x1xf32>, vector<10112x1xf32> -> vector<10112x1xf32>
    %add3A = arith.constant 1.000000e+00 : f32
    %add3A_4 = vector.broadcast %add3A : f32 to vector<10112x1xf32>
    %add3A_5 = arith.addf %dot_general3A_3, %add3A_4 : vector<10112x1xf32>
    %rsqrt3A = math.rsqrt %add3A_5 : vector<10112x1xf32>
    %get3A_6 = arith.constant 0 : index
    %get3A_7 = arith.constant 0 : index
    %get3A_8 = vector.load %arg0[%get3A_6, %get3A_7] : memref<10112x128xf32, #tpu.memory_space<vmem>>, vector<10112x128xf32>
    %get3A_9 = arith.constant 0 : index
    %get3A_10 = arith.constant 0 : index
    %get3A_11 = vector.load %arg1[%get3A_9, %get3A_10] : memref<128x128xf32, #tpu.memory_space<vmem>>, vector<128x128xf32>
    %dot_general3A_12 = arith.constant dense<0.000000e+00> : vector<10112x128xf32>
    %dot_general3A_13 = tpu.matmul %get3A_8, %get3A_11, %dot_general3A_12 {dimension_numbers = #tpu.dot_dimension_numbers<[1], [0], [0], [1], [0, 0, 1, 1], [], []>, transpose_lhs_hint = false} : vector<10112x128xf32>, vector<128x128xf32>, vector<10112x128xf32> -> vector<10112x128xf32>
    %mul3A = vector.broadcast %rsqrt3A : vector<10112x1xf32> to vector<10112x128xf32>
    %mul3A_14 = arith.mulf %dot_general3A_13, %mul3A : vector<10112x128xf32>
    %swap3A = arith.constant 0 : index
    %swap3A_15 = arith.constant 0 : index
    %swap3A_16 = vector.load %arg3[%swap3A, %swap3A_15] : memref<10112x128xf32, #tpu.memory_space<vmem>>, vector<10112x128xf32>
    tpu.vector_store %arg3[%swap3A, %swap3A_15], %mul3A_14 {strides = array<i32>} : memref<10112x128xf32, #tpu.memory_space<vmem>>, vector<10112x128xf32>,
    return
  }
}

module attributes {stable_mosaic.version = 14 : i64} {
  func.func @_tc2_body(%arg0: memref<10112x128xf32, #tpu.memory_space<vmem>>, %arg1: memref<10112x128xf32, #tpu.memory_space<vmem>>, %arg2: memref<10112x128xf32, #tpu.memory_space<vmem>>, %arg3: memref<32x10112xf32, #tpu.memory_space<vmem>>, %arg4: memref<1x128xf32, #tpu.memory_space<vmem>>, %arg5: memref<1x128xf32, #tpu.memory_space<vmem>>, %arg6: memref<128x128xf32, #tpu.memory_space<vmem>>, %arg7: memref<10112x128xf32, #tpu.memory_space<vmem>>) attributes {dimension_semantics = [], scalar_prefetch = 0 : i64, scratch_operands = 0 : i64, tpu.core_type = #tpu.core_type<tc>} {
    %broadcast_in_dim3A = arith.constant 1.000000e+00 : f32
    %broadcast_in_dim3A_0 = vector.broadcast %broadcast_in_dim3A : f32 to vector<32x1xf32>
    %get3A = arith.constant 0 : index
    %get3A_1 = arith.constant 0 : index
    %get3A_2 = vector.load %arg3[%get3A, %get3A_1] : memref<32x10112xf32, #tpu.memory_space<vmem>>, vector<32x10112xf32>
    %dot_general3A = arith.constant dense<0.000000e+00> : vector<10112x1xf32>
    %dot_general3A_3 = tpu.matmul %get3A_2, %broadcast_in_dim3A_0, %dot_general3A {dimension_numbers = #tpu.dot_dimension_numbers<[0], [0], [1], [1], [0, 1, 1, 1], [], []>, transpose_lhs_hint = false} : vector<32x10112xf32>, vector<32x1xf32>, vector<10112x1xf32> -> vector<10112x1xf32>
    %add3A = arith.constant 1.000000e+00 : f32
    %add3A_4 = vector.broadcast %add3A : f32 to vector<10112x1xf32>
    %add3A_5 = arith.addf %dot_general3A_3, %add3A_4 : vector<10112x1xf32>
    %rsqrt3A = math.rsqrt %add3A_5 : vector<10112x1xf32>
    %get3A_6 = arith.constant 0 : index
    %get3A_7 = arith.constant 0 : index
    %get3A_8 = vector.load %arg0[%get3A_6, %get3A_7] : memref<10112x128xf32, #tpu.memory_space<vmem>>, vector<10112x128xf32>
    %get3A_9 = arith.constant 0 : index
    %get3A_10 = arith.constant 0 : index
    %get3A_11 = vector.load %arg1[%get3A_9, %get3A_10] : memref<10112x128xf32, #tpu.memory_space<vmem>>, vector<10112x128xf32>
    %add3A_12 = arith.addf %get3A_8, %get3A_11 : vector<10112x128xf32>
    %get3A_13 = arith.constant 0 : index
    %get3A_14 = arith.constant 0 : index
    %get3A_15 = vector.load %arg2[%get3A_13, %get3A_14] : memref<10112x128xf32, #tpu.memory_space<vmem>>, vector<10112x128xf32>
    %add3A_16 = arith.addf %add3A_12, %get3A_15 : vector<10112x128xf32>
    %mul3A = vector.broadcast %rsqrt3A : vector<10112x1xf32> to vector<10112x128xf32>
    %mul3A_17 = arith.mulf %add3A_16, %mul3A : vector<10112x128xf32>
    %reduce_sum3A = arith.constant dense<0.000000e+00> : vector<128xf32>
    %reduce_sum3A_18 = vector.multi_reduction <add>, %mul3A_17, %reduce_sum3A [0] : vector<10112x128xf32> to vector<128xf32>
    %broadcast_in_dim3A_19 = vector.shape_cast %reduce_sum3A_18 : vector<128xf32> to vector<1x128xf32>
    %mul3A_20 = arith.constant 9.99999974E-5 : f32
    %mul3A_21 = vector.broadcast %mul3A_20 : f32 to vector<1x128xf32>
    %mul3A_22 = arith.mulf %broadcast_in_dim3A_19, %mul3A_21 : vector<1x128xf32>
    %mul3A_23 = arith.mulf %mul3A_17, %mul3A_17 : vector<10112x128xf32>
    %reduce_sum3A_24 = arith.constant dense<0.000000e+00> : vector<128xf32>
    %reduce_sum3A_25 = vector.multi_reduction <add>, %mul3A_23, %reduce_sum3A_24 [0] : vector<10112x128xf32> to vector<128xf32>
    %broadcast_in_dim3A_26 = vector.shape_cast %reduce_sum3A_25 : vector<128xf32> to vector<1x128xf32>
    %mul3A_27 = arith.constant 9.99999974E-5 : f32
    %mul3A_28 = vector.broadcast %mul3A_27 : f32 to vector<1x128xf32>
    %mul3A_29 = arith.mulf %broadcast_in_dim3A_26, %mul3A_28 : vector<1x128xf32>
    %mul3A_30 = arith.mulf %mul3A_22, %mul3A_22 : vector<1x128xf32>
    %sub3A = arith.subf %mul3A_29, %mul3A_30 : vector<1x128xf32>
    %get3A_31 = arith.constant 0 : index
    %get3A_32 = arith.constant 0 : index
    %get3A_33 = vector.load %arg4[%get3A_31, %get3A_32] : memref<1x128xf32, #tpu.memory_space<vmem>>, vector<1x128xf32>
    %sub3A_34 = vector.broadcast %mul3A_22 : vector<1x128xf32> to vector<10112x128xf32>
    %sub3A_35 = arith.subf %mul3A_17, %sub3A_34 : vector<10112x128xf32>
    %mul3A_36 = vector.broadcast %get3A_33 : vector<1x128xf32> to vector<10112x128xf32>
    %mul3A_37 = arith.mulf %mul3A_36, %sub3A_35 : vector<10112x128xf32>
    %add3A_38 = arith.constant 9.99999974E-6 : f32
    %add3A_39 = vector.broadcast %add3A_38 : f32 to vector<1x128xf32>
    %add3A_40 = arith.addf %sub3A, %add3A_39 : vector<1x128xf32>
    %rsqrt3A_41 = math.rsqrt %add3A_40 : vector<1x128xf32>
    %mul3A_42 = vector.broadcast %rsqrt3A_41 : vector<1x128xf32> to vector<10112x128xf32>
    %mul3A_43 = arith.mulf %mul3A_37, %mul3A_42 : vector<10112x128xf32>
    %get3A_44 = arith.constant 0 : index
    %get3A_45 = arith.constant 0 : index
    %get3A_46 = vector.load %arg5[%get3A_44, %get3A_45] : memref<1x128xf32, #tpu.memory_space<vmem>>, vector<1x128xf32>
    %add3A_47 = vector.broadcast %get3A_46 : vector<1x128xf32> to vector<10112x128xf32>
    %add3A_48 = arith.addf %mul3A_43, %add3A_47 : vector<10112x128xf32>
    %max3A = arith.constant 0.000000e+00 : f32
    %max3A_49 = vector.broadcast %max3A : f32 to vector<10112x128xf32>
    %max3A_50 = arith.maximumf %add3A_48, %max3A_49 : vector<10112x128xf32>
    %get3A_51 = arith.constant 0 : index
    %get3A_52 = arith.constant 0 : index
    %get3A_53 = vector.load %arg6[%get3A_51, %get3A_52] : memref<128x128xf32, #tpu.memory_space<vmem>>, vector<128x128xf32>
    %dot_general3A_54 = arith.constant dense<0.000000e+00> : vector<10112x128xf32>
    %dot_general3A_55 = tpu.matmul %max3A_50, %get3A_53, %dot_general3A_54 {dimension_numbers = #tpu.dot_dimension_numbers<[1], [0], [0], [1], [0, 0, 1, 1], [], []>, transpose_lhs_hint = false} : vector<10112x128xf32>, vector<128x128xf32>, vector<10112x128xf32> -> vector<10112x128xf32>
    %iota3A = tpu.iota {dimensions = array<i32: 0>} : vector<10112x1xi32>
    %lt3A = arith.constant 10000 : i32
    %lt3A_56 = vector.broadcast %lt3A : i32 to vector<10112x1xi32>
    %lt3A_57 = arith.cmpi slt, %iota3A, %lt3A_56 : vector<10112x1xi32>
    %mul3A_58 = vector.broadcast %rsqrt3A : vector<10112x1xf32> to vector<10112x128xf32>
    %mul3A_59 = arith.mulf %dot_general3A_55, %mul3A_58 : vector<10112x128xf32>
    %jit3A = arith.constant 0.000000e+00 : f32
    %broadcast_in_dim3A_60 = vector.shape_cast %lt3A_57 : vector<10112x1xi1> to vector<10112x1xi1>
    %broadcast_in_dim3A_61 = vector.broadcast %broadcast_in_dim3A_60 : vector<10112x1xi1> to vector<10112x128xi1>
    %broadcast_in_dim3A_62 = vector.broadcast %jit3A : f32 to vector<10112x128xf32>
    %select_n3A = arith.select %broadcast_in_dim3A_61, %mul3A_59, %broadcast_in_dim3A_62 : vector<10112x128xi1>, vector<10112x128xf32>
    %swap3A = arith.constant 0 : index
    %swap3A_63 = arith.constant 0 : index
    %swap3A_64 = vector.load %arg7[%swap3A, %swap3A_63] : memref<10112x128xf32, #tpu.memory_space<vmem>>, vector<10112x128xf32>
    tpu.vector_store %arg7[%swap3A, %swap3A_63], %select_n3A {strides = array<i32>} : memref<10112x128xf32, #tpu.memory_space<vmem>>, vector<10112x128xf32>,
    return
  }
}

module attributes {stable_mosaic.version = 14 : i64} {
  func.func @_tc25_body(%arg0: memref<10112x128xf32, #tpu.memory_space<vmem>>, %arg1: memref<10112x128xf32, #tpu.memory_space<vmem>>, %arg2: memref<10112x128xf32, #tpu.memory_space<vmem>>, %arg3: memref<32x10112xf32, #tpu.memory_space<vmem>>, %arg4: memref<10112x128xf32, #tpu.memory_space<vmem>>) attributes {dimension_semantics = [], scalar_prefetch = 0 : i64, scratch_operands = 0 : i64, tpu.core_type = #tpu.core_type<tc>} {
    %broadcast_in_dim3A = arith.constant 1.000000e+00 : f32
    %broadcast_in_dim3A_0 = vector.broadcast %broadcast_in_dim3A : f32 to vector<32x1xf32>
    %get3A = arith.constant 0 : index
    %get3A_1 = arith.constant 0 : index
    %get3A_2 = vector.load %arg3[%get3A, %get3A_1] : memref<32x10112xf32, #tpu.memory_space<vmem>>, vector<32x10112xf32>
    %dot_general3A = arith.constant dense<0.000000e+00> : vector<10112x1xf32>
    %dot_general3A_3 = tpu.matmul %get3A_2, %broadcast_in_dim3A_0, %dot_general3A {dimension_numbers = #tpu.dot_dimension_numbers<[0], [0], [1], [1], [0, 1, 1, 1], [], []>, transpose_lhs_hint = false} : vector<32x10112xf32>, vector<32x1xf32>, vector<10112x1xf32> -> vector<10112x1xf32>
    %add3A = arith.constant 1.000000e+00 : f32
    %add3A_4 = vector.broadcast %add3A : f32 to vector<10112x1xf32>
    %add3A_5 = arith.addf %dot_general3A_3, %add3A_4 : vector<10112x1xf32>
    %rsqrt3A = math.rsqrt %add3A_5 : vector<10112x1xf32>
    %get3A_6 = arith.constant 0 : index
    %get3A_7 = arith.constant 0 : index
    %get3A_8 = vector.load %arg0[%get3A_6, %get3A_7] : memref<10112x128xf32, #tpu.memory_space<vmem>>, vector<10112x128xf32>
    %get3A_9 = arith.constant 0 : index
    %get3A_10 = arith.constant 0 : index
    %get3A_11 = vector.load %arg1[%get3A_9, %get3A_10] : memref<10112x128xf32, #tpu.memory_space<vmem>>, vector<10112x128xf32>
    %add3A_12 = arith.addf %get3A_8, %get3A_11 : vector<10112x128xf32>
    %get3A_13 = arith.constant 0 : index
    %get3A_14 = arith.constant 0 : index
    %get3A_15 = vector.load %arg2[%get3A_13, %get3A_14] : memref<10112x128xf32, #tpu.memory_space<vmem>>, vector<10112x128xf32>
    %add3A_16 = arith.addf %add3A_12, %get3A_15 : vector<10112x128xf32>
    %mul3A = vector.broadcast %rsqrt3A : vector<10112x1xf32> to vector<10112x128xf32>
    %mul3A_17 = arith.mulf %add3A_16, %mul3A : vector<10112x128xf32>
    %swap3A = arith.constant 0 : index
    %swap3A_18 = arith.constant 0 : index
    %swap3A_19 = vector.load %arg4[%swap3A, %swap3A_18] : memref<10112x128xf32, #tpu.memory_space<vmem>>, vector<10112x128xf32>
    tpu.vector_store %arg4[%swap3A, %swap3A_18], %mul3A_17 {strides = array<i32>} : memref<10112x128xf32, #tpu.memory_space<vmem>>, vector<10112x128xf32>,
    return
  }
}

module attributes {stable_mosaic.version = 14 : i64} {
  func.func @_tc3_body(%arg0: memref<8192x128xf32, #tpu.memory_space<vmem>>, %arg1: memref<1x128xf32, #tpu.memory_space<vmem>>, %arg2: memref<1x128xf32, #tpu.memory_space<vmem>>, %arg3: memref<128x128xf32, #tpu.memory_space<vmem>>, %arg4: memref<128x1xf32, #tpu.memory_space<vmem>>, %arg5: memref<128x1xf32, #tpu.memory_space<vmem>>, %arg6: memref<128x4xf32, #tpu.memory_space<vmem>>, %arg7: memref<1x4xf32, #tpu.memory_space<vmem>>, %arg8: memref<128x2xf32, #tpu.memory_space<vmem>>, %arg9: memref<1x2xf32, #tpu.memory_space<vmem>>, %arg10: memref<4096x2xf32, #tpu.memory_space<vmem>>, %arg11: memref<4096x4xf32, #tpu.memory_space<vmem>>) attributes {dimension_semantics = [], scalar_prefetch = 0 : i64, scratch_operands = 0 : i64, tpu.core_type = #tpu.core_type<tc>} {
    %get3A = arith.constant 0 : index
    %get3A_0 = arith.constant 0 : index
    %get3A_1 = vector.load %arg0[%get3A, %get3A_0] : memref<8192x128xf32, #tpu.memory_space<vmem>>, vector<4096x128xf32>
    %get3A_2 = arith.constant 4096 : index
    %get3A_3 = arith.constant 0 : index
    %get3A_4 = vector.load %arg0[%get3A_2, %get3A_3] : memref<8192x128xf32, #tpu.memory_space<vmem>>, vector<4096x128xf32>
    %slice3A = vector.extract_strided_slice %get3A_1 {offsets = [0, 0], sizes = [4096, 64], strides = [1, 1]} : vector<4096x128xf32> to vector<4096x64xf32>
    %slice3A_5 = vector.extract_strided_slice %get3A_4 {offsets = [0, 0], sizes = [4096, 64], strides = [1, 1]} : vector<4096x128xf32> to vector<4096x64xf32>
    %concatenate3A = tpu.concatenate %slice3A, %slice3A_5 in 1 : vector<4096x64xf32>, vector<4096x64xf32> -> vector<4096x128xf32>
    %get3A_6 = arith.constant 0 : index
    %get3A_7 = arith.constant 0 : index
    %get3A_8 = vector.load %arg1[%get3A_6, %get3A_7] : memref<1x128xf32, #tpu.memory_space<vmem>>, vector<1x128xf32>
    %add3A = vector.broadcast %get3A_8 : vector<1x128xf32> to vector<4096x128xf32>
    %add3A_9 = arith.addf %concatenate3A, %add3A : vector<4096x128xf32>
    %slice3A_10 = vector.extract_strided_slice %get3A_1 {offsets = [0, 64], sizes = [4096, 64], strides = [1, 1]} : vector<4096x128xf32> to vector<4096x64xf32>
    %slice3A_11 = vector.extract_strided_slice %get3A_4 {offsets = [0, 64], sizes = [4096, 64], strides = [1, 1]} : vector<4096x128xf32> to vector<4096x64xf32>
    %concatenate3A_12 = tpu.concatenate %slice3A_10, %slice3A_11 in 1 : vector<4096x64xf32>, vector<4096x64xf32> -> vector<4096x128xf32>
    %get3A_13 = arith.constant 0 : index
    %get3A_14 = arith.constant 0 : index
    %get3A_15 = vector.load %arg2[%get3A_13, %get3A_14] : memref<1x128xf32, #tpu.memory_space<vmem>>, vector<1x128xf32>
    %add3A_16 = vector.broadcast %get3A_15 : vector<1x128xf32> to vector<4096x128xf32>
    %add3A_17 = arith.addf %concatenate3A_12, %add3A_16 : vector<4096x128xf32>
    %get3A_18 = arith.constant 0 : index
    %get3A_19 = arith.constant 0 : index
    %get3A_20 = vector.load %arg3[%get3A_18, %get3A_19] : memref<128x128xf32, #tpu.memory_space<vmem>>, vector<128x128xf32>
    %dot_general3A = arith.constant dense<0.000000e+00> : vector<4096x128xf32>
    %dot_general3A_21 = tpu.matmul %add3A_9, %get3A_20, %dot_general3A {dimension_numbers = #tpu.dot_dimension_numbers<[1], [0], [0], [1], [0, 0, 1, 1], [], []>, transpose_lhs_hint = false} : vector<4096x128xf32>, vector<128x128xf32>, vector<4096x128xf32> -> vector<4096x128xf32>
    %tanh3A = math.tanh %dot_general3A_21 : vector<4096x128xf32>
    %get3A_22 = arith.constant 0 : index
    %get3A_23 = arith.constant 0 : index
    %get3A_24 = vector.load %arg3[%get3A_22, %get3A_23] : memref<128x128xf32, #tpu.memory_space<vmem>>, vector<128x128xf32>
    %dot_general3A_25 = arith.constant dense<0.000000e+00> : vector<4096x128xf32>
    %dot_general3A_26 = tpu.matmul %add3A_17, %get3A_24, %dot_general3A_25 {dimension_numbers = #tpu.dot_dimension_numbers<[1], [0], [0], [1], [0, 0, 1, 1], [], []>, transpose_lhs_hint = false} : vector<4096x128xf32>, vector<128x128xf32>, vector<4096x128xf32> -> vector<4096x128xf32>
    %tanh3A_27 = math.tanh %dot_general3A_26 : vector<4096x128xf32>
    %get3A_28 = arith.constant 0 : index
    %get3A_29 = arith.constant 0 : index
    %get3A_30 = vector.load %arg4[%get3A_28, %get3A_29] : memref<128x1xf32, #tpu.memory_space<vmem>>, vector<128x1xf32>
    %dot_general3A_31 = arith.constant dense<0.000000e+00> : vector<4096x1xf32>
    %dot_general3A_32 = tpu.matmul %tanh3A, %get3A_30, %dot_general3A_31 {dimension_numbers = #tpu.dot_dimension_numbers<[1], [0], [0], [1], [0, 0, 1, 1], [], []>, transpose_lhs_hint = false} : vector<4096x128xf32>, vector<128x1xf32>, vector<4096x1xf32> -> vector<4096x1xf32>
    %get3A_33 = arith.constant 0 : index
    %get3A_34 = arith.constant 0 : index
    %get3A_35 = vector.load %arg5[%get3A_33, %get3A_34] : memref<128x1xf32, #tpu.memory_space<vmem>>, vector<128x1xf32>
    %dot_general3A_36 = arith.constant dense<0.000000e+00> : vector<4096x1xf32>
    %dot_general3A_37 = tpu.matmul %tanh3A_27, %get3A_35, %dot_general3A_36 {dimension_numbers = #tpu.dot_dimension_numbers<[1], [0], [0], [1], [0, 0, 1, 1], [], []>, transpose_lhs_hint = false} : vector<4096x128xf32>, vector<128x1xf32>, vector<4096x1xf32> -> vector<4096x1xf32>
    %add3A_38 = arith.addf %dot_general3A_32, %dot_general3A_37 : vector<4096x1xf32>
    %logistic3A = arith.negf %add3A_38 : vector<4096x1xf32>
    %logistic3A_39 = math.exp %logistic3A : vector<4096x1xf32>
    %logistic3A_40 = arith.constant 1.000000e+00 : f32
    %logistic3A_41 = vector.broadcast %logistic3A_40 : f32 to vector<4096x1xf32>
    %logistic3A_42 = arith.addf %logistic3A_41, %logistic3A_39 : vector<4096x1xf32>
    %logistic3A_43 = arith.divf %logistic3A_41, %logistic3A_42 : vector<4096x1xf32>
    %mul3A = vector.broadcast %logistic3A_43 : vector<4096x1xf32> to vector<4096x128xf32>
    %mul3A_44 = arith.mulf %mul3A, %tanh3A : vector<4096x128xf32>
    %sub3A = arith.constant 1.000000e+00 : f32
    %sub3A_45 = vector.broadcast %sub3A : f32 to vector<4096x1xf32>
    %sub3A_46 = arith.subf %sub3A_45, %logistic3A_43 : vector<4096x1xf32>
    %mul3A_47 = vector.broadcast %sub3A_46 : vector<4096x1xf32> to vector<4096x128xf32>
    %mul3A_48 = arith.mulf %mul3A_47, %tanh3A_27 : vector<4096x128xf32>
    %add3A_49 = arith.addf %mul3A_44, %mul3A_48 : vector<4096x128xf32>
    %get3A_50 = arith.constant 0 : index
    %get3A_51 = arith.constant 0 : index
    %get3A_52 = vector.load %arg6[%get3A_50, %get3A_51] : memref<128x4xf32, #tpu.memory_space<vmem>>, vector<128x4xf32>
    %dot_general3A_53 = arith.constant dense<0.000000e+00> : vector<4096x4xf32>
    %dot_general3A_54 = tpu.matmul %add3A_9, %get3A_52, %dot_general3A_53 {dimension_numbers = #tpu.dot_dimension_numbers<[1], [0], [0], [1], [0, 0, 1, 1], [], []>, transpose_lhs_hint = false} : vector<4096x128xf32>, vector<128x4xf32>, vector<4096x4xf32> -> vector<4096x4xf32>
    %get3A_55 = arith.constant 0 : index
    %get3A_56 = arith.constant 0 : index
    %get3A_57 = vector.load %arg7[%get3A_55, %get3A_56] : memref<1x4xf32, #tpu.memory_space<vmem>>, vector<1x4xf32>
    %add3A_58 = vector.broadcast %get3A_57 : vector<1x4xf32> to vector<4096x4xf32>
    %add3A_59 = arith.addf %dot_general3A_54, %add3A_58 : vector<4096x4xf32>
    %swap3A = arith.constant 0 : index
    %swap3A_60 = arith.constant 0 : index
    %swap3A_61 = vector.load %arg11[%swap3A, %swap3A_60] : memref<4096x4xf32, #tpu.memory_space<vmem>>, vector<4096x4xf32>
    tpu.vector_store %arg11[%swap3A, %swap3A_60], %add3A_59 {strides = array<i32>} : memref<4096x4xf32, #tpu.memory_space<vmem>>, vector<4096x4xf32>,
    %get3A_62 = arith.constant 0 : index
    %get3A_63 = arith.constant 0 : index
    %get3A_64 = vector.load %arg8[%get3A_62, %get3A_63] : memref<128x2xf32, #tpu.memory_space<vmem>>, vector<128x2xf32>
    %dot_general3A_65 = arith.constant dense<0.000000e+00> : vector<4096x2xf32>
    %dot_general3A_66 = tpu.matmul %add3A_49, %get3A_64, %dot_general3A_65 {dimension_numbers = #tpu.dot_dimension_numbers<[1], [0], [0], [1], [0, 0, 1, 1], [], []>, transpose_lhs_hint = false} : vector<4096x128xf32>, vector<128x2xf32>, vector<4096x2xf32> -> vector<4096x2xf32>
    %get3A_67 = arith.constant 0 : index
    %get3A_68 = arith.constant 0 : index
    %get3A_69 = vector.load %arg9[%get3A_67, %get3A_68] : memref<1x2xf32, #tpu.memory_space<vmem>>, vector<1x2xf32>
    %add3A_70 = vector.broadcast %get3A_69 : vector<1x2xf32> to vector<4096x2xf32>
    %add3A_71 = arith.addf %dot_general3A_66, %add3A_70 : vector<4096x2xf32>
    %swap3A_72 = arith.constant 0 : index
    %swap3A_73 = arith.constant 0 : index
    %swap3A_74 = vector.load %arg10[%swap3A_72, %swap3A_73] : memref<4096x2xf32, #tpu.memory_space<vmem>>, vector<4096x2xf32>
    tpu.vector_store %arg10[%swap3A_72, %swap3A_73], %add3A_71 {strides = array<i32>} : memref<4096x2xf32, #tpu.memory_space<vmem>>, vector<4096x2xf32>,
    return
  }
}

</mosaic_0001>

<sc_bundles>
// kernel: kernel.10.cloned.1.call-start
scs
__scs_entry_jumppad:
0x0: {  	(pc) =	sbr.rel $0x88, $3  }
0x1: {  	(tag) =	ssettag $0x0;
	lr =	simm.s32 $0x1  }
0x2: {  	[smem:$0x3F8D] =	sst lr;
	_ =	strace $0xD0000000  }
0x3: {  	_ = 	snop  }
0x4: {  	_ = 	snop  }
0x5: {  	_ = 	snop  }
0x6: {  	_ = 	snop  }
0x7: {  	_ = 	snop  }
__scs_overlays_trampoline_lowered:
0x8: {  	[smem:$0x3F9C] =	sst s0  }
0x9: {  	[smem:$0x3F9D] =	sst s1  }
0xa: {  	[smem:$0x3F9E] =	sst s2  }
0xb: {  	[smem:$0x3F9F] =	sst s3  }
0xc: {  	[smem:$0x3FA0] =	sst s4  }
0xd: {  	[smem:$0x3FA1] =	sst s5  }
0xe: {  	[smem:$0x3FA2] =	sst s6  }
0xf: {  	[smem:$0x3FA3] =	sst s7  }
0x10: {  	[smem:$0x3FA4] =	sst s8  }
0x11: {  	[smem:$0x3FA5] =	sst s9;
	s0 =	simm.s32 @!p0 $0x0  }
0x12: {  	s1 =	sld [smem:$0x3F8B];
	s0 =	simm.s32 @p0 $0x1  }
0x13: {  	[smem:$0x3FA6] =	sst s0;
	s0 =	simm.s32 @!p1 $0x0  }
0x14: {  	s2 =	sld [smem:$0x3F8A];
	s0 =	simm.s32 @p1 $0x1  }
0x15: {  	[smem:$0x3FA7] =	sst s0;
	s0 =	simm.s32 @!p2 $0x0  }
0x16: {  	s3 =	sld [smem:$0x3FDB];
	s0 =	simm.s32 @p2 $0x1  }
0x17: {  	s4 =	simm.s32 $0x1BF5;
	[smem:$0x3FA9] =	sst s0  }
0x18: {  	s0 =	sld [smem:$0x3F8C];
	_ =	swait.ge [sflag:s4], $0x0  }
0x19: {  	s7 =	sld [smem:$0x3F8D]  }
0x1a: {  	s8 =	sadd.s32 $0xFFFFE003, lr  }
0x1b: {  	s9 =	sadd.s32 $0xFFFFFEF7, lr;
	s5 =	simm.s32 $0xFFFFFFFF;
	p2 =	slt.u32 s8, $0xFFFFF086  }
0x1c: {  	p1 =	slt.u32 s9, $0xF7A;
	s5 =	simm.s32 @!p2 $0x0  }
0x1d: {  	s5 =	simm.s32 @p1 $0x1;
	p0 =	seq.s32 s7, s2  }
0x1e: {  	s7 =	smul.u32 @!p0 $0xF7A, s2;
	p2 =	seq.s32 @!p0 s5, $0x0  }
0x1f: {  	s9 =	smul.u32 $0xF7A, s1;
	s8 =	simm.s32 @!p0 $0x1BF5;
	p2 =	por !p2, p0  }
0x20: {  	[sflag:s8] =	ssyncset.s32 @!p0 $0xFFFFF086;
	s6 =	sadd.s32 @!p0 s3, s7;
	s7 =	simm.s32 @!p0 $0x108  }
0x21: {  	s3 =	sadd.s32 s3, s9;
	s6 =	sadd.s32 @!p0 $0x88, s6;
	s7 =	simm.s32 @p2 $0x1082  }
0x22: {  	[simem:s7], [sflag:s8] =	dma.local @!p0 [hbm:s6], $0xF7A  }
0x23: {  	s9 =	sor.u32 $0xD0000000, s2;
	s6 =	simm.s32 $0x108;
	_ =	swait.ge @!p0 [sflag:s8], $0x0  }
0x24: {  	s3 =	sadd.s32 $0x88, s3;
	s6 =	simm.s32 @!p1 $0x1082;
	[sflag:s4] =	ssyncset.s32 $0xFFFFF086  }
0x25: {  	[simem:s6], [sflag:s4] =	dma.local [hbm:s3], $0xF7A  }
0x26: {  	[smem:$0x3F8D] =	sst s1;
	(tag) =	ssettag s2;
	_ =	strace s9  }
0x27: {  	s1 =	sld [smem:$0x3F9D]  }
0x28: {  	s2 =	sld [smem:$0x3F9E]  }
0x29: {  	s4 =	sld [smem:$0x3FA0]  }
0x2a: {  	p0 =	seq.s32 s5, $0x0;
	s5 =	sld [smem:$0x3FA1]  }
0x2b: {  	s6 =	sld [smem:$0x3FA2]  }
0x2c: {  	s7 =	sld [smem:$0x3FA3]  }
0x2d: {  	s3 =	simm.s32 $0x108;
	s8 =	sld [smem:$0x3FA4]  }
0x2e: {  	s3 =	simm.s32 @!p0 $0x1082;
	s9 =	sld [smem:$0x3FA5]  }
0x2f: {  	lr =	sadd.s32 s0, s3;
	s0 =	sld [smem:$0x3F9C]  }
0x30: {  	s3 =	sld [smem:$0x3F9F]  }
0x31: {  	[smem:$0x3FA8] =	sst s10  }
0x32: {  	s10 =	sld [smem:$0x3FA6];
	_ =	sdelay $0x3  }
0x33: {  	p0 =	seq.s32 s10, $0x1;
	s10 =	sld [smem:$0x3FA8];
	_ =	sdelay $0x3  }
0x34: {  	[smem:$0x3FA8] =	sst s10  }
0x35: {  	s10 =	sld [smem:$0x3FA7];
	_ =	sdelay $0x3  }
0x36: {  	p1 =	seq.s32 s10, $0x1;
	s10 =	sld [smem:$0x3FA8];
	_ =	sdelay $0x3  }
0x37: {  	[smem:$0x3FA8] =	sst s10  }
0x38: {  	s10 =	sld [smem:$0x3FA9]  }
0x39: {  	_ = 	snop;
	(pc) =	sbr.ind lr, $3  }
0x3a: {  	_ = 	snop  }
0x3b: {  	_ = 	snop  }
0x3c: {  	p2 =	seq.s32 s10, $0x1;
	s10 =	sld [smem:$0x3FA8]  }
0x3d: {  	_ =	shalt  }
0x3e: {  	_ =	shalt  }
0x3f: {  	_ =	shalt  }
0x40: {  	_ =	shalt  }
0x41: {  	_ =	shalt  }
0x42: {  	_ =	shalt  }
0x43: {  	_ =	shalt  }
0x44: {  	_ =	shalt  }
0x45: {  	_ =	shalt  }
0x46: {  	_ =	shalt  }
0x47: {  	_ =	shalt  }
0x48: {  	_ =	shalt  }
0x49: {  	_ =	shalt  }
0x4a: {  	_ =	shalt  }
0x4b: {  	_ =	shalt  }
0x4c: {  	_ =	shalt  }
0x4d: {  	_ =	shalt  }
0x4e: {  	_ =	shalt  }
0x4f: {  	_ =	shalt  }
0x50: {  	_ =	shalt  }
0x51: {  	_ =	shalt  }
0x52: {  	_ =	shalt  }
0x53: {  	_ =	shalt  }
0x54: {  	_ =	shalt  }
0x55: {  	_ =	shalt  }
0x56: {  	_ =	shalt  }
0x57: {  	_ =	shalt  }
0x58: {  	_ =	shalt  }
0x59: {  	_ =	shalt  }
0x5a: {  	_ =	shalt  }
0x5b: {  	_ =	shalt  }
0x5c: {  	_ =	shalt  }
0x5d: {  	_ =	shalt  }
0x5e: {  	_ =	shalt  }
0x5f: {  	_ =	shalt  }
0x60: {  	_ =	shalt  }
0x61: {  	_ =	shalt  }
0x62: {  	_ =	shalt  }
0x63: {  	_ =	shalt  }
0x64: {  	_ =	shalt  }
0x65: {  	_ =	shalt  }
0x66: {  	_ =	shalt  }
0x67: {  	_ =	shalt  }
0x68: {  	_ =	shalt  }
0x69: {  	_ =	shalt  }
0x6a: {  	_ =	shalt  }
0x6b: {  	_ =	shalt  }
0x6c: {  	_ =	shalt  }
0x6d: {  	_ =	shalt  }
0x6e: {  	_ =	shalt  }
0x6f: {  	_ =	shalt  }
0x70: {  	_ =	shalt  }
0x71: {  	_ =	shalt  }
0x72: {  	_ =	shalt  }
0x73: {  	_ =	shalt  }
0x74: {  	_ =	shalt  }
0x75: {  	_ =	shalt  }
0x76: {  	_ =	shalt  }
0x77: {  	_ =	shalt  }
0x78: {  	_ =	shalt  }
0x79: {  	_ =	shalt  }
0x7a: {  	_ =	shalt  }
0x7b: {  	_ =	shalt  }
0x7c: {  	_ =	shalt  }
0x7d: {  	_ =	shalt  }
0x7e: {  	_ =	shalt  }
0x7f: {  	_ =	shalt  }
0x80: {  	_ =	shalt  }
0x81: {  	_ =	shalt  }
0x82: {  	_ =	shalt  }
0x83: {  	_ =	shalt  }
0x84: {  	_ =	shalt  }
0x85: {  	_ =	shalt  }
0x86: {  	_ =	shalt  }
0x87: {  	_ =	shalt  }
.Lfunc_end0:
.L_simem_size_0:
called_computation_lowered:
.L_overlay_start_0:
0x88: {  	s2 =	sld [smem:$0x3FD9]  }
0x89: {  	s3 =	sld [smem:$0x3FFE];
	_ =	sdelay $0x1  }
0x8a: {  	s1 =	srdreg.scid  }
0x8b: {  	s0 =	sand.u32 $0x1, s1  }
0x8c: {  	s14 =	sshll.u32 s0, $0xA;
	s2 =	sadd.s32 s3, s2  }
0x8d: {  	s2 =	sadd.s32 s2, s14  }
0x8e: {  	[smem:$0x3FB4] =	sst s2  }
0x8f: {  	_ = 	snop  }
0x90: {  	s2 =	sld [smem:$0x3FD0];
	_ =	sdelay $0x2  }
0x91: {  	s15 =	simm.s32 $0xA;
	s4 =	simm.s32 $0x10  }
0x92: {  	[smem:s4], [sflag:s15] =	dma.local [hbm:s2], $0x1  }
0x93: {  	_ =	swait.eq [sflag:s15], $0x1  }
0x94: {  	[sflag:s15] =	ssyncset.done $0x0  }
0x95: {  	[sflag:s15] =	ssyncadd.s32 $0xFFFFFFFF  }
0x96: {  	s16 =	sld [smem:$0x11];
	(tm) =	ssettm $0x1  }
0x97: {  	s17 =	sld [smem:$0x3FFB];
	_ =	sdelay $0x3  }
0x98: {  	_ =	strace s17  }
0x99: {  	s3 =	sld [smem:$0x3FFC];
	_ =	sdelay $0x3  }
0x9a: {  	_ =	strace s3  }
0x9b: {  	s3 =	sld [smem:$0x3FFD];
	_ =	sdelay $0x3  }
0x9c: {  	_ =	strace s3  }
0x9d: {  	_ =	strace $0x8FFFFFFF  }
0x9e: {  	s18 =	sld [smem:$0x3FDB];
	_ =	sdelay $0x1  }
0x9f: {  	s19 =	simm.s32 $_scs_section_size  }
0xa0: {  	s5 =	simm.s32 $_size__tile_overlayer_lowered;
	s6 =	simm.s32 $_tile_overlayer_lowered  }
0xa1: {  	s22 =	simm.s32 $0x1BFF;
	s21 =	sshll.u32 s6, $0x1;
	s3 =	sadd.s32 s19, s18  }
0xa2: {  	s7 =	simm.s32 $0x0;
	s20 =	sshll.u32 s5, $0x1;
	s5 =	sadd.s32 s21, s3  }
0xa3: {  	[timem:s7], [sflag:s22] =	dma.local [hbm:s5], s20  }
0xa4: {  	_ =	swait.ge [sflag:s22], s20  }
0xa5: {  	s4 =	ssub.s32 $0x0, s20;
	[sflag:s22] =	ssyncset.done $0x0  }
0xa6: {  	[sflag:s22] =	ssyncadd.s32 s4;
	_ =	sdelay $0x1  }
0xa7: {  	s23 =	simm.s32 $0x1B8B  }
0xa8: {  	_ =	swait.ge [sflag:s23], $0x1  }
0xa9: {  	[sflag:s23] =	ssyncset.done $0x0  }
0xaa: {  	s25 =	simm.s32 $0x1B8E;
	s24 =	sld [smem:$0x3FFE];
	[sflag:s23] =	ssyncadd.s32 $0xFFFFFFFF  }
0xab: {  	s26 =	simm.s32 $execute0_lowered;
	[smem:$0x3FD2] =	sst s25  }
0xac: {  	s5 =	sshll.u32 s26, $0x1;
	_ =	strace $0x80000046;
	[dreg:$0x1] =	wrdreg $0xFFFFFFFF  }
0xad: {  	s28 =	simm.s32 $_size_execute0_lowered;
	s3 =	sadd.s32 s3, s5;
	[dreg:$0x0] =	wrdreg $0x0  }
0xae: {  	s5 =	sshll.u32 s28, $0x1;
	[dreg:$0x2] =	wrdreg s3  }
0xaf: {  	[dreg:$0x3] =	wrdreg s5  }
0xb0: {  	[dreg:$0x4] =	wrdreg $0xC0  }
0xb1: {  	_ =	task [dreg:s7], $0x5FFFF  }
0xb2: {  	[dreg:$0x1] =	wrdreg $0xFFFFFFFF  }
0xb3: {  	[dreg:$0x0] =	wrdreg $0x60  }
0xb4: {  	[dreg:$0x2] =	wrdreg s24  }
0xb5: {  	[dreg:$0x3] =	wrdreg s16  }
0xb6: {  	[dreg:$0x4] =	wrdreg $0x9  }
0xb7: {  	_ =	task.clear_ibuf [dreg:s7], $0x5FFFF;
	_ =	strace $0x90000046  }
0xb8: {  	s29 =	simm.s32 $0x9;
	_ =	strace $0x80000048  }
0xb9: {  	_ =	swait.ge [sflag:s29], $0x1  }
0xba: {  	[sflag:s29] =	ssyncadd.s32 $0xFFFFFFFF  }
0xbb: {  	_ =	strace $0x90000048  }
0xbc: {  	_ =	sfence  }
0xbd: {  	s30 =	sld [smem:$0x0];
	_ =	sdelay $0x2  }
0xbe: {  	s31 =	sshll.u32 s1, $0xD;
	s1 =	sshrl.u32 s1, $0x2  }
0xbf: {  	s3 =	sand.u32 $0x4000, s31;
	s1 =	sadd.s32 s1, s30  }
0xc0: {  	s0 =	sor.u32 s3, s0;
	s1 =	sshll.u32 s1, $0x11  }
0xc1: {  	s0 =	sor.u32 s1, s0  }
0xc2: {  	s0 =	sadd.s32 $0x8F2B, s0  }
0xc3: {  	[sflag:s0] =	ssyncadd.remote.s32 $0x1  }
0xc4: {  	_ =	sfence.sel $0xFFFF  }
0xc5: {  	[dreg:$0x0] =	wrdreg $0xFFFFFFFF;
	(pc) =	sbr.abs _section_cstart, $3  }
0xc6: {  	[dreg:$0x1] =	wrdreg $0xFFFFFFFF  }
0xc7: {  	_ =	task.clear_ibuf [dreg:s7], $0x2FFFF;
	_ =	strace $0x9FFFFFFF  }
0xc8: {  	(tm) =	ssettm $0x7FFFFFFF  }
0xc9: {  	_ =	shalt  }
tec
execute0_lowered:
.L_overlay_start_1:
0x0: {  	(tag) =	ssettag $0x1  }
0x1: {  	s0 =	srdreg.scid  }
0x2: {  	s5 =	rddreg [dreg:$0x0];
	s4 =	sand.u32 $0x1, s0  }
0x3: {  	s2 =	rddreg [dreg:$0x1];
	s0 =	stileid.u32;
	s1 =	sshll.u32 s4, $0x4  }
0x4: {  	s3 =	simm.s32 $0x0;
	s9 =	simm.s32 $0x80;
	s1 =	sor.u32 s0, s1  }
0x5: {  	s10 =	simm.s32 $0x400;
	s11 =	simm.s32 $0x0;
	s6 =	sshrl.u32 s1, $0x3  }
0x6: {  	[smem:$0x7FF] =	sst s3;
	s8 =	sshll.u32 s0, $0x7;
	s7 =	smul.u32 $0x14000, s6  }
0x7: {  	s4 =	ssub.s32 $0x2, s4;
	s8 =	sand.u32 $0x380, s8;
	s6 =	smul.u32 $0x13C00, s6  }
0x8: {  	s31 =	sshrl.u32 s4, $0x1;
	s1 =	rddreg [dreg:$0x2];
	s7 =	sor.u32 s8, s7  }
0x9: {  	_ =	strace $0x80000047;
	s6 =	sor.u32 s8, s6;
	s7 =	sshrl.u32 s7, $0x3  }
0xa: {  	s8 =	simm.s32 $0x1;
	s6 =	sshrl.u32 s6, $0x3;
	s7 =	sadd.s32 s7, s5  }
0xb: {  	s5 =	sadd.s32 s6, s5;
	s6 =	ssub.s32 s4, s31;
	s4 =	sadd.s32 $0x19800, s7  }
0xc: {  	v0 =	vimm.f32 $1.000000000e+00;
	s5 =	sadd.s32 $0x23800, s5;
	s6 =	smax.u32 s6, $0x1;
	s7 =	simm.s32 $0x2800  }
.LBB2_1:
0xd: {  	[tilespmem:s7], [sflag:$0x1] =	stream.linear.gather [hbm4b:s2+s3], $0x2780, $0x38;
	[tilespmem:$0x4F80] =	vst v63  }
0xe: {  	_ =	swait.ge [sflag:s8], $0x2780  }
0xf: {  	[sflag:s8] =	ssyncset.done $0x0  }
0x10: {  	[sflag:s8] =	ssyncadd.s32 $0xFFFFD880  }
0x11: {  	[tilespmem:s3], [sflag:$0x1] =	stream.strided.gather [hbm4b:s4+s9], $0x2800, s10, s9, $0x38;
	[tilespmem:$0x4F80] =	vst v63  }
0x12: {  	_ =	swait.ge [sflag:s8], $0x2800  }
0x13: {  	[sflag:s8] =	ssyncset.done $0x0  }
0x14: {  	s13 =	simm.s32 $0x0;
	s12 =	simm.s32 $0x40;
	[sflag:s8] =	ssyncadd.s32 $0xFFFFD800  }
.LBB2_2:
0x15: {  	p0 =	sne.s32 s12, $0x9FC0;
	v1 =	vld [tilespmem:s13+$0x0];
	_ =	sdelay $0x3  }
.Ltmp0:
0x16: {  	(pc) =	sbr.rel @p0 .LBB2_2-.Ltmp0, $2  }
0x17: {  	_ =	sdelay $0x2  }
0x18: {  	s13 =	sshra.s32 s12, $0x2;
	s12 =	sadd.s32 $0x40, s12;
	[tilespmem:v1+s7+$0x0] =	vst.idx.add.f32.msk $0xffff, v0  }
0x19: {  	v1 =	vld [tilespmem:s13+$0x0];
	_ =	sdelay $0x5  }
0x1a: {  	s11 =	sadd.s32 $0x1, s11  }
0x1b: {  	p0 =	sne.s32 s11, s6  }
.Ltmp1:
0x1c: {  	[tilespmem:v1+s7+$0x0] =	vst.idx.add.f32.msk $0xffff, v0;
	(pc) =	sbr.rel @p0 .LBB2_1-.Ltmp1, $4  }
0x1d: {  	[hbm4b:s5+s9] =	stream.strided.scatter [tilespmem:s7], [sflag:$0x1], $0x2780, s10, s9, $0x38;
	[tilespmem:$0x4F80] =	vst v63  }
0x1e: {  	_ =	swait.ge [sflag:s8], $0x2780  }
0x1f: {  	[sflag:s8] =	ssyncset.done $0x0  }
0x20: {  	[sflag:s8] =	ssyncadd.s32 $0xFFFFD880  }
0x21: {  	_ =	sfence.sel $0x180000  }
0x22: {  	[bflag:$0x0] =	sbarrier.arrive $0xFFFF  }
0x23: {  	p0 =	sne.s32 s0, $0x0;
	_ =	strace $0x90000047  }
0x24: {  	s0 =	sadd.s32 @!p0 $0x100000, s1;
	[bflag:$0x2] =	sbarrier.arrive $0xFFFF  }
0x25: {  	[sflag:s0] =	ssyncadd.tile.s32 @!p0 $0x1;
	_ =	shalt  }
.Lfunc_end2:
_tile_overlayer_lowered:
.L_overlay_start_2:
0x26: {  	(tag) =	ssettag $0x2  }
0x27: {  	s0 =	rddreg [dreg:$0x0];
	s2 =	stileid.u32  }
0x28: {  	s1 =	rddreg [dreg:$0x1];
	p0 =	sne.s32 s2, $0x0  }
0x29: {  	s3 =	rddreg [dreg:$0x2];
	[bflag:$0x3] =	sbarrier.arrive $0xFFFF;
	s2 =	simm.s32 @!p0 $0x1C01  }
0x2a: {  	[timem:s3], [sflag:s2] =	dma.local @!p0 [hbm:s0], s1  }
0x2b: {  	s0 =	simm.s32 @!p0 $0x1  }
0x2c: {  	_ =	swait.ge @!p0 [sflag:s0], s1  }
0x2d: {  	s1 =	ssub.s32 @!p0 $0x0, s1;
	[sflag:s0] =	ssyncset.done @!p0 $0x0  }
0x2e: {  	[sflag:s0] =	ssyncadd.s32 @!p0 s1  }
0x2f: {  	[bflag:$0x3] =	sbarrier.arrive $0xFFFF  }
0x30: {  	_ =	shalt  }

// kernel: kernel.13.cloned.1.call-start
scs
__scs_entry_jumppad:
0x0: {  	(pc) =	sbr.rel $0x88, $3  }
0x1: {  	(tag) =	ssettag $0x0;
	lr =	simm.s32 $0x1  }
0x2: {  	[smem:$0x3F8D] =	sst lr;
	_ =	strace $0xD0000000  }
0x3: {  	_ = 	snop  }
0x4: {  	_ = 	snop  }
0x5: {  	_ = 	snop  }
0x6: {  	_ = 	snop  }
0x7: {  	_ = 	snop  }
__scs_overlays_trampoline_lowered:
0x8: {  	[smem:$0x3F9C] =	sst s0  }
0x9: {  	[smem:$0x3F9D] =	sst s1  }
0xa: {  	[smem:$0x3F9E] =	sst s2  }
0xb: {  	[smem:$0x3F9F] =	sst s3  }
0xc: {  	[smem:$0x3FA0] =	sst s4  }
0xd: {  	[smem:$0x3FA1] =	sst s5  }
0xe: {  	[smem:$0x3FA2] =	sst s6  }
0xf: {  	[smem:$0x3FA3] =	sst s7  }
0x10: {  	[smem:$0x3FA4] =	sst s8  }
0x11: {  	[smem:$0x3FA5] =	sst s9;
	s0 =	simm.s32 @!p0 $0x0  }
0x12: {  	s1 =	sld [smem:$0x3F8B];
	s0 =	simm.s32 @p0 $0x1  }
0x13: {  	[smem:$0x3FA6] =	sst s0;
	s0 =	simm.s32 @!p1 $0x0  }
0x14: {  	s2 =	sld [smem:$0x3F8A];
	s0 =	simm.s32 @p1 $0x1  }
0x15: {  	[smem:$0x3FA7] =	sst s0;
	s0 =	simm.s32 @!p2 $0x0  }
0x16: {  	s3 =	sld [smem:$0x3FDB];
	s0 =	simm.s32 @p2 $0x1  }
0x17: {  	s4 =	simm.s32 $0x1BF5;
	[smem:$0x3FA9] =	sst s0  }
0x18: {  	s0 =	sld [smem:$0x3F8C];
	_ =	swait.ge [sflag:s4], $0x0  }
0x19: {  	s7 =	sld [smem:$0x3F8D]  }
0x1a: {  	s8 =	sadd.s32 $0xFFFFE003, lr  }
0x1b: {  	s9 =	sadd.s32 $0xFFFFFEF7, lr;
	s5 =	simm.s32 $0xFFFFFFFF;
	p2 =	slt.u32 s8, $0xFFFFF086  }
0x1c: {  	p1 =	slt.u32 s9, $0xF7A;
	s5 =	simm.s32 @!p2 $0x0  }
0x1d: {  	s5 =	simm.s32 @p1 $0x1;
	p0 =	seq.s32 s7, s2  }
0x1e: {  	s7 =	smul.u32 @!p0 $0xF7A, s2;
	p2 =	seq.s32 @!p0 s5, $0x0  }
0x1f: {  	s9 =	smul.u32 $0xF7A, s1;
	s8 =	simm.s32 @!p0 $0x1BF5;
	p2 =	por !p2, p0  }
0x20: {  	[sflag:s8] =	ssyncset.s32 @!p0 $0xFFFFF086;
	s6 =	sadd.s32 @!p0 s3, s7;
	s7 =	simm.s32 @!p0 $0x108  }
0x21: {  	s3 =	sadd.s32 s3, s9;
	s6 =	sadd.s32 @!p0 $0x88, s6;
	s7 =	simm.s32 @p2 $0x1082  }
0x22: {  	[simem:s7], [sflag:s8] =	dma.local @!p0 [hbm:s6], $0xF7A  }
0x23: {  	s9 =	sor.u32 $0xD0000000, s2;
	s6 =	simm.s32 $0x108;
	_ =	swait.ge @!p0 [sflag:s8], $0x0  }
0x24: {  	s3 =	sadd.s32 $0x88, s3;
	s6 =	simm.s32 @!p1 $0x1082;
	[sflag:s4] =	ssyncset.s32 $0xFFFFF086  }
0x25: {  	[simem:s6], [sflag:s4] =	dma.local [hbm:s3], $0xF7A  }
0x26: {  	[smem:$0x3F8D] =	sst s1;
	(tag) =	ssettag s2;
	_ =	strace s9  }
0x27: {  	s1 =	sld [smem:$0x3F9D]  }
0x28: {  	s2 =	sld [smem:$0x3F9E]  }
0x29: {  	s4 =	sld [smem:$0x3FA0]  }
0x2a: {  	p0 =	seq.s32 s5, $0x0;
	s5 =	sld [smem:$0x3FA1]  }
0x2b: {  	s6 =	sld [smem:$0x3FA2]  }
0x2c: {  	s7 =	sld [smem:$0x3FA3]  }
0x2d: {  	s3 =	simm.s32 $0x108;
	s8 =	sld [smem:$0x3FA4]  }
0x2e: {  	s3 =	simm.s32 @!p0 $0x1082;
	s9 =	sld [smem:$0x3FA5]  }
0x2f: {  	lr =	sadd.s32 s0, s3;
	s0 =	sld [smem:$0x3F9C]  }
0x30: {  	s3 =	sld [smem:$0x3F9F]  }
0x31: {  	[smem:$0x3FA8] =	sst s10  }
0x32: {  	s10 =	sld [smem:$0x3FA6];
	_ =	sdelay $0x3  }
0x33: {  	p0 =	seq.s32 s10, $0x1;
	s10 =	sld [smem:$0x3FA8];
	_ =	sdelay $0x3  }
0x34: {  	[smem:$0x3FA8] =	sst s10  }
0x35: {  	s10 =	sld [smem:$0x3FA7];
	_ =	sdelay $0x3  }
0x36: {  	p1 =	seq.s32 s10, $0x1;
	s10 =	sld [smem:$0x3FA8];
	_ =	sdelay $0x3  }
0x37: {  	[smem:$0x3FA8] =	sst s10  }
0x38: {  	s10 =	sld [smem:$0x3FA9]  }
0x39: {  	_ = 	snop;
	(pc) =	sbr.ind lr, $3  }
0x3a: {  	_ = 	snop  }
0x3b: {  	_ = 	snop  }
0x3c: {  	p2 =	seq.s32 s10, $0x1;
	s10 =	sld [smem:$0x3FA8]  }
0x3d: {  	_ =	shalt  }
0x3e: {  	_ =	shalt  }
0x3f: {  	_ =	shalt  }
0x40: {  	_ =	shalt  }
0x41: {  	_ =	shalt  }
0x42: {  	_ =	shalt  }
0x43: {  	_ =	shalt  }
0x44: {  	_ =	shalt  }
0x45: {  	_ =	shalt  }
0x46: {  	_ =	shalt  }
0x47: {  	_ =	shalt  }
0x48: {  	_ =	shalt  }
0x49: {  	_ =	shalt  }
0x4a: {  	_ =	shalt  }
0x4b: {  	_ =	shalt  }
0x4c: {  	_ =	shalt  }
0x4d: {  	_ =	shalt  }
0x4e: {  	_ =	shalt  }
0x4f: {  	_ =	shalt  }
0x50: {  	_ =	shalt  }
0x51: {  	_ =	shalt  }
0x52: {  	_ =	shalt  }
0x53: {  	_ =	shalt  }
0x54: {  	_ =	shalt  }
0x55: {  	_ =	shalt  }
0x56: {  	_ =	shalt  }
0x57: {  	_ =	shalt  }
0x58: {  	_ =	shalt  }
0x59: {  	_ =	shalt  }
0x5a: {  	_ =	shalt  }
0x5b: {  	_ =	shalt  }
0x5c: {  	_ =	shalt  }
0x5d: {  	_ =	shalt  }
0x5e: {  	_ =	shalt  }
0x5f: {  	_ =	shalt  }
0x60: {  	_ =	shalt  }
0x61: {  	_ =	shalt  }
0x62: {  	_ =	shalt  }
0x63: {  	_ =	shalt  }
0x64: {  	_ =	shalt  }
0x65: {  	_ =	shalt  }
0x66: {  	_ =	shalt  }
0x67: {  	_ =	shalt  }
0x68: {  	_ =	shalt  }
0x69: {  	_ =	shalt  }
0x6a: {  	_ =	shalt  }
0x6b: {  	_ =	shalt  }
0x6c: {  	_ =	shalt  }
0x6d: {  	_ =	shalt  }
0x6e: {  	_ =	shalt  }
0x6f: {  	_ =	shalt  }
0x70: {  	_ =	shalt  }
0x71: {  	_ =	shalt  }
0x72: {  	_ =	shalt  }
0x73: {  	_ =	shalt  }
0x74: {  	_ =	shalt  }
0x75: {  	_ =	shalt  }
0x76: {  	_ =	shalt  }
0x77: {  	_ =	shalt  }
0x78: {  	_ =	shalt  }
0x79: {  	_ =	shalt  }
0x7a: {  	_ =	shalt  }
0x7b: {  	_ =	shalt  }
0x7c: {  	_ =	shalt  }
0x7d: {  	_ =	shalt  }
0x7e: {  	_ =	shalt  }
0x7f: {  	_ =	shalt  }
0x80: {  	_ =	shalt  }
0x81: {  	_ =	shalt  }
0x82: {  	_ =	shalt  }
0x83: {  	_ =	shalt  }
0x84: {  	_ =	shalt  }
0x85: {  	_ =	shalt  }
0x86: {  	_ =	shalt  }
0x87: {  	_ =	shalt  }
.Lfunc_end0:
.L_simem_size_0:
called_computation.1_lowered:
.L_overlay_start_0:
0x88: {  	s2 =	sld [smem:$0x3FD9]  }
0x89: {  	s3 =	sld [smem:$0x3FFE];
	_ =	sdelay $0x1  }
0x8a: {  	s1 =	srdreg.scid  }
0x8b: {  	s0 =	sand.u32 $0x1, s1  }
0x8c: {  	s16 =	sshll.u32 s0, $0xA;
	s2 =	sadd.s32 s3, s2  }
0x8d: {  	s2 =	sadd.s32 s2, s16  }
0x8e: {  	[smem:$0x3FB4] =	sst s2  }
0x8f: {  	_ = 	snop  }
0x90: {  	(tm) =	ssettm $0x1  }
0x91: {  	s17 =	sld [smem:$0x3FFB];
	_ =	sdelay $0x3  }
0x92: {  	_ =	strace s17  }
0x93: {  	s2 =	sld [smem:$0x3FFC];
	_ =	sdelay $0x3  }
0x94: {  	_ =	strace s2  }
0x95: {  	s2 =	sld [smem:$0x3FFD];
	_ =	sdelay $0x3  }
0x96: {  	_ =	strace s2  }
0x97: {  	_ =	strace $0x8FFFFFFF  }
0x98: {  	s18 =	sld [smem:$0x3FDB];
	_ =	sdelay $0x1  }
0x99: {  	s19 =	simm.s32 $_scs_section_size  }
0x9a: {  	s4 =	simm.s32 $_size__tile_overlayer_lowered;
	s5 =	simm.s32 $_tile_overlayer_lowered  }
0x9b: {  	s22 =	simm.s32 $0x1BFF;
	s21 =	sshll.u32 s5, $0x1;
	s2 =	sadd.s32 s19, s18  }
0x9c: {  	s6 =	simm.s32 $0x0;
	s20 =	sshll.u32 s4, $0x1;
	s4 =	sadd.s32 s21, s2  }
0x9d: {  	[timem:s6], [sflag:s22] =	dma.local [hbm:s4], s20  }
0x9e: {  	_ =	swait.ge [sflag:s22], s20  }
0x9f: {  	s3 =	ssub.s32 $0x0, s20;
	[sflag:s22] =	ssyncset.done $0x0  }
0xa0: {  	[sflag:s22] =	ssyncadd.s32 s3;
	_ =	sdelay $0x1  }
0xa1: {  	s23 =	simm.s32 $0x1B8B  }
0xa2: {  	_ =	swait.ge [sflag:s23], $0x1  }
0xa3: {  	[sflag:s23] =	ssyncset.done $0x0  }
0xa4: {  	s25 =	simm.s32 $0x1B8E;
	s24 =	sld [smem:$0x3FFE];
	[sflag:s23] =	ssyncadd.s32 $0xFFFFFFFF  }
0xa5: {  	s26 =	simm.s32 $execute0_lowered;
	[smem:$0x3FD2] =	sst s25  }
0xa6: {  	s4 =	sshll.u32 s26, $0x1;
	_ =	strace $0x80000049;
	[dreg:$0x1] =	wrdreg $0xFFFFFFFF  }
0xa7: {  	s28 =	simm.s32 $_size_execute0_lowered;
	s2 =	sadd.s32 s2, s4;
	[dreg:$0x0] =	wrdreg $0x0  }
0xa8: {  	s4 =	sshll.u32 s28, $0x1;
	[dreg:$0x2] =	wrdreg s2  }
0xa9: {  	[dreg:$0x3] =	wrdreg s4  }
0xaa: {  	[dreg:$0x4] =	wrdreg $0xC0  }
0xab: {  	_ =	task [dreg:s6], $0x5FFFF  }
0xac: {  	[dreg:$0x1] =	wrdreg $0xFFFFFFFF  }
0xad: {  	[dreg:$0x0] =	wrdreg $0x60  }
0xae: {  	[dreg:$0x2] =	wrdreg s24  }
0xaf: {  	[dreg:$0x3] =	wrdreg $0xA8000  }
0xb0: {  	[dreg:$0x4] =	wrdreg $0x9  }
0xb1: {  	_ =	task.clear_ibuf [dreg:s6], $0x5FFFF;
	_ =	strace $0x90000049  }
0xb2: {  	s29 =	simm.s32 $0x9;
	_ =	strace $0x8000004B  }
0xb3: {  	_ =	swait.ge [sflag:s29], $0x1  }
0xb4: {  	[sflag:s29] =	ssyncadd.s32 $0xFFFFFFFF  }
0xb5: {  	_ =	strace $0x9000004B  }
0xb6: {  	_ =	sfence  }
0xb7: {  	s30 =	sld [smem:$0x0];
	_ =	sdelay $0x2  }
0xb8: {  	s31 =	sshll.u32 s1, $0xD;
	s1 =	sshrl.u32 s1, $0x2  }
0xb9: {  	s3 =	sand.u32 $0x4000, s31;
	s1 =	sadd.s32 s1, s30  }
0xba: {  	s0 =	sor.u32 s3, s0;
	s1 =	sshll.u32 s1, $0x11  }
0xbb: {  	s0 =	sor.u32 s1, s0  }
0xbc: {  	s0 =	sadd.s32 $0x8F2B, s0  }
0xbd: {  	[sflag:s0] =	ssyncadd.remote.s32 $0x1  }
0xbe: {  	_ =	sfence.sel $0xFFFF  }
0xbf: {  	[dreg:$0x0] =	wrdreg $0xFFFFFFFF;
	(pc) =	sbr.abs _section_cstart, $3  }
0xc0: {  	[dreg:$0x1] =	wrdreg $0xFFFFFFFF  }
0xc1: {  	_ =	task.clear_ibuf [dreg:s6], $0x2FFFF;
	_ =	strace $0x9FFFFFFF  }
0xc2: {  	(tm) =	ssettm $0x7FFFFFFF  }
0xc3: {  	_ =	shalt  }
tec
execute0_lowered:
.L_overlay_start_1:
0x0: {  	(tag) =	ssettag $0x1  }
0x1: {  	s6 =	rddreg [dreg:$0x0]  }
0x2: {  	s1 =	rddreg [dreg:$0x1];
	s2 =	srdreg.scid  }
0x3: {  	s0 =	rddreg [dreg:$0x2];
	s3 =	simm.s32 $0x0;
	s16 =	simm.s32 $0x80  }
0x4: {  	s17 =	simm.s32 $0x2800;
	s18 =	simm.s32 $0x6800;
	s19 =	simm.s32 $0x1  }
0x5: {  	s20 =	simm.s32 $0x2;
	s21 =	simm.s32 $0x2700;
	s22 =	simm.s32 $0x2780  }
0x6: {  	s23 =	simm.s32 $0x0;
	s7 =	sand.u32 $0x1, s2;
	s2 =	stileid.u32  }
0x7: {  	[smem:$0x7FF] =	sst s3;
	s4 =	sadd.s32 $0x19800, s6;
	s5 =	smul.u32 $0x13C000, s7  }
0x8: {  	s9 =	sadd.s32 $0x5800, s6;
	s10 =	sadd.s32 $0xF800, s6;
	s8 =	smul.u32 $0x13C00, s2  }
0x9: {  	_ =	strace $0x8000004A;
	s11 =	sshll.u32 s7, $0x4;
	s7 =	ssub.s32 $0x2, s7  }
0xa: {  	s12 =	smul.u32 $0x4F000, s2;
	s31 =	sshll.u32 s2, $0x6;
	s11 =	sor.u32 s2, s11  }
0xb: {  	s28 =	sshrl.u32 s7, $0x1;
	s8 =	sadd.s32 s8, s5;
	s5 =	sadd.s32 $0x41000, s6  }
0xc: {  	s29 =	smul.u32 $0x2800, s11;
	s14 =	ssub.s32 s7, s28;
	s30 =	sshrl.u32 s12, $0x2  }
0xd: {  	s8 =	sshrl.u32 s8, $0x3;
	s15 =	sadd.s32 s30, s1;
	s12 =	smax.u32 s14, $0x1  }
0xe: {  	s14 =	simm.s32 $0x3;
	s13 =	sadd.s32 s8, s6;
	s11 =	sshrl.u32 s29, $0x3  }
0xf: {  	s7 =	sadd.s32 s9, s11;
	s8 =	sadd.s32 s10, s11;
	s11 =	sadd.s32 $0x280, s11  }
0x10: {  	s6 =	sor.u32 $0x1C03, s31;
	s9 =	sadd.s32 s9, s11;
	s10 =	sadd.s32 s10, s11  }
0x11: {  	s11 =	sadd.s32 $0x43800, s13;
	s13 =	sshrl.u32 s15, $0x3;
	s15 =	simm.s32 $0x1400  }
.LBB2_1:
0x12: {  	[spmem:s13], [sflag:s6] =	dma.local [hbm:s5], $0x2780  }
0x13: {  	_ =	swait.ge [sflag:s14], $0x2780  }
0x14: {  	[sflag:s14] =	ssyncset.done $0x0  }
0x15: {  	[sflag:s14] =	ssyncadd.s32 $0xFFFFD880  }
0x16: {  	[bflag:$0x0] =	sbarrier.arrive $0xFFFF  }
0x17: {  	[tilespmem:s3], [sflag:$0x3] =	stream.linear.gather [hbm4b:s7+s3], $0x1400, $0x38;
	[tilespmem:$0x1E400] =	vst v63  }
0x18: {  	_ =	swait.ge [sflag:s14], $0x1400  }
0x19: {  	[sflag:s14] =	ssyncset.done $0x0  }
0x1a: {  	[sflag:s14] =	ssyncadd.s32 $0xFFFFEC00  }
0x1b: {  	[tilespmem:s15], [sflag:$0x3] =	stream.linear.gather [hbm4b:s8+s3], $0x1400, $0x38;
	[tilespmem:$0x1E400] =	vst v63  }
0x1c: {  	_ =	swait.ge [sflag:s14], $0x1400  }
0x1d: {  	[sflag:s14] =	ssyncset.done $0x0  }
0x1e: {  	[sflag:s14] =	ssyncadd.s32 $0xFFFFEC00  }
0x1f: {  	[tilespmem:s17], [sflag:$0x1] =	stream.indirect.gather [hbm4b:s4+s16], $0x80, s3, s16, $0xb8;
	[tilespmem:$0x1E400] =	vst v63  }
0x20: {  	_ = 	snop  }
0x21: {  	[tilespmem:s18], [sflag:$0x2] =	stream.indirect.gather [hbm4b:s4+s16], $0x80, s16, s16, $0xb8;
	[tilespmem:$0x1E400] =	vst v63  }
0x22: {  	_ =	swait.ge [sflag:s19], $0x4000  }
0x23: {  	[sflag:s19] =	ssyncset.done $0x0  }
0x24: {  	s24 =	simm.s32 $0x1400;
	[sflag:s19] =	ssyncadd.s32 $0xFFFFC000  }
0x25: {  	[spmem:s1] =	stream.indirect.scatter.add.f32 [tilespmem:s17], [sflag:$0x3], $0x80, s24, s16, $0xb8;
	[tilespmem:$0x1E400] =	vst v63  }
0x26: {  	_ =	swait.ge [sflag:s14], $0x4000  }
0x27: {  	[sflag:s14] =	ssyncset.done $0x0  }
0x28: {  	s30 =	simm.s32 $0x100;
	[sflag:s14] =	ssyncadd.s32 $0xFFFFC000  }
0x29: {  	[tilespmem:s17], [sflag:$0x1] =	stream.indirect.gather [hbm4b:s4+s16], $0x80, s30, s16, $0xb8;
	[tilespmem:$0x1E400] =	vst v63  }
0x2a: {  	_ =	swait.ge [sflag:s20], $0x4000  }
0x2b: {  	[sflag:s20] =	ssyncset.done $0x0  }
0x2c: {  	s31 =	simm.s32 $0x1480;
	[sflag:s20] =	ssyncadd.s32 $0xFFFFC000  }
0x2d: {  	[spmem:s1] =	stream.indirect.scatter.add.f32 [tilespmem:s18], [sflag:$0x3], $0x80, s31, s16, $0xb8;
	[tilespmem:$0x1E400] =	vst v63  }
0x2e: {  	_ =	swait.ge [sflag:s14], $0x4000  }
0x2f: {  	[sflag:s14] =	ssyncset.done $0x0  }
0x30: {  	s25 =	simm.s32 $0x180;
	s24 =	simm.s32 $0x400;
	[sflag:s14] =	ssyncadd.s32 $0xFFFFC000  }
.LBB2_2:
0x31: {  	[tilespmem:s18], [sflag:$0x2] =	stream.indirect.gather [hbm4b:s4+s16], $0x80, s25, s16, $0xb8;
	[tilespmem:$0x1E400] =	vst v63  }
0x32: {  	s25 =	smov.u32 s24  }
0x33: {  	p0 =	sne.s32 s24, $0x4800;
	s24 =	sadd.s32 $0x400, s24;
	_ =	swait.ge [sflag:s19], $0x4000  }
0x34: {  	s25 =	sshra.s32 s25, $0x2;
	[sflag:s19] =	ssyncset.done $0x0  }
0x35: {  	s26 =	sadd.s32 $0x1400, s25;
	[sflag:s19] =	ssyncadd.s32 $0xFFFFC000  }
0x36: {  	[spmem:s1] =	stream.indirect.scatter.add.f32 [tilespmem:s17], [sflag:$0x3], $0x80, s26, s16, $0xb8;
	[tilespmem:$0x1E400] =	vst v63  }
0x37: {  	_ =	swait.ge [sflag:s14], $0x4000  }
0x38: {  	[sflag:s14] =	ssyncset.done $0x0  }
0x39: {  	s26 =	sadd.s32 $0x100, s25;
	[sflag:s14] =	ssyncadd.s32 $0xFFFFC000  }
0x3a: {  	[tilespmem:s17], [sflag:$0x1] =	stream.indirect.gather [hbm4b:s4+s16], $0x80, s26, s16, $0xb8;
	[tilespmem:$0x1E400] =	vst v63  }
0x3b: {  	_ =	swait.ge [sflag:s20], $0x4000  }
0x3c: {  	[sflag:s20] =	ssyncset.done $0x0  }
.Ltmp0:
0x3d: {  	s26 =	sadd.s32 $0x1480, s25;
	[sflag:s20] =	ssyncadd.s32 $0xFFFFC000;
	(pc) =	sbr.rel @p0 .LBB2_2-.Ltmp0, $4  }
0x3e: {  	[spmem:s1] =	stream.indirect.scatter.add.f32 [tilespmem:s18], [sflag:$0x3], $0x80, s26, s16, $0xb8;
	[tilespmem:$0x1E400] =	vst v63  }
0x3f: {  	_ =	swait.ge [sflag:s14], $0x4000  }
0x40: {  	[sflag:s14] =	ssyncset.done $0x0  }
0x41: {  	s25 =	sadd.s32 $0x180, s25;
	[sflag:s14] =	ssyncadd.s32 $0xFFFFC000  }
0x42: {  	[tilespmem:s18], [sflag:$0x2] =	stream.indirect.gather [hbm4b:s4+s16], $0x80, s25, s16, $0xb8;
	[tilespmem:$0x1E400] =	vst v63  }
0x43: {  	_ =	swait.ge [sflag:s19], $0x4000  }
0x44: {  	[sflag:s19] =	ssyncset.done $0x0  }
0x45: {  	[sflag:s19] =	ssyncadd.s32 $0xFFFFC000  }
0x46: {  	[spmem:s1] =	stream.indirect.scatter.add.f32 [tilespmem:s17], [sflag:$0x3], $0x80, s21, s16, $0xb8;
	[tilespmem:$0x1E400] =	vst v63  }
0x47: {  	_ =	swait.ge [sflag:s14], $0x4000  }
0x48: {  	[sflag:s14] =	ssyncset.done $0x0  }
0x49: {  	[sflag:s14] =	ssyncadd.s32 $0xFFFFC000  }
0x4a: {  	_ =	swait.ge [sflag:s20], $0x4000  }
0x4b: {  	[sflag:s20] =	ssyncset.done $0x0  }
0x4c: {  	[sflag:s20] =	ssyncadd.s32 $0xFFFFC000  }
0x4d: {  	[spmem:s1] =	stream.indirect.scatter.add.f32 [tilespmem:s18], [sflag:$0x3], $0x80, s22, s16, $0xb8;
	[tilespmem:$0x1E400] =	vst v63  }
0x4e: {  	_ =	swait.ge [sflag:s14], $0x4000  }
0x4f: {  	[sflag:s14] =	ssyncset.done $0x0  }
0x50: {  	s24 =	simm.s32 $0x0;
	[sflag:s14] =	ssyncadd.s32 $0xFFFFC000  }
0x51: {  	[tilespmem:s24], [sflag:$0x3] =	stream.linear.gather [hbm4b:s9+s24], $0x1400, $0x38;
	[tilespmem:$0x1E400] =	vst v63  }
0x52: {  	_ =	swait.ge [sflag:s14], $0x1400  }
0x53: {  	[sflag:s14] =	ssyncset.done $0x0  }
0x54: {  	[sflag:s14] =	ssyncadd.s32 $0xFFFFEC00  }
0x55: {  	[tilespmem:s15], [sflag:$0x3] =	stream.linear.gather [hbm4b:s10+s24], $0x1400, $0x38;
	[tilespmem:$0x1E400] =	vst v63  }
0x56: {  	_ =	swait.ge [sflag:s14], $0x1400  }
0x57: {  	[sflag:s14] =	ssyncset.done $0x0  }
0x58: {  	[sflag:s14] =	ssyncadd.s32 $0xFFFFEC00  }
0x59: {  	[tilespmem:s17], [sflag:$0x1] =	stream.indirect.gather [hbm4b:s4+s16], $0x80, s24, s16, $0xb8;
	[tilespmem:$0x1E400] =	vst v63  }
0x5a: {  	_ = 	snop  }
0x5b: {  	[tilespmem:s18], [sflag:$0x2] =	stream.indirect.gather [hbm4b:s4+s16], $0x80, s16, s16, $0xb8;
	[tilespmem:$0x1E400] =	vst v63  }
0x5c: {  	_ =	swait.ge [sflag:s19], $0x4000  }
0x5d: {  	[sflag:s19] =	ssyncset.done $0x0  }
0x5e: {  	s29 =	simm.s32 $0x1400;
	[sflag:s19] =	ssyncadd.s32 $0xFFFFC000  }
0x5f: {  	[spmem:s1] =	stream.indirect.scatter.add.f32 [tilespmem:s17], [sflag:$0x3], $0x80, s29, s16, $0xb8;
	[tilespmem:$0x1E400] =	vst v63  }
0x60: {  	_ =	swait.ge [sflag:s14], $0x4000  }
0x61: {  	[sflag:s14] =	ssyncset.done $0x0  }
0x62: {  	s30 =	simm.s32 $0x100;
	[sflag:s14] =	ssyncadd.s32 $0xFFFFC000  }
0x63: {  	[tilespmem:s17], [sflag:$0x1] =	stream.indirect.gather [hbm4b:s4+s16], $0x80, s30, s16, $0xb8;
	[tilespmem:$0x1E400] =	vst v63  }
0x64: {  	_ =	swait.ge [sflag:s20], $0x4000  }
0x65: {  	[sflag:s20] =	ssyncset.done $0x0  }
0x66: {  	s31 =	simm.s32 $0x1480;
	[sflag:s20] =	ssyncadd.s32 $0xFFFFC000  }
0x67: {  	[spmem:s1] =	stream.indirect.scatter.add.f32 [tilespmem:s18], [sflag:$0x3], $0x80, s31, s16, $0xb8;
	[tilespmem:$0x1E400] =	vst v63  }
0x68: {  	_ =	swait.ge [sflag:s14], $0x4000  }
0x69: {  	[sflag:s14] =	ssyncset.done $0x0  }
0x6a: {  	s25 =	simm.s32 $0x180;
	s24 =	simm.s32 $0x400;
	[sflag:s14] =	ssyncadd.s32 $0xFFFFC000  }
.LBB2_4:
0x6b: {  	[tilespmem:s18], [sflag:$0x2] =	stream.indirect.gather [hbm4b:s4+s16], $0x80, s25, s16, $0xb8;
	[tilespmem:$0x1E400] =	vst v63  }
0x6c: {  	s25 =	smov.u32 s24  }
0x6d: {  	p0 =	sne.s32 s24, $0x4800;
	s24 =	sadd.s32 $0x400, s24;
	_ =	swait.ge [sflag:s19], $0x4000  }
0x6e: {  	s25 =	sshra.s32 s25, $0x2;
	[sflag:s19] =	ssyncset.done $0x0  }
0x6f: {  	s26 =	sadd.s32 $0x1400, s25;
	[sflag:s19] =	ssyncadd.s32 $0xFFFFC000  }
0x70: {  	[spmem:s1] =	stream.indirect.scatter.add.f32 [tilespmem:s17], [sflag:$0x3], $0x80, s26, s16, $0xb8;
	[tilespmem:$0x1E400] =	vst v63  }
0x71: {  	_ =	swait.ge [sflag:s14], $0x4000  }
0x72: {  	[sflag:s14] =	ssyncset.done $0x0  }
0x73: {  	s26 =	sadd.s32 $0x100, s25;
	[sflag:s14] =	ssyncadd.s32 $0xFFFFC000  }
0x74: {  	[tilespmem:s17], [sflag:$0x1] =	stream.indirect.gather [hbm4b:s4+s16], $0x80, s26, s16, $0xb8;
	[tilespmem:$0x1E400] =	vst v63  }
0x75: {  	_ =	swait.ge [sflag:s20], $0x4000  }
0x76: {  	[sflag:s20] =	ssyncset.done $0x0  }
.Ltmp1:
0x77: {  	s26 =	sadd.s32 $0x1480, s25;
	[sflag:s20] =	ssyncadd.s32 $0xFFFFC000;
	(pc) =	sbr.rel @p0 .LBB2_4-.Ltmp1, $4  }
0x78: {  	[spmem:s1] =	stream.indirect.scatter.add.f32 [tilespmem:s18], [sflag:$0x3], $0x80, s26, s16, $0xb8;
	[tilespmem:$0x1E400] =	vst v63  }
0x79: {  	_ =	swait.ge [sflag:s14], $0x4000  }
0x7a: {  	[sflag:s14] =	ssyncset.done $0x0  }
0x7b: {  	s25 =	sadd.s32 $0x180, s25;
	[sflag:s14] =	ssyncadd.s32 $0xFFFFC000  }
0x7c: {  	[tilespmem:s18], [sflag:$0x2] =	stream.indirect.gather [hbm4b:s4+s16], $0x80, s25, s16, $0xb8;
	[tilespmem:$0x1E400] =	vst v63  }
0x7d: {  	_ =	swait.ge [sflag:s19], $0x4000  }
0x7e: {  	[sflag:s19] =	ssyncset.done $0x0  }
0x7f: {  	[sflag:s19] =	ssyncadd.s32 $0xFFFFC000  }
0x80: {  	[spmem:s1] =	stream.indirect.scatter.add.f32 [tilespmem:s17], [sflag:$0x3], $0x80, s21, s16, $0xb8;
	[tilespmem:$0x1E400] =	vst v63  }
0x81: {  	_ =	swait.ge [sflag:s14], $0x4000  }
0x82: {  	[sflag:s14] =	ssyncset.done $0x0  }
0x83: {  	[sflag:s14] =	ssyncadd.s32 $0xFFFFC000  }
0x84: {  	_ =	swait.ge [sflag:s20], $0x4000  }
0x85: {  	[sflag:s20] =	ssyncset.done $0x0  }
0x86: {  	[sflag:s20] =	ssyncadd.s32 $0xFFFFC000  }
0x87: {  	[spmem:s1] =	stream.indirect.scatter.add.f32 [tilespmem:s18], [sflag:$0x3], $0x80, s22, s16, $0xb8;
	[tilespmem:$0x1E400] =	vst v63  }
0x88: {  	_ =	swait.ge [sflag:s14], $0x4000  }
0x89: {  	s23 =	sadd.s32 $0x1, s23;
	[sflag:s14] =	ssyncset.done $0x0  }
0x8a: {  	p0 =	sne.s32 s23, s12;
	[sflag:s14] =	ssyncadd.s32 $0xFFFFC000  }
.Ltmp2:
0x8b: {  	[bflag:$0x0] =	sbarrier.arrive $0xFFFF;
	(pc) =	sbr.rel @p0 .LBB2_1-.Ltmp2, $4  }
0x8c: {  	[hbm:s11], [sflag:s6] =	dma.local [spmem:s13], $0x2780  }
0x8d: {  	_ =	swait.ge [sflag:s14], $0x2780  }
0x8e: {  	[sflag:s14] =	ssyncset.done $0x0  }
0x8f: {  	[sflag:s14] =	ssyncadd.s32 $0xFFFFD880  }
0x90: {  	_ =	sfence.sel $0x180000  }
0x91: {  	[bflag:$0x0] =	sbarrier.arrive $0xFFFF  }
0x92: {  	p0 =	sne.s32 s2, $0x0;
	_ =	strace $0x9000004A  }
0x93: {  	s0 =	sadd.s32 @!p0 $0x100000, s0;
	[bflag:$0x2] =	sbarrier.arrive $0xFFFF  }
0x94: {  	[sflag:s0] =	ssyncadd.tile.s32 @!p0 $0x1;
	_ =	shalt  }
.Lfunc_end2:
_tile_overlayer_lowered:
.L_overlay_start_2:
0x95: {  	(tag) =	ssettag $0x2  }
0x96: {  	s0 =	rddreg [dreg:$0x0];
	s2 =	stileid.u32  }
0x97: {  	s1 =	rddreg [dreg:$0x1];
	p0 =	sne.s32 s2, $0x0  }
0x98: {  	s3 =	rddreg [dreg:$0x2];
	[bflag:$0x3] =	sbarrier.arrive $0xFFFF;
	s2 =	simm.s32 @!p0 $0x1C03  }
0x99: {  	[timem:s3], [sflag:s2] =	dma.local @!p0 [hbm:s0], s1  }
0x9a: {  	s0 =	simm.s32 @!p0 $0x3  }
0x9b: {  	_ =	swait.ge @!p0 [sflag:s0], s1  }
0x9c: {  	s1 =	ssub.s32 @!p0 $0x0, s1;
	[sflag:s0] =	ssyncset.done @!p0 $0x0  }
0x9d: {  	[sflag:s0] =	ssyncadd.s32 @!p0 s1  }
0x9e: {  	[bflag:$0x3] =	sbarrier.arrive $0xFFFF  }
0x9f: {  	_ =	shalt  }

// kernel: kernel.16.cloned.1.call-start
scs
__scs_entry_jumppad:
0x0: {  	(pc) =	sbr.rel $0x88, $3  }
0x1: {  	(tag) =	ssettag $0x0;
	lr =	simm.s32 $0x1  }
0x2: {  	[smem:$0x3F8D] =	sst lr;
	_ =	strace $0xD0000000  }
0x3: {  	_ = 	snop  }
0x4: {  	_ = 	snop  }
0x5: {  	_ = 	snop  }
0x6: {  	_ = 	snop  }
0x7: {  	_ = 	snop  }
__scs_overlays_trampoline_lowered:
0x8: {  	[smem:$0x3F9C] =	sst s0  }
0x9: {  	[smem:$0x3F9D] =	sst s1  }
0xa: {  	[smem:$0x3F9E] =	sst s2  }
0xb: {  	[smem:$0x3F9F] =	sst s3  }
0xc: {  	[smem:$0x3FA0] =	sst s4  }
0xd: {  	[smem:$0x3FA1] =	sst s5  }
0xe: {  	[smem:$0x3FA2] =	sst s6  }
0xf: {  	[smem:$0x3FA3] =	sst s7  }
0x10: {  	[smem:$0x3FA4] =	sst s8  }
0x11: {  	[smem:$0x3FA5] =	sst s9;
	s0 =	simm.s32 @!p0 $0x0  }
0x12: {  	s1 =	sld [smem:$0x3F8B];
	s0 =	simm.s32 @p0 $0x1  }
0x13: {  	[smem:$0x3FA6] =	sst s0;
	s0 =	simm.s32 @!p1 $0x0  }
0x14: {  	s2 =	sld [smem:$0x3F8A];
	s0 =	simm.s32 @p1 $0x1  }
0x15: {  	[smem:$0x3FA7] =	sst s0;
	s0 =	simm.s32 @!p2 $0x0  }
0x16: {  	s3 =	sld [smem:$0x3FDB];
	s0 =	simm.s32 @p2 $0x1  }
0x17: {  	s4 =	simm.s32 $0x1BF5;
	[smem:$0x3FA9] =	sst s0  }
0x18: {  	s0 =	sld [smem:$0x3F8C];
	_ =	swait.ge [sflag:s4], $0x0  }
0x19: {  	s7 =	sld [smem:$0x3F8D]  }
0x1a: {  	s8 =	sadd.s32 $0xFFFFE003, lr  }
0x1b: {  	s9 =	sadd.s32 $0xFFFFFEF7, lr;
	s5 =	simm.s32 $0xFFFFFFFF;
	p2 =	slt.u32 s8, $0xFFFFF086  }
0x1c: {  	p1 =	slt.u32 s9, $0xF7A;
	s5 =	simm.s32 @!p2 $0x0  }
0x1d: {  	s5 =	simm.s32 @p1 $0x1;
	p0 =	seq.s32 s7, s2  }
0x1e: {  	s7 =	smul.u32 @!p0 $0xF7A, s2;
	p2 =	seq.s32 @!p0 s5, $0x0  }
0x1f: {  	s9 =	smul.u32 $0xF7A, s1;
	s8 =	simm.s32 @!p0 $0x1BF5;
	p2 =	por !p2, p0  }
0x20: {  	[sflag:s8] =	ssyncset.s32 @!p0 $0xFFFFF086;
	s6 =	sadd.s32 @!p0 s3, s7;
	s7 =	simm.s32 @!p0 $0x108  }
0x21: {  	s3 =	sadd.s32 s3, s9;
	s6 =	sadd.s32 @!p0 $0x88, s6;
	s7 =	simm.s32 @p2 $0x1082  }
0x22: {  	[simem:s7], [sflag:s8] =	dma.local @!p0 [hbm:s6], $0xF7A  }
0x23: {  	s9 =	sor.u32 $0xD0000000, s2;
	s6 =	simm.s32 $0x108;
	_ =	swait.ge @!p0 [sflag:s8], $0x0  }
0x24: {  	s3 =	sadd.s32 $0x88, s3;
	s6 =	simm.s32 @!p1 $0x1082;
	[sflag:s4] =	ssyncset.s32 $0xFFFFF086  }
0x25: {  	[simem:s6], [sflag:s4] =	dma.local [hbm:s3], $0xF7A  }
0x26: {  	[smem:$0x3F8D] =	sst s1;
	(tag) =	ssettag s2;
	_ =	strace s9  }
0x27: {  	s1 =	sld [smem:$0x3F9D]  }
0x28: {  	s2 =	sld [smem:$0x3F9E]  }
0x29: {  	s4 =	sld [smem:$0x3FA0]  }
0x2a: {  	p0 =	seq.s32 s5, $0x0;
	s5 =	sld [smem:$0x3FA1]  }
0x2b: {  	s6 =	sld [smem:$0x3FA2]  }
0x2c: {  	s7 =	sld [smem:$0x3FA3]  }
0x2d: {  	s3 =	simm.s32 $0x108;
	s8 =	sld [smem:$0x3FA4]  }
0x2e: {  	s3 =	simm.s32 @!p0 $0x1082;
	s9 =	sld [smem:$0x3FA5]  }
0x2f: {  	lr =	sadd.s32 s0, s3;
	s0 =	sld [smem:$0x3F9C]  }
0x30: {  	s3 =	sld [smem:$0x3F9F]  }
0x31: {  	[smem:$0x3FA8] =	sst s10  }
0x32: {  	s10 =	sld [smem:$0x3FA6];
	_ =	sdelay $0x3  }
0x33: {  	p0 =	seq.s32 s10, $0x1;
	s10 =	sld [smem:$0x3FA8];
	_ =	sdelay $0x3  }
0x34: {  	[smem:$0x3FA8] =	sst s10  }
0x35: {  	s10 =	sld [smem:$0x3FA7];
	_ =	sdelay $0x3  }
0x36: {  	p1 =	seq.s32 s10, $0x1;
	s10 =	sld [smem:$0x3FA8];
	_ =	sdelay $0x3  }
0x37: {  	[smem:$0x3FA8] =	sst s10  }
0x38: {  	s10 =	sld [smem:$0x3FA9]  }
0x39: {  	_ = 	snop;
	(pc) =	sbr.ind lr, $3  }
0x3a: {  	_ = 	snop  }
0x3b: {  	_ = 	snop  }
0x3c: {  	p2 =	seq.s32 s10, $0x1;
	s10 =	sld [smem:$0x3FA8]  }
0x3d: {  	_ =	shalt  }
0x3e: {  	_ =	shalt  }
0x3f: {  	_ =	shalt  }
0x40: {  	_ =	shalt  }
0x41: {  	_ =	shalt  }
0x42: {  	_ =	shalt  }
0x43: {  	_ =	shalt  }
0x44: {  	_ =	shalt  }
0x45: {  	_ =	shalt  }
0x46: {  	_ =	shalt  }
0x47: {  	_ =	shalt  }
0x48: {  	_ =	shalt  }
0x49: {  	_ =	shalt  }
0x4a: {  	_ =	shalt  }
0x4b: {  	_ =	shalt  }
0x4c: {  	_ =	shalt  }
0x4d: {  	_ =	shalt  }
0x4e: {  	_ =	shalt  }
0x4f: {  	_ =	shalt  }
0x50: {  	_ =	shalt  }
0x51: {  	_ =	shalt  }
0x52: {  	_ =	shalt  }
0x53: {  	_ =	shalt  }
0x54: {  	_ =	shalt  }
0x55: {  	_ =	shalt  }
0x56: {  	_ =	shalt  }
0x57: {  	_ =	shalt  }
0x58: {  	_ =	shalt  }
0x59: {  	_ =	shalt  }
0x5a: {  	_ =	shalt  }
0x5b: {  	_ =	shalt  }
0x5c: {  	_ =	shalt  }
0x5d: {  	_ =	shalt  }
0x5e: {  	_ =	shalt  }
0x5f: {  	_ =	shalt  }
0x60: {  	_ =	shalt  }
0x61: {  	_ =	shalt  }
0x62: {  	_ =	shalt  }
0x63: {  	_ =	shalt  }
0x64: {  	_ =	shalt  }
0x65: {  	_ =	shalt  }
0x66: {  	_ =	shalt  }
0x67: {  	_ =	shalt  }
0x68: {  	_ =	shalt  }
0x69: {  	_ =	shalt  }
0x6a: {  	_ =	shalt  }
0x6b: {  	_ =	shalt  }
0x6c: {  	_ =	shalt  }
0x6d: {  	_ =	shalt  }
0x6e: {  	_ =	shalt  }
0x6f: {  	_ =	shalt  }
0x70: {  	_ =	shalt  }
0x71: {  	_ =	shalt  }
0x72: {  	_ =	shalt  }
0x73: {  	_ =	shalt  }
0x74: {  	_ =	shalt  }
0x75: {  	_ =	shalt  }
0x76: {  	_ =	shalt  }
0x77: {  	_ =	shalt  }
0x78: {  	_ =	shalt  }
0x79: {  	_ =	shalt  }
0x7a: {  	_ =	shalt  }
0x7b: {  	_ =	shalt  }
0x7c: {  	_ =	shalt  }
0x7d: {  	_ =	shalt  }
0x7e: {  	_ =	shalt  }
0x7f: {  	_ =	shalt  }
0x80: {  	_ =	shalt  }
0x81: {  	_ =	shalt  }
0x82: {  	_ =	shalt  }
0x83: {  	_ =	shalt  }
0x84: {  	_ =	shalt  }
0x85: {  	_ =	shalt  }
0x86: {  	_ =	shalt  }
0x87: {  	_ =	shalt  }
.Lfunc_end0:
.L_simem_size_0:
called_computation.2_lowered:
.L_overlay_start_0:
0x88: {  	s2 =	sld [smem:$0x3FD9]  }
0x89: {  	s3 =	sld [smem:$0x3FFE];
	_ =	sdelay $0x1  }
0x8a: {  	s1 =	srdreg.scid  }
0x8b: {  	s0 =	sand.u32 $0x1, s1  }
0x8c: {  	s16 =	sshll.u32 s0, $0xA;
	s2 =	sadd.s32 s3, s2  }
0x8d: {  	s2 =	sadd.s32 s2, s16  }
0x8e: {  	[smem:$0x3FB4] =	sst s2  }
0x8f: {  	_ = 	snop  }
0x90: {  	(tm) =	ssettm $0x1  }
0x91: {  	s17 =	sld [smem:$0x3FFB];
	_ =	sdelay $0x3  }
0x92: {  	_ =	strace s17  }
0x93: {  	s2 =	sld [smem:$0x3FFC];
	_ =	sdelay $0x3  }
0x94: {  	_ =	strace s2  }
0x95: {  	s2 =	sld [smem:$0x3FFD];
	_ =	sdelay $0x3  }
0x96: {  	_ =	strace s2  }
0x97: {  	_ =	strace $0x8FFFFFFF  }
0x98: {  	s18 =	sld [smem:$0x3FDB];
	_ =	sdelay $0x1  }
0x99: {  	s19 =	simm.s32 $_scs_section_size  }
0x9a: {  	s4 =	simm.s32 $_size__tile_overlayer_lowered;
	s5 =	simm.s32 $_tile_overlayer_lowered  }
0x9b: {  	s22 =	simm.s32 $0x1BFF;
	s21 =	sshll.u32 s5, $0x1;
	s2 =	sadd.s32 s19, s18  }
0x9c: {  	s6 =	simm.s32 $0x0;
	s20 =	sshll.u32 s4, $0x1;
	s4 =	sadd.s32 s21, s2  }
0x9d: {  	[timem:s6], [sflag:s22] =	dma.local [hbm:s4], s20  }
0x9e: {  	_ =	swait.ge [sflag:s22], s20  }
0x9f: {  	s3 =	ssub.s32 $0x0, s20;
	[sflag:s22] =	ssyncset.done $0x0  }
0xa0: {  	[sflag:s22] =	ssyncadd.s32 s3;
	_ =	sdelay $0x1  }
0xa1: {  	s23 =	simm.s32 $0x1B8B  }
0xa2: {  	_ =	swait.ge [sflag:s23], $0x1  }
0xa3: {  	[sflag:s23] =	ssyncset.done $0x0  }
0xa4: {  	s25 =	simm.s32 $0x1B8E;
	s24 =	sld [smem:$0x3FFE];
	[sflag:s23] =	ssyncadd.s32 $0xFFFFFFFF  }
0xa5: {  	s26 =	simm.s32 $execute0_lowered;
	[smem:$0x3FD2] =	sst s25  }
0xa6: {  	s4 =	sshll.u32 s26, $0x1;
	_ =	strace $0x8000004C;
	[dreg:$0x1] =	wrdreg $0xFFFFFFFF  }
0xa7: {  	s28 =	simm.s32 $_size_execute0_lowered;
	s2 =	sadd.s32 s2, s4;
	[dreg:$0x0] =	wrdreg $0x0  }
0xa8: {  	s4 =	sshll.u32 s28, $0x1;
	[dreg:$0x2] =	wrdreg s2  }
0xa9: {  	[dreg:$0x3] =	wrdreg s4  }
0xaa: {  	[dreg:$0x4] =	wrdreg $0xC0  }
0xab: {  	_ =	task [dreg:s6], $0x5FFFF  }
0xac: {  	[dreg:$0x1] =	wrdreg $0xFFFFFFFF  }
0xad: {  	[dreg:$0x0] =	wrdreg $0x60  }
0xae: {  	[dreg:$0x2] =	wrdreg s24  }
0xaf: {  	[dreg:$0x3] =	wrdreg $0xA8000  }
0xb0: {  	[dreg:$0x4] =	wrdreg $0x9  }
0xb1: {  	_ =	task.clear_ibuf [dreg:s6], $0x5FFFF;
	_ =	strace $0x9000004C  }
0xb2: {  	s29 =	simm.s32 $0x9;
	_ =	strace $0x8000004E  }
0xb3: {  	_ =	swait.ge [sflag:s29], $0x1  }
0xb4: {  	[sflag:s29] =	ssyncadd.s32 $0xFFFFFFFF  }
0xb5: {  	_ =	strace $0x9000004E  }
0xb6: {  	_ =	sfence  }
0xb7: {  	s30 =	sld [smem:$0x0];
	_ =	sdelay $0x2  }
0xb8: {  	s31 =	sshll.u32 s1, $0xD;
	s1 =	sshrl.u32 s1, $0x2  }
0xb9: {  	s3 =	sand.u32 $0x4000, s31;
	s1 =	sadd.s32 s1, s30  }
0xba: {  	s0 =	sor.u32 s3, s0;
	s1 =	sshll.u32 s1, $0x11  }
0xbb: {  	s0 =	sor.u32 s1, s0  }
0xbc: {  	s0 =	sadd.s32 $0x8F2B, s0  }
0xbd: {  	[sflag:s0] =	ssyncadd.remote.s32 $0x1  }
0xbe: {  	_ =	sfence.sel $0xFFFF  }
0xbf: {  	[dreg:$0x0] =	wrdreg $0xFFFFFFFF;
	(pc) =	sbr.abs _section_cstart, $3  }
0xc0: {  	[dreg:$0x1] =	wrdreg $0xFFFFFFFF  }
0xc1: {  	_ =	task.clear_ibuf [dreg:s6], $0x2FFFF;
	_ =	strace $0x9FFFFFFF  }
0xc2: {  	(tm) =	ssettm $0x7FFFFFFF  }
0xc3: {  	_ =	shalt  }
tec
execute0_lowered:
.L_overlay_start_1:
0x0: {  	(tag) =	ssettag $0x1  }
0x1: {  	s6 =	rddreg [dreg:$0x0]  }
0x2: {  	s1 =	rddreg [dreg:$0x1];
	s2 =	srdreg.scid  }
0x3: {  	s0 =	rddreg [dreg:$0x2];
	s3 =	simm.s32 $0x0;
	s16 =	simm.s32 $0x80  }
0x4: {  	s17 =	simm.s32 $0x2800;
	s18 =	simm.s32 $0x6800;
	s19 =	simm.s32 $0x1  }
0x5: {  	s20 =	simm.s32 $0x2;
	s21 =	simm.s32 $0x2700;
	s22 =	simm.s32 $0x2780  }
0x6: {  	s23 =	simm.s32 $0x0;
	s7 =	sand.u32 $0x1, s2;
	s2 =	stileid.u32  }
0x7: {  	[smem:$0x7FF] =	sst s3;
	s4 =	sadd.s32 $0x19800, s6;
	s5 =	smul.u32 $0x13C000, s7  }
0x8: {  	s9 =	sadd.s32 $0x5800, s6;
	s10 =	sadd.s32 $0xF800, s6;
	s8 =	smul.u32 $0x13C00, s2  }
0x9: {  	_ =	strace $0x8000004D;
	s11 =	sshll.u32 s7, $0x4;
	s7 =	ssub.s32 $0x2, s7  }
0xa: {  	s12 =	smul.u32 $0x4F000, s2;
	s31 =	sshll.u32 s2, $0x6;
	s11 =	sor.u32 s2, s11  }
0xb: {  	s28 =	sshrl.u32 s7, $0x1;
	s8 =	sadd.s32 s8, s5;
	s5 =	sadd.s32 $0x41000, s6  }
0xc: {  	s29 =	smul.u32 $0x2800, s11;
	s14 =	ssub.s32 s7, s28;
	s30 =	sshrl.u32 s12, $0x2  }
0xd: {  	s8 =	sshrl.u32 s8, $0x3;
	s15 =	sadd.s32 s30, s1;
	s12 =	smax.u32 s14, $0x1  }
0xe: {  	s14 =	simm.s32 $0x3;
	s13 =	sadd.s32 s8, s6;
	s11 =	sshrl.u32 s29, $0x3  }
0xf: {  	s7 =	sadd.s32 s9, s11;
	s8 =	sadd.s32 s10, s11;
	s11 =	sadd.s32 $0x280, s11  }
0x10: {  	s6 =	sor.u32 $0x1C03, s31;
	s9 =	sadd.s32 s9, s11;
	s10 =	sadd.s32 s10, s11  }
0x11: {  	s11 =	sadd.s32 $0x43800, s13;
	s13 =	sshrl.u32 s15, $0x3;
	s15 =	simm.s32 $0x1400  }
.LBB2_1:
0x12: {  	[spmem:s13], [sflag:s6] =	dma.local [hbm:s5], $0x2780  }
0x13: {  	_ =	swait.ge [sflag:s14], $0x2780  }
0x14: {  	[sflag:s14] =	ssyncset.done $0x0  }
0x15: {  	[sflag:s14] =	ssyncadd.s32 $0xFFFFD880  }
0x16: {  	[bflag:$0x0] =	sbarrier.arrive $0xFFFF  }
0x17: {  	[tilespmem:s3], [sflag:$0x3] =	stream.linear.gather [hbm4b:s7+s3], $0x1400, $0x38;
	[tilespmem:$0x1E400] =	vst v63  }
0x18: {  	_ =	swait.ge [sflag:s14], $0x1400  }
0x19: {  	[sflag:s14] =	ssyncset.done $0x0  }
0x1a: {  	[sflag:s14] =	ssyncadd.s32 $0xFFFFEC00  }
0x1b: {  	[tilespmem:s15], [sflag:$0x3] =	stream.linear.gather [hbm4b:s8+s3], $0x1400, $0x38;
	[tilespmem:$0x1E400] =	vst v63  }
0x1c: {  	_ =	swait.ge [sflag:s14], $0x1400  }
0x1d: {  	[sflag:s14] =	ssyncset.done $0x0  }
0x1e: {  	[sflag:s14] =	ssyncadd.s32 $0xFFFFEC00  }
0x1f: {  	[tilespmem:s17], [sflag:$0x1] =	stream.indirect.gather [hbm4b:s4+s16], $0x80, s3, s16, $0xb8;
	[tilespmem:$0x1E400] =	vst v63  }
0x20: {  	_ = 	snop  }
0x21: {  	[tilespmem:s18], [sflag:$0x2] =	stream.indirect.gather [hbm4b:s4+s16], $0x80, s16, s16, $0xb8;
	[tilespmem:$0x1E400] =	vst v63  }
0x22: {  	_ =	swait.ge [sflag:s19], $0x4000  }
0x23: {  	[sflag:s19] =	ssyncset.done $0x0  }
0x24: {  	s24 =	simm.s32 $0x1400;
	[sflag:s19] =	ssyncadd.s32 $0xFFFFC000  }
0x25: {  	[spmem:s1] =	stream.indirect.scatter.add.f32 [tilespmem:s17], [sflag:$0x3], $0x80, s24, s16, $0xb8;
	[tilespmem:$0x1E400] =	vst v63  }
0x26: {  	_ =	swait.ge [sflag:s14], $0x4000  }
0x27: {  	[sflag:s14] =	ssyncset.done $0x0  }
0x28: {  	s30 =	simm.s32 $0x100;
	[sflag:s14] =	ssyncadd.s32 $0xFFFFC000  }
0x29: {  	[tilespmem:s17], [sflag:$0x1] =	stream.indirect.gather [hbm4b:s4+s16], $0x80, s30, s16, $0xb8;
	[tilespmem:$0x1E400] =	vst v63  }
0x2a: {  	_ =	swait.ge [sflag:s20], $0x4000  }
0x2b: {  	[sflag:s20] =	ssyncset.done $0x0  }
0x2c: {  	s31 =	simm.s32 $0x1480;
	[sflag:s20] =	ssyncadd.s32 $0xFFFFC000  }
0x2d: {  	[spmem:s1] =	stream.indirect.scatter.add.f32 [tilespmem:s18], [sflag:$0x3], $0x80, s31, s16, $0xb8;
	[tilespmem:$0x1E400] =	vst v63  }
0x2e: {  	_ =	swait.ge [sflag:s14], $0x4000  }
0x2f: {  	[sflag:s14] =	ssyncset.done $0x0  }
0x30: {  	s25 =	simm.s32 $0x180;
	s24 =	simm.s32 $0x400;
	[sflag:s14] =	ssyncadd.s32 $0xFFFFC000  }
.LBB2_2:
0x31: {  	[tilespmem:s18], [sflag:$0x2] =	stream.indirect.gather [hbm4b:s4+s16], $0x80, s25, s16, $0xb8;
	[tilespmem:$0x1E400] =	vst v63  }
0x32: {  	s25 =	smov.u32 s24  }
0x33: {  	p0 =	sne.s32 s24, $0x4800;
	s24 =	sadd.s32 $0x400, s24;
	_ =	swait.ge [sflag:s19], $0x4000  }
0x34: {  	s25 =	sshra.s32 s25, $0x2;
	[sflag:s19] =	ssyncset.done $0x0  }
0x35: {  	s26 =	sadd.s32 $0x1400, s25;
	[sflag:s19] =	ssyncadd.s32 $0xFFFFC000  }
0x36: {  	[spmem:s1] =	stream.indirect.scatter.add.f32 [tilespmem:s17], [sflag:$0x3], $0x80, s26, s16, $0xb8;
	[tilespmem:$0x1E400] =	vst v63  }
0x37: {  	_ =	swait.ge [sflag:s14], $0x4000  }
0x38: {  	[sflag:s14] =	ssyncset.done $0x0  }
0x39: {  	s26 =	sadd.s32 $0x100, s25;
	[sflag:s14] =	ssyncadd.s32 $0xFFFFC000  }
0x3a: {  	[tilespmem:s17], [sflag:$0x1] =	stream.indirect.gather [hbm4b:s4+s16], $0x80, s26, s16, $0xb8;
	[tilespmem:$0x1E400] =	vst v63  }
0x3b: {  	_ =	swait.ge [sflag:s20], $0x4000  }
0x3c: {  	[sflag:s20] =	ssyncset.done $0x0  }
.Ltmp0:
0x3d: {  	s26 =	sadd.s32 $0x1480, s25;
	[sflag:s20] =	ssyncadd.s32 $0xFFFFC000;
	(pc) =	sbr.rel @p0 .LBB2_2-.Ltmp0, $4  }
0x3e: {  	[spmem:s1] =	stream.indirect.scatter.add.f32 [tilespmem:s18], [sflag:$0x3], $0x80, s26, s16, $0xb8;
	[tilespmem:$0x1E400] =	vst v63  }
0x3f: {  	_ =	swait.ge [sflag:s14], $0x4000  }
0x40: {  	[sflag:s14] =	ssyncset.done $0x0  }
0x41: {  	s25 =	sadd.s32 $0x180, s25;
	[sflag:s14] =	ssyncadd.s32 $0xFFFFC000  }
0x42: {  	[tilespmem:s18], [sflag:$0x2] =	stream.indirect.gather [hbm4b:s4+s16], $0x80, s25, s16, $0xb8;
	[tilespmem:$0x1E400] =	vst v63  }
0x43: {  	_ =	swait.ge [sflag:s19], $0x4000  }
0x44: {  	[sflag:s19] =	ssyncset.done $0x0  }
0x45: {  	[sflag:s19] =	ssyncadd.s32 $0xFFFFC000  }
0x46: {  	[spmem:s1] =	stream.indirect.scatter.add.f32 [tilespmem:s17], [sflag:$0x3], $0x80, s21, s16, $0xb8;
	[tilespmem:$0x1E400] =	vst v63  }
0x47: {  	_ =	swait.ge [sflag:s14], $0x4000  }
0x48: {  	[sflag:s14] =	ssyncset.done $0x0  }
0x49: {  	[sflag:s14] =	ssyncadd.s32 $0xFFFFC000  }
0x4a: {  	_ =	swait.ge [sflag:s20], $0x4000  }
0x4b: {  	[sflag:s20] =	ssyncset.done $0x0  }
0x4c: {  	[sflag:s20] =	ssyncadd.s32 $0xFFFFC000  }
0x4d: {  	[spmem:s1] =	stream.indirect.scatter.add.f32 [tilespmem:s18], [sflag:$0x3], $0x80, s22, s16, $0xb8;
	[tilespmem:$0x1E400] =	vst v63  }
0x4e: {  	_ =	swait.ge [sflag:s14], $0x4000  }
0x4f: {  	[sflag:s14] =	ssyncset.done $0x0  }
0x50: {  	s24 =	simm.s32 $0x0;
	[sflag:s14] =	ssyncadd.s32 $0xFFFFC000  }
0x51: {  	[tilespmem:s24], [sflag:$0x3] =	stream.linear.gather [hbm4b:s9+s24], $0x1400, $0x38;
	[tilespmem:$0x1E400] =	vst v63  }
0x52: {  	_ =	swait.ge [sflag:s14], $0x1400  }
0x53: {  	[sflag:s14] =	ssyncset.done $0x0  }
0x54: {  	[sflag:s14] =	ssyncadd.s32 $0xFFFFEC00  }
0x55: {  	[tilespmem:s15], [sflag:$0x3] =	stream.linear.gather [hbm4b:s10+s24], $0x1400, $0x38;
	[tilespmem:$0x1E400] =	vst v63  }
0x56: {  	_ =	swait.ge [sflag:s14], $0x1400  }
0x57: {  	[sflag:s14] =	ssyncset.done $0x0  }
0x58: {  	[sflag:s14] =	ssyncadd.s32 $0xFFFFEC00  }
0x59: {  	[tilespmem:s17], [sflag:$0x1] =	stream.indirect.gather [hbm4b:s4+s16], $0x80, s24, s16, $0xb8;
	[tilespmem:$0x1E400] =	vst v63  }
0x5a: {  	_ = 	snop  }
0x5b: {  	[tilespmem:s18], [sflag:$0x2] =	stream.indirect.gather [hbm4b:s4+s16], $0x80, s16, s16, $0xb8;
	[tilespmem:$0x1E400] =	vst v63  }
0x5c: {  	_ =	swait.ge [sflag:s19], $0x4000  }
0x5d: {  	[sflag:s19] =	ssyncset.done $0x0  }
0x5e: {  	s29 =	simm.s32 $0x1400;
	[sflag:s19] =	ssyncadd.s32 $0xFFFFC000  }
0x5f: {  	[spmem:s1] =	stream.indirect.scatter.add.f32 [tilespmem:s17], [sflag:$0x3], $0x80, s29, s16, $0xb8;
	[tilespmem:$0x1E400] =	vst v63  }
0x60: {  	_ =	swait.ge [sflag:s14], $0x4000  }
0x61: {  	[sflag:s14] =	ssyncset.done $0x0  }
0x62: {  	s30 =	simm.s32 $0x100;
	[sflag:s14] =	ssyncadd.s32 $0xFFFFC000  }
0x63: {  	[tilespmem:s17], [sflag:$0x1] =	stream.indirect.gather [hbm4b:s4+s16], $0x80, s30, s16, $0xb8;
	[tilespmem:$0x1E400] =	vst v63  }
0x64: {  	_ =	swait.ge [sflag:s20], $0x4000  }
0x65: {  	[sflag:s20] =	ssyncset.done $0x0  }
0x66: {  	s31 =	simm.s32 $0x1480;
	[sflag:s20] =	ssyncadd.s32 $0xFFFFC000  }
0x67: {  	[spmem:s1] =	stream.indirect.scatter.add.f32 [tilespmem:s18], [sflag:$0x3], $0x80, s31, s16, $0xb8;
	[tilespmem:$0x1E400] =	vst v63  }
0x68: {  	_ =	swait.ge [sflag:s14], $0x4000  }
0x69: {  	[sflag:s14] =	ssyncset.done $0x0  }
0x6a: {  	s25 =	simm.s32 $0x180;
	s24 =	simm.s32 $0x400;
	[sflag:s14] =	ssyncadd.s32 $0xFFFFC000  }
.LBB2_4:
0x6b: {  	[tilespmem:s18], [sflag:$0x2] =	stream.indirect.gather [hbm4b:s4+s16], $0x80, s25, s16, $0xb8;
	[tilespmem:$0x1E400] =	vst v63  }
0x6c: {  	s25 =	smov.u32 s24  }
0x6d: {  	p0 =	sne.s32 s24, $0x4800;
	s24 =	sadd.s32 $0x400, s24;
	_ =	swait.ge [sflag:s19], $0x4000  }
0x6e: {  	s25 =	sshra.s32 s25, $0x2;
	[sflag:s19] =	ssyncset.done $0x0  }
0x6f: {  	s26 =	sadd.s32 $0x1400, s25;
	[sflag:s19] =	ssyncadd.s32 $0xFFFFC000  }
0x70: {  	[spmem:s1] =	stream.indirect.scatter.add.f32 [tilespmem:s17], [sflag:$0x3], $0x80, s26, s16, $0xb8;
	[tilespmem:$0x1E400] =	vst v63  }
0x71: {  	_ =	swait.ge [sflag:s14], $0x4000  }
0x72: {  	[sflag:s14] =	ssyncset.done $0x0  }
0x73: {  	s26 =	sadd.s32 $0x100, s25;
	[sflag:s14] =	ssyncadd.s32 $0xFFFFC000  }
0x74: {  	[tilespmem:s17], [sflag:$0x1] =	stream.indirect.gather [hbm4b:s4+s16], $0x80, s26, s16, $0xb8;
	[tilespmem:$0x1E400] =	vst v63  }
0x75: {  	_ =	swait.ge [sflag:s20], $0x4000  }
0x76: {  	[sflag:s20] =	ssyncset.done $0x0  }
.Ltmp1:
0x77: {  	s26 =	sadd.s32 $0x1480, s25;
	[sflag:s20] =	ssyncadd.s32 $0xFFFFC000;
	(pc) =	sbr.rel @p0 .LBB2_4-.Ltmp1, $4  }
0x78: {  	[spmem:s1] =	stream.indirect.scatter.add.f32 [tilespmem:s18], [sflag:$0x3], $0x80, s26, s16, $0xb8;
	[tilespmem:$0x1E400] =	vst v63  }
0x79: {  	_ =	swait.ge [sflag:s14], $0x4000  }
0x7a: {  	[sflag:s14] =	ssyncset.done $0x0  }
0x7b: {  	s25 =	sadd.s32 $0x180, s25;
	[sflag:s14] =	ssyncadd.s32 $0xFFFFC000  }
0x7c: {  	[tilespmem:s18], [sflag:$0x2] =	stream.indirect.gather [hbm4b:s4+s16], $0x80, s25, s16, $0xb8;
	[tilespmem:$0x1E400] =	vst v63  }
0x7d: {  	_ =	swait.ge [sflag:s19], $0x4000  }
0x7e: {  	[sflag:s19] =	ssyncset.done $0x0  }
0x7f: {  	[sflag:s19] =	ssyncadd.s32 $0xFFFFC000  }
0x80: {  	[spmem:s1] =	stream.indirect.scatter.add.f32 [tilespmem:s17], [sflag:$0x3], $0x80, s21, s16, $0xb8;
	[tilespmem:$0x1E400] =	vst v63  }
0x81: {  	_ =	swait.ge [sflag:s14], $0x4000  }
0x82: {  	[sflag:s14] =	ssyncset.done $0x0  }
0x83: {  	[sflag:s14] =	ssyncadd.s32 $0xFFFFC000  }
0x84: {  	_ =	swait.ge [sflag:s20], $0x4000  }
0x85: {  	[sflag:s20] =	ssyncset.done $0x0  }
0x86: {  	[sflag:s20] =	ssyncadd.s32 $0xFFFFC000  }
0x87: {  	[spmem:s1] =	stream.indirect.scatter.add.f32 [tilespmem:s18], [sflag:$0x3], $0x80, s22, s16, $0xb8;
	[tilespmem:$0x1E400] =	vst v63  }
0x88: {  	_ =	swait.ge [sflag:s14], $0x4000  }
0x89: {  	s23 =	sadd.s32 $0x1, s23;
	[sflag:s14] =	ssyncset.done $0x0  }
0x8a: {  	p0 =	sne.s32 s23, s12;
	[sflag:s14] =	ssyncadd.s32 $0xFFFFC000  }
.Ltmp2:
0x8b: {  	[bflag:$0x0] =	sbarrier.arrive $0xFFFF;
	(pc) =	sbr.rel @p0 .LBB2_1-.Ltmp2, $4  }
0x8c: {  	[hbm:s11], [sflag:s6] =	dma.local [spmem:s13], $0x2780  }
0x8d: {  	_ =	swait.ge [sflag:s14], $0x2780  }
0x8e: {  	[sflag:s14] =	ssyncset.done $0x0  }
0x8f: {  	[sflag:s14] =	ssyncadd.s32 $0xFFFFD880  }
0x90: {  	_ =	sfence.sel $0x180000  }
0x91: {  	[bflag:$0x0] =	sbarrier.arrive $0xFFFF  }
0x92: {  	p0 =	sne.s32 s2, $0x0;
	_ =	strace $0x9000004D  }
0x93: {  	s0 =	sadd.s32 @!p0 $0x100000, s0;
	[bflag:$0x2] =	sbarrier.arrive $0xFFFF  }
0x94: {  	[sflag:s0] =	ssyncadd.tile.s32 @!p0 $0x1;
	_ =	shalt  }
.Lfunc_end2:
_tile_overlayer_lowered:
.L_overlay_start_2:
0x95: {  	(tag) =	ssettag $0x2  }
0x96: {  	s0 =	rddreg [dreg:$0x0];
	s2 =	stileid.u32  }
0x97: {  	s1 =	rddreg [dreg:$0x1];
	p0 =	sne.s32 s2, $0x0  }
0x98: {  	s3 =	rddreg [dreg:$0x2];
	[bflag:$0x3] =	sbarrier.arrive $0xFFFF;
	s2 =	simm.s32 @!p0 $0x1C03  }
0x99: {  	[timem:s3], [sflag:s2] =	dma.local @!p0 [hbm:s0], s1  }
0x9a: {  	s0 =	simm.s32 @!p0 $0x3  }
0x9b: {  	_ =	swait.ge @!p0 [sflag:s0], s1  }
0x9c: {  	s1 =	ssub.s32 @!p0 $0x0, s1;
	[sflag:s0] =	ssyncset.done @!p0 $0x0  }
0x9d: {  	[sflag:s0] =	ssyncadd.s32 @!p0 s1  }
0x9e: {  	[bflag:$0x3] =	sbarrier.arrive $0xFFFF  }
0x9f: {  	_ =	shalt  }

// kernel: kernel.19.cloned.1.call-start
scs
__scs_entry_jumppad:
0x0: {  	(pc) =	sbr.rel $0x88, $3  }
0x1: {  	(tag) =	ssettag $0x0;
	lr =	simm.s32 $0x1  }
0x2: {  	[smem:$0x3F8D] =	sst lr;
	_ =	strace $0xD0000000  }
0x3: {  	_ = 	snop  }
0x4: {  	_ = 	snop  }
0x5: {  	_ = 	snop  }
0x6: {  	_ = 	snop  }
0x7: {  	_ = 	snop  }
__scs_overlays_trampoline_lowered:
0x8: {  	[smem:$0x3F9C] =	sst s0  }
0x9: {  	[smem:$0x3F9D] =	sst s1  }
0xa: {  	[smem:$0x3F9E] =	sst s2  }
0xb: {  	[smem:$0x3F9F] =	sst s3  }
0xc: {  	[smem:$0x3FA0] =	sst s4  }
0xd: {  	[smem:$0x3FA1] =	sst s5  }
0xe: {  	[smem:$0x3FA2] =	sst s6  }
0xf: {  	[smem:$0x3FA3] =	sst s7  }
0x10: {  	[smem:$0x3FA4] =	sst s8  }
0x11: {  	[smem:$0x3FA5] =	sst s9;
	s0 =	simm.s32 @!p0 $0x0  }
0x12: {  	s1 =	sld [smem:$0x3F8B];
	s0 =	simm.s32 @p0 $0x1  }
0x13: {  	[smem:$0x3FA6] =	sst s0;
	s0 =	simm.s32 @!p1 $0x0  }
0x14: {  	s2 =	sld [smem:$0x3F8A];
	s0 =	simm.s32 @p1 $0x1  }
0x15: {  	[smem:$0x3FA7] =	sst s0;
	s0 =	simm.s32 @!p2 $0x0  }
0x16: {  	s3 =	sld [smem:$0x3FDB];
	s0 =	simm.s32 @p2 $0x1  }
0x17: {  	s4 =	simm.s32 $0x1BF5;
	[smem:$0x3FA9] =	sst s0  }
0x18: {  	s0 =	sld [smem:$0x3F8C];
	_ =	swait.ge [sflag:s4], $0x0  }
0x19: {  	s7 =	sld [smem:$0x3F8D]  }
0x1a: {  	s8 =	sadd.s32 $0xFFFFE003, lr  }
0x1b: {  	s9 =	sadd.s32 $0xFFFFFEF7, lr;
	s5 =	simm.s32 $0xFFFFFFFF;
	p2 =	slt.u32 s8, $0xFFFFF086  }
0x1c: {  	p1 =	slt.u32 s9, $0xF7A;
	s5 =	simm.s32 @!p2 $0x0  }
0x1d: {  	s5 =	simm.s32 @p1 $0x1;
	p0 =	seq.s32 s7, s2  }
0x1e: {  	s7 =	smul.u32 @!p0 $0xF7A, s2;
	p2 =	seq.s32 @!p0 s5, $0x0  }
0x1f: {  	s9 =	smul.u32 $0xF7A, s1;
	s8 =	simm.s32 @!p0 $0x1BF5;
	p2 =	por !p2, p0  }
0x20: {  	[sflag:s8] =	ssyncset.s32 @!p0 $0xFFFFF086;
	s6 =	sadd.s32 @!p0 s3, s7;
	s7 =	simm.s32 @!p0 $0x108  }
0x21: {  	s3 =	sadd.s32 s3, s9;
	s6 =	sadd.s32 @!p0 $0x88, s6;
	s7 =	simm.s32 @p2 $0x1082  }
0x22: {  	[simem:s7], [sflag:s8] =	dma.local @!p0 [hbm:s6], $0xF7A  }
0x23: {  	s9 =	sor.u32 $0xD0000000, s2;
	s6 =	simm.s32 $0x108;
	_ =	swait.ge @!p0 [sflag:s8], $0x0  }
0x24: {  	s3 =	sadd.s32 $0x88, s3;
	s6 =	simm.s32 @!p1 $0x1082;
	[sflag:s4] =	ssyncset.s32 $0xFFFFF086  }
0x25: {  	[simem:s6], [sflag:s4] =	dma.local [hbm:s3], $0xF7A  }
0x26: {  	[smem:$0x3F8D] =	sst s1;
	(tag) =	ssettag s2;
	_ =	strace s9  }
0x27: {  	s1 =	sld [smem:$0x3F9D]  }
0x28: {  	s2 =	sld [smem:$0x3F9E]  }
0x29: {  	s4 =	sld [smem:$0x3FA0]  }
0x2a: {  	p0 =	seq.s32 s5, $0x0;
	s5 =	sld [smem:$0x3FA1]  }
0x2b: {  	s6 =	sld [smem:$0x3FA2]  }
0x2c: {  	s7 =	sld [smem:$0x3FA3]  }
0x2d: {  	s3 =	simm.s32 $0x108;
	s8 =	sld [smem:$0x3FA4]  }
0x2e: {  	s3 =	simm.s32 @!p0 $0x1082;
	s9 =	sld [smem:$0x3FA5]  }
0x2f: {  	lr =	sadd.s32 s0, s3;
	s0 =	sld [smem:$0x3F9C]  }
0x30: {  	s3 =	sld [smem:$0x3F9F]  }
0x31: {  	[smem:$0x3FA8] =	sst s10  }
0x32: {  	s10 =	sld [smem:$0x3FA6];
	_ =	sdelay $0x3  }
0x33: {  	p0 =	seq.s32 s10, $0x1;
	s10 =	sld [smem:$0x3FA8];
	_ =	sdelay $0x3  }
0x34: {  	[smem:$0x3FA8] =	sst s10  }
0x35: {  	s10 =	sld [smem:$0x3FA7];
	_ =	sdelay $0x3  }
0x36: {  	p1 =	seq.s32 s10, $0x1;
	s10 =	sld [smem:$0x3FA8];
	_ =	sdelay $0x3  }
0x37: {  	[smem:$0x3FA8] =	sst s10  }
0x38: {  	s10 =	sld [smem:$0x3FA9]  }
0x39: {  	_ = 	snop;
	(pc) =	sbr.ind lr, $3  }
0x3a: {  	_ = 	snop  }
0x3b: {  	_ = 	snop  }
0x3c: {  	p2 =	seq.s32 s10, $0x1;
	s10 =	sld [smem:$0x3FA8]  }
0x3d: {  	_ =	shalt  }
0x3e: {  	_ =	shalt  }
0x3f: {  	_ =	shalt  }
0x40: {  	_ =	shalt  }
0x41: {  	_ =	shalt  }
0x42: {  	_ =	shalt  }
0x43: {  	_ =	shalt  }
0x44: {  	_ =	shalt  }
0x45: {  	_ =	shalt  }
0x46: {  	_ =	shalt  }
0x47: {  	_ =	shalt  }
0x48: {  	_ =	shalt  }
0x49: {  	_ =	shalt  }
0x4a: {  	_ =	shalt  }
0x4b: {  	_ =	shalt  }
0x4c: {  	_ =	shalt  }
0x4d: {  	_ =	shalt  }
0x4e: {  	_ =	shalt  }
0x4f: {  	_ =	shalt  }
0x50: {  	_ =	shalt  }
0x51: {  	_ =	shalt  }
0x52: {  	_ =	shalt  }
0x53: {  	_ =	shalt  }
0x54: {  	_ =	shalt  }
0x55: {  	_ =	shalt  }
0x56: {  	_ =	shalt  }
0x57: {  	_ =	shalt  }
0x58: {  	_ =	shalt  }
0x59: {  	_ =	shalt  }
0x5a: {  	_ =	shalt  }
0x5b: {  	_ =	shalt  }
0x5c: {  	_ =	shalt  }
0x5d: {  	_ =	shalt  }
0x5e: {  	_ =	shalt  }
0x5f: {  	_ =	shalt  }
0x60: {  	_ =	shalt  }
0x61: {  	_ =	shalt  }
0x62: {  	_ =	shalt  }
0x63: {  	_ =	shalt  }
0x64: {  	_ =	shalt  }
0x65: {  	_ =	shalt  }
0x66: {  	_ =	shalt  }
0x67: {  	_ =	shalt  }
0x68: {  	_ =	shalt  }
0x69: {  	_ =	shalt  }
0x6a: {  	_ =	shalt  }
0x6b: {  	_ =	shalt  }
0x6c: {  	_ =	shalt  }
0x6d: {  	_ =	shalt  }
0x6e: {  	_ =	shalt  }
0x6f: {  	_ =	shalt  }
0x70: {  	_ =	shalt  }
0x71: {  	_ =	shalt  }
0x72: {  	_ =	shalt  }
0x73: {  	_ =	shalt  }
0x74: {  	_ =	shalt  }
0x75: {  	_ =	shalt  }
0x76: {  	_ =	shalt  }
0x77: {  	_ =	shalt  }
0x78: {  	_ =	shalt  }
0x79: {  	_ =	shalt  }
0x7a: {  	_ =	shalt  }
0x7b: {  	_ =	shalt  }
0x7c: {  	_ =	shalt  }
0x7d: {  	_ =	shalt  }
0x7e: {  	_ =	shalt  }
0x7f: {  	_ =	shalt  }
0x80: {  	_ =	shalt  }
0x81: {  	_ =	shalt  }
0x82: {  	_ =	shalt  }
0x83: {  	_ =	shalt  }
0x84: {  	_ =	shalt  }
0x85: {  	_ =	shalt  }
0x86: {  	_ =	shalt  }
0x87: {  	_ =	shalt  }
.Lfunc_end0:
.L_simem_size_0:
called_computation.3_lowered:
.L_overlay_start_0:
0x88: {  	s2 =	sld [smem:$0x3FD9]  }
0x89: {  	s3 =	sld [smem:$0x3FFE];
	_ =	sdelay $0x1  }
0x8a: {  	s1 =	srdreg.scid  }
0x8b: {  	s0 =	sand.u32 $0x1, s1  }
0x8c: {  	s14 =	sshll.u32 s0, $0xA;
	s2 =	sadd.s32 s3, s2  }
0x8d: {  	s2 =	sadd.s32 s2, s14  }
0x8e: {  	[smem:$0x3FB4] =	sst s2  }
0x8f: {  	_ = 	snop  }
0x90: {  	s2 =	sld [smem:$0x3FD0];
	_ =	sdelay $0x2  }
0x91: {  	s15 =	simm.s32 $0xA;
	s4 =	simm.s32 $0x10  }
0x92: {  	[smem:s4], [sflag:s15] =	dma.local [hbm:s2], $0x1  }
0x93: {  	_ =	swait.eq [sflag:s15], $0x1  }
0x94: {  	[sflag:s15] =	ssyncset.done $0x0  }
0x95: {  	[sflag:s15] =	ssyncadd.s32 $0xFFFFFFFF  }
0x96: {  	s16 =	sld [smem:$0x10];
	(tm) =	ssettm $0x1  }
0x97: {  	s17 =	sld [smem:$0x3FFB];
	_ =	sdelay $0x3  }
0x98: {  	_ =	strace s17  }
0x99: {  	s3 =	sld [smem:$0x3FFC];
	_ =	sdelay $0x3  }
0x9a: {  	_ =	strace s3  }
0x9b: {  	s3 =	sld [smem:$0x3FFD];
	_ =	sdelay $0x3  }
0x9c: {  	_ =	strace s3  }
0x9d: {  	_ =	strace $0x8FFFFFFF  }
0x9e: {  	s18 =	sld [smem:$0x3FDB];
	_ =	sdelay $0x1  }
0x9f: {  	s19 =	simm.s32 $_scs_section_size  }
0xa0: {  	s5 =	simm.s32 $_size__tile_overlayer_lowered;
	s6 =	simm.s32 $_tile_overlayer_lowered  }
0xa1: {  	s22 =	simm.s32 $0x1BFF;
	s21 =	sshll.u32 s6, $0x1;
	s3 =	sadd.s32 s19, s18  }
0xa2: {  	s7 =	simm.s32 $0x0;
	s20 =	sshll.u32 s5, $0x1;
	s5 =	sadd.s32 s21, s3  }
0xa3: {  	[timem:s7], [sflag:s22] =	dma.local [hbm:s5], s20  }
0xa4: {  	_ =	swait.ge [sflag:s22], s20  }
0xa5: {  	s4 =	ssub.s32 $0x0, s20;
	[sflag:s22] =	ssyncset.done $0x0  }
0xa6: {  	[sflag:s22] =	ssyncadd.s32 s4;
	_ =	sdelay $0x1  }
0xa7: {  	s23 =	simm.s32 $0x1B8B  }
0xa8: {  	_ =	swait.ge [sflag:s23], $0x1  }
0xa9: {  	[sflag:s23] =	ssyncset.done $0x0  }
0xaa: {  	s25 =	simm.s32 $0x1B8E;
	s24 =	sld [smem:$0x3FFE];
	[sflag:s23] =	ssyncadd.s32 $0xFFFFFFFF  }
0xab: {  	s26 =	simm.s32 $execute0_lowered;
	[smem:$0x3FD2] =	sst s25  }
0xac: {  	s5 =	sshll.u32 s26, $0x1;
	_ =	strace $0x8000004F;
	[dreg:$0x1] =	wrdreg $0xFFFFFFFF  }
0xad: {  	s28 =	simm.s32 $_size_execute0_lowered;
	s3 =	sadd.s32 s3, s5;
	[dreg:$0x0] =	wrdreg $0x0  }
0xae: {  	s5 =	sshll.u32 s28, $0x1;
	[dreg:$0x2] =	wrdreg s3  }
0xaf: {  	[dreg:$0x3] =	wrdreg s5  }
0xb0: {  	[dreg:$0x4] =	wrdreg $0xC0  }
0xb1: {  	_ =	task [dreg:s7], $0x5FFFF  }
0xb2: {  	[dreg:$0x1] =	wrdreg $0xFFFFFFFF  }
0xb3: {  	[dreg:$0x0] =	wrdreg $0x60  }
0xb4: {  	[dreg:$0x2] =	wrdreg s24  }
0xb5: {  	[dreg:$0x3] =	wrdreg s16  }
0xb6: {  	[dreg:$0x4] =	wrdreg $0x9  }
0xb7: {  	_ =	task.clear_ibuf [dreg:s7], $0x5FFFF;
	_ =	strace $0x9000004F  }
0xb8: {  	s29 =	simm.s32 $0x9;
	_ =	strace $0x80000051  }
0xb9: {  	_ =	swait.ge [sflag:s29], $0x1  }
0xba: {  	[sflag:s29] =	ssyncadd.s32 $0xFFFFFFFF  }
0xbb: {  	_ =	strace $0x90000051  }
0xbc: {  	_ =	sfence  }
0xbd: {  	s30 =	sld [smem:$0x0];
	_ =	sdelay $0x2  }
0xbe: {  	s31 =	sshll.u32 s1, $0xD;
	s1 =	sshrl.u32 s1, $0x2  }
0xbf: {  	s3 =	sand.u32 $0x4000, s31;
	s1 =	sadd.s32 s1, s30  }
0xc0: {  	s0 =	sor.u32 s3, s0;
	s1 =	sshll.u32 s1, $0x11  }
0xc1: {  	s0 =	sor.u32 s1, s0  }
0xc2: {  	s0 =	sadd.s32 $0x8F2B, s0  }
0xc3: {  	[sflag:s0] =	ssyncadd.remote.s32 $0x1  }
0xc4: {  	_ =	sfence.sel $0xFFFF  }
0xc5: {  	[dreg:$0x0] =	wrdreg $0xFFFFFFFF;
	(pc) =	sbr.abs _section_cstart, $3  }
0xc6: {  	[dreg:$0x1] =	wrdreg $0xFFFFFFFF  }
0xc7: {  	_ =	task.clear_ibuf [dreg:s7], $0x2FFFF;
	_ =	strace $0x9FFFFFFF  }
0xc8: {  	(tm) =	ssettm $0x7FFFFFFF  }
0xc9: {  	_ =	shalt  }
tec
execute0_lowered:
.L_overlay_start_1:
0x0: {  	(tag) =	ssettag $0x1  }
0x1: {  	s1 =	srdreg.scid  }
0x2: {  	s9 =	rddreg [dreg:$0x0];
	s0 =	stileid.u32;
	s10 =	sand.u32 $0x1, s1  }
0x3: {  	s3 =	rddreg [dreg:$0x1];
	s5 =	sshll.u32 s0, $0x8;
	s4 =	sshll.u32 s10, $0xC  }
0x4: {  	s2 =	simm.s32 $0x0;
	s1 =	rddreg [dreg:$0x2];
	s11 =	sor.u32 s5, s4  }
0x5: {  	[smem:$0x7FF] =	sst s2;
	s4 =	sshrl.u32 s11, $0x3  }
0x6: {  	_ =	strace $0x80000050;
	s4 =	sadd.s32 s3, s4;
	s3 =	simm.s32 $0x2  }
0x7: {  	[tilespmem:s2], [sflag:$0x2] =	stream.linear.gather [hbm4b:s4+s2], $0x100, $0x38;
	[tilespmem:$0x4100] =	vst v63  }
0x8: {  	_ =	swait.ge [sflag:s3], $0x100  }
0x9: {  	s6 =	simm.s32 $0x80;
	s7 =	simm.s32 $0x100;
	[sflag:s3] =	ssyncset.done $0x0  }
0xa: {  	s8 =	simm.s32 $0x1;
	s5 =	sadd.s32 $0x5800, s9;
	[sflag:s3] =	ssyncadd.s32 $0xFFFFFF00  }
0xb: {  	[tilespmem:s7], [sflag:$0x1] =	stream.indirect.gather [hbm4b:s5+s6], $0x80, s2, s6, $0xb8;
	[tilespmem:$0x4100] =	vst v63  }
0xc: {  	s11 =	sshll.u32 s11, $0x4;
	_ =	swait.ge [sflag:s8], $0x4000  }
0xd: {  	s11 =	sadd.s32 s11, s9;
	[sflag:s8] =	ssyncset.done $0x0  }
0xe: {  	s10 =	ssub.s32 $0x2, s10;
	s9 =	sadd.s32 $0x2D000, s11;
	[sflag:s8] =	ssyncadd.s32 $0xFFFFC000  }
0xf: {  	[hbm4b:s9+s2] =	stream.linear.scatter [tilespmem:s7], [sflag:$0x2], $0x4000, $0x38;
	[tilespmem:$0x4100] =	vst v63  }
0x10: {  	s12 =	sshrl.u32 s10, $0x1;
	_ =	swait.ge [sflag:s3], $0x4000  }
0x11: {  	s12 =	ssub.s32 s10, s12;
	[sflag:s3] =	ssyncset.done $0x0  }
0x12: {  	s31 =	smax.u32 s12, $0x1;
	[sflag:s3] =	ssyncadd.s32 $0xFFFFC000  }
0x13: {  	[tilespmem:s7], [sflag:$0x1] =	stream.indirect.gather [hbm4b:s5+s6], $0x80, s6, s6, $0xb8;
	[tilespmem:$0x4100] =	vst v63  }
0x14: {  	p0 =	sne.s32 s31, $0x1;
	_ =	swait.ge [sflag:s8], $0x4000  }
.Ltmp0:
0x15: {  	[sflag:s8] =	ssyncset.done $0x0;
	(pc) =	sbr.rel @!p0 .LBB2_2-.Ltmp0, $4  }
0x16: {  	s10 =	sadd.s32 $0x2D800, s11;
	[sflag:s8] =	ssyncadd.s32 $0xFFFFC000  }
0x17: {  	[hbm4b:s10+s2] =	stream.linear.scatter [tilespmem:s7], [sflag:$0x2], $0x4000, $0x38;
	[tilespmem:$0x4100] =	vst v63  }
0x18: {  	_ =	swait.ge [sflag:s3], $0x4000  }
0x19: {  	s11 =	sadd.s32 $0xFFFFFFFF, s31;
	[sflag:s3] =	ssyncset.done $0x0  }
.LBB2_1:
0x1a: {  	p0 =	sne.s32 s11, $0x1;
	s11 =	sadd.s32 $0xFFFFFFFF, s11;
	[sflag:s3] =	ssyncadd.s32 $0xFFFFC000  }
0x1b: {  	[tilespmem:s2], [sflag:$0x2] =	stream.linear.gather [hbm4b:s4+s2], $0x100, $0x38;
	[tilespmem:$0x4100] =	vst v63  }
0x1c: {  	_ =	swait.ge [sflag:s3], $0x100  }
0x1d: {  	[sflag:s3] =	ssyncset.done $0x0  }
0x1e: {  	[sflag:s3] =	ssyncadd.s32 $0xFFFFFF00  }
0x1f: {  	[tilespmem:s7], [sflag:$0x1] =	stream.indirect.gather [hbm4b:s5+s6], $0x80, s2, s6, $0xb8;
	[tilespmem:$0x4100] =	vst v63  }
0x20: {  	_ =	swait.ge [sflag:s8], $0x4000  }
0x21: {  	[sflag:s8] =	ssyncset.done $0x0  }
0x22: {  	[sflag:s8] =	ssyncadd.s32 $0xFFFFC000  }
0x23: {  	[hbm4b:s9+s2] =	stream.linear.scatter [tilespmem:s7], [sflag:$0x2], $0x4000, $0x38;
	[tilespmem:$0x4100] =	vst v63  }
0x24: {  	_ =	swait.ge [sflag:s3], $0x4000  }
0x25: {  	[sflag:s3] =	ssyncset.done $0x0  }
0x26: {  	[sflag:s3] =	ssyncadd.s32 $0xFFFFC000  }
0x27: {  	[tilespmem:s7], [sflag:$0x1] =	stream.indirect.gather [hbm4b:s5+s6], $0x80, s6, s6, $0xb8;
	[tilespmem:$0x4100] =	vst v63  }
0x28: {  	_ =	swait.ge [sflag:s8], $0x4000  }
.Ltmp1:
0x29: {  	[sflag:s8] =	ssyncset.done $0x0;
	(pc) =	sbr.rel @p0 .LBB2_1-.Ltmp1, $4  }
0x2a: {  	[sflag:s8] =	ssyncadd.s32 $0xFFFFC000  }
0x2b: {  	[hbm4b:s10+s2] =	stream.linear.scatter [tilespmem:s7], [sflag:$0x2], $0x4000, $0x38;
	[tilespmem:$0x4100] =	vst v63  }
0x2c: {  	_ =	swait.ge [sflag:s3], $0x4000  }
0x2d: {  	[sflag:s3] =	ssyncset.done $0x0  }
.LBB2_2:
0x2e: {  	[sflag:s3] =	ssyncadd.s32 $0xFFFFC000  }
0x2f: {  	_ =	sfence.sel $0x180000  }
0x30: {  	[bflag:$0x0] =	sbarrier.arrive $0xFFFF  }
0x31: {  	p0 =	sne.s32 s0, $0x0;
	_ =	strace $0x90000050  }
0x32: {  	s0 =	sadd.s32 @!p0 $0x100000, s1;
	[bflag:$0x2] =	sbarrier.arrive $0xFFFF  }
0x33: {  	[sflag:s0] =	ssyncadd.tile.s32 @!p0 $0x1;
	_ =	shalt  }
.Lfunc_end2:
_tile_overlayer_lowered:
.L_overlay_start_2:
0x34: {  	(tag) =	ssettag $0x2  }
0x35: {  	s0 =	rddreg [dreg:$0x0];
	s2 =	stileid.u32  }
0x36: {  	s1 =	rddreg [dreg:$0x1];
	p0 =	sne.s32 s2, $0x0  }
0x37: {  	s3 =	rddreg [dreg:$0x2];
	[bflag:$0x3] =	sbarrier.arrive $0xFFFF;
	s2 =	simm.s32 @!p0 $0x1C02  }
0x38: {  	[timem:s3], [sflag:s2] =	dma.local @!p0 [hbm:s0], s1  }
0x39: {  	s0 =	simm.s32 @!p0 $0x2  }
0x3a: {  	_ =	swait.ge @!p0 [sflag:s0], s1  }
0x3b: {  	s1 =	ssub.s32 @!p0 $0x0, s1;
	[sflag:s0] =	ssyncset.done @!p0 $0x0  }
0x3c: {  	[sflag:s0] =	ssyncadd.s32 @!p0 s1  }
0x3d: {  	[bflag:$0x3] =	sbarrier.arrive $0xFFFF  }
0x3e: {  	_ =	shalt  }

</sc_bundles>
